<compile_context>
chip_gen: v7x
topology: tpu7x:2x2x1
jax: 0.10.2.dev20260603
libtpu: 0.0.44.dev20260713+nightly
codegen_flags: <defaults>
</compile_context>

<pallas_src>
import jax
import jax.numpy as jnp
from jax import lax
from jax.experimental import pallas as pl
from jax.experimental.pallas import tpu as pltpu
from jax.experimental.pallas import tpu_sc as plsc

WEIGHT_ROWS = 4096
WEIGHT_COLS = 4096
CODE_DIM = 8
NUM_CODES = 8192
NUM_VECS = (WEIGHT_ROWS * WEIGHT_COLS) // CODE_DIM

NC, NS, L = 2, 16, 16
NW = NC * NS
CH = 16384
CODE_W = CODE_DIM // 2
ROW_W = WEIGHT_COLS // 2
CH_ROWS = CH * CODE_W // ROW_W

N_SPLIT = 2
VECS_PER_CALL = NUM_VECS // N_SPLIT
ROWS_PER_CALL = WEIGHT_ROWS // N_SPLIT


def _make_sc_gather_body(base_vec):
    vecs_per_w = VECS_PER_CALL // NW
    n_chunks = vecs_per_w // CH

    def body(cb_hbm, idx_hbm, out_hbm, cb_v, idx_v, rows_v):
        wid = lax.axis_index("s") * NC + lax.axis_index("c")
        base = base_vec + wid * vecs_per_w
        pltpu.sync_copy(cb_hbm, cb_v)
        lanes_w = lax.iota(jnp.int32, L) * CODE_W

        def chunk(g, carry):
            cbase = base + g * CH
            pltpu.sync_copy(idx_hbm.at[pl.ds(cbase, CH)], idx_v)

            def step(i, carry2):
                idx16 = idx_v[pl.ds(i * L, L)] * CODE_W
                row16 = jnp.full((L,), i // (ROW_W // (L * CODE_W)), jnp.int32)
                colbase = lanes_w + (i % (ROW_W // (L * CODE_W))) * (L * CODE_W)
                for d in range(CODE_W):
                    vals = plsc.load_gather(cb_v, [idx16 + d])
                    plsc.store_scatter(rows_v, [row16, colbase + d], vals)
                return carry2

            lax.fori_loop(0, CH // L, step, 0)
            row0 = pl.multiple_of((cbase - base_vec) // (CH // CH_ROWS), CH_ROWS)
            pltpu.sync_copy(rows_v, out_hbm.at[pl.ds(row0, CH_ROWS)])
            return carry

        lax.fori_loop(0, n_chunks, chunk, 0)

    return body


def _sc_gather(cb_words, indices, base_vec):
    mesh = plsc.VectorSubcoreMesh(core_axis_name="c", subcore_axis_name="s")
    fn = pl.kernel(
        _make_sc_gather_body(base_vec),
        out_type=jax.ShapeDtypeStruct((ROWS_PER_CALL, ROW_W), jnp.int32),
        mesh=mesh,
        scratch_types=[
            pltpu.VMEM((NUM_CODES * CODE_W,), jnp.int32),
            pltpu.VMEM((CH,), jnp.int32),
            pltpu.VMEM((CH_ROWS, ROW_W), jnp.int32),
        ],
        compiler_params=pltpu.CompilerParams(needs_layout_passes=False),
    )
    return fn(cb_words, indices)


BM, BK = 2048, 1024
BKW = BK // 2
BN = ROWS_PER_CALL
_HI_MASK = -65536


def _mm_compute(x_ref, g_ref, s_ref, o_ref):
    k = pl.program_id(1)

    @pl.when(k == 0)
    def _zero():
        o_ref[...] = jnp.zeros_like(o_ref)

    w = g_ref[...]
    g_even = pltpu.bitcast(w << 16, jnp.float32).astype(jnp.bfloat16)
    g_odd = pltpu.bitcast(w & _HI_MASK, jnp.float32).astype(jnp.bfloat16)
    g2 = jnp.concatenate([g_even, g_odd], axis=1)
    o_ref[...] += lax.dot_general(
        x_ref[...], g2, (((1,), (1,)), ((), ())),
        preferred_element_type=jnp.float32,
        precision=lax.Precision.DEFAULT,
    )

    @pl.when(k == pl.num_programs(1) - 1)
    def _scale():
        o_ref[...] *= s_ref[...]


def _mm_body_first(x_ref, g_ref, s_ref, o_ref):
    _mm_compute(x_ref, g_ref, s_ref, o_ref)


def _mm_body_rest(x_ref, g_ref, s_ref, prev_ref, o_ref):
    _mm_compute(x_ref, g_ref, s_ref, o_ref)


def _tc_matmul_part(x, g_words, s_row, prev, col):
    m, kdim = x.shape
    grid = (m // BM, kdim // BK)
    in_specs = [
        pl.BlockSpec((BM, BK), lambda i, k: (i, k)),
        pl.BlockSpec((BN, BKW), lambda i, k: (0, k)),
        pl.BlockSpec((1, BN), lambda i, k: (0, 0)),
    ]
    args = (x, g_words, s_row)
    if prev is None:
        body, aliases = _mm_body_first, {}
    else:
        body, aliases = _mm_body_rest, {3: 0}
        in_specs.append(pl.BlockSpec(memory_space=pl.ANY))
        args = args + (prev,)
    return pl.pallas_call(
        body,
        grid=grid,
        in_specs=in_specs,
        out_specs=pl.BlockSpec((BM, BN), lambda i, k, c=col: (i, c)),
        out_shape=jax.ShapeDtypeStruct((m, WEIGHT_ROWS), jnp.float32),
        input_output_aliases=aliases,
        compiler_params=pltpu.CompilerParams(
            dimension_semantics=("parallel", "arbitrary"),
            vmem_limit_bytes=100 * 1024 * 1024,
        ),
    )(*args)


def kernel(x, indices, codebook, scales):
    cb_words = lax.bitcast_convert_type(
        codebook.astype(jnp.bfloat16).reshape(NUM_CODES, CODE_W, 2), jnp.int32
    ).reshape(-1)
    perm = (
        jnp.arange(WEIGHT_COLS, dtype=jnp.int32)
        .reshape(WEIGHT_COLS // BK, BKW, 2)
        .transpose(0, 2, 1)
        .reshape(-1)
    )
    x_bf = jnp.take(x, perm, axis=1).astype(jnp.bfloat16)
    s_row = scales.reshape(1, WEIGHT_ROWS)
    out = None
    for part in range(N_SPLIT):
        gw = _sc_gather(cb_words, indices, part * VECS_PER_CALL)
        s_part = lax.slice_in_dim(s_row, part * BN, (part + 1) * BN, axis=1)
        out = _tc_matmul_part(x_bf, gw, s_part, out, part)
    return out

# --- scband reference (transcript-rebuilt; emitter-appended) ---
"""Pipeline reference for scband-vqlayer-48352741818963 (READ-ONLY COPY).

The authoritative reference and input builder live on the scoring server;
editing this copy changes nothing except your own understanding.
"""

import jax, jax.numpy as jnp
import numpy as np

WEIGHT_SHAPE = (4096, 4096)
CODE_DIM = 8
NUM_CODES = 8192
NUM_VECTORS = (WEIGHT_SHAPE[0] * WEIGHT_SHAPE[1]) // CODE_DIM
TOKENS = 8192


def setup_inputs(seed: int = 0) -> dict:
    key = jax.random.key(seed)
    k1, k2, k3, k4 = jax.random.split(key, 4)
    x = jax.random.normal(k1, (TOKENS, WEIGHT_SHAPE[1]), dtype=jnp.float32)
    indices = jax.random.randint(k2, (NUM_VECTORS,), 0, NUM_CODES, dtype=jnp.int32)
    codebook = jax.random.normal(k3, (NUM_CODES, CODE_DIM), dtype=jnp.float32) * 0.02
    scales = jax.random.uniform(k4, (WEIGHT_SHAPE[0], 1), dtype=jnp.float32)
    return {"x": x, "indices": indices, "codebook": codebook, "scales": scales}


def reference(x, indices, codebook, scales):
    # VQLayer.weight property: codebook[indices].reshape(weight_shape) * scales
    # (gather from codebook -> SparseCore-friendly jnp.take)
    gathered = jnp.take(codebook, indices, axis=0)  # [NUM_VECTORS, CODE_DIM]
    weight = gathered.reshape(WEIGHT_SHAPE) * scales  # [out, in]
    # apply the dequantized linear weight as the wrapped nn.Linear would: F.linear(x, weight)
    out = x @ weight.T  # [TOKENS, out]
    return out

if __name__ == "__main__":
    import jax
    _d = setup_inputs()
    print(jax.jit(kernel)(*tuple(_d.values())))

</pallas_src>

<mosaic_0001>
#map = affine_map<(d0, d1) -> (0)>
#map1 = affine_map<(d0, d1) -> (0, 0)>
module attributes {stable_mosaic.version = 14 : i64} {
  func.func @body(%arg0: i32, %arg1: i32, %arg2: memref<32768xi32, #tpu.memory_space<hbm>>, %arg3: memref<2097152xi32, #tpu.memory_space<hbm>>, %arg4: memref<2048x2048xi32, #tpu.memory_space<hbm>>, %arg5: memref<32768xi32, #tpu.memory_space<vmem>>, %arg6: memref<16384xi32, #tpu.memory_space<vmem>>, %arg7: memref<32x2048xi32, #tpu.memory_space<vmem>>) attributes {dimension_semantics = [#tpu.dimension_semantics<core_parallel>, #tpu.dimension_semantics<subcore_parallel>], iteration_bounds = array<i64: 2, 16>, scalar_prefetch = 0 : i64, scratch_operands = 3 : i64, tpu.core_type = #tpu.core_type<sc_vector_subcore>, window_params = [{transform_indices = #map}, {transform_indices = #map}, {transform_indices = #map1}]} {
    %mul3A = arith.constant 2 : i32
    %mul3A_0 = arith.muli %arg1, %mul3A : i32
    %add3A = arith.addi %mul3A_0, %arg0 : i32
    %mul3A_1 = arith.constant 32768 : i32
    %mul3A_2 = arith.muli %add3A, %mul3A_1 : i32
    %add3A_3 = arith.constant 0 : i32
    %add3A_4 = arith.addi %add3A_3, %mul3A_2 : i32
    "tpu.region"() ({
      %run_scoped3A = tpu.sem_alloc : memref<!tpu.dma_semaphore, #tpu.memory_space<semaphore_mem>>
      tpu.enqueue_dma source(%arg2 : memref<32768xi32, #tpu.memory_space<hbm>>) target(%arg5 : memref<32768xi32, #tpu.memory_space<vmem>>) target_semaphore(%run_scoped3A : memref<!tpu.dma_semaphore, #tpu.memory_space<semaphore_mem>>)
      tpu.wait_dma2 semaphore(%run_scoped3A : memref<!tpu.dma_semaphore, #tpu.memory_space<semaphore_mem>>) src(%arg2 : memref<32768xi32, #tpu.memory_space<hbm>>) dst(%arg5 : memref<32768xi32, #tpu.memory_space<vmem>>)
      tpu.yield
    }) : () -> ()
    %iota3A = tpu.iota {dimensions = array<i32: 0>} : vector<16xi32>
    %mul3A_5 = arith.constant 4 : i32
    %mul3A_6 = vector.broadcast %mul3A_5 : i32 to vector<16xi32>
    %mul3A_7 = arith.muli %iota3A, %mul3A_6 : vector<16xi32>
    %scan3A = arith.constant 0 : i32
    %scan3A_8 = arith.constant 0 : i32
    %scan3A_9 = arith.constant 2 : i32
    %scan3A_10 = arith.addi %scan3A_8, %scan3A_9 : i32
    %scan3A_11 = arith.constant 1 : i32
    scf.for %scan3A_13 = %scan3A_8 to %scan3A_10 step %scan3A_11  : i32 {
      %mul3A_14 = arith.constant 16384 : i32
      %mul3A_15 = arith.muli %scan3A_13, %mul3A_14 : i32
      %add3A_16 = arith.addi %add3A_4, %mul3A_15 : i32
      "tpu.region"() ({
        %run_scoped3A = tpu.sem_alloc : memref<!tpu.dma_semaphore, #tpu.memory_space<semaphore_mem>>
        %dma_start3A = tpu.memref_slice %arg3[%add3A_16] : memref<2097152xi32, #tpu.memory_space<hbm>> -> memref<16384xi32, #tpu.memory_space<hbm>>
        %dma_start3A_41 = tpu.memref_slice %arg3[%add3A_16] : memref<2097152xi32, #tpu.memory_space<hbm>> -> memref<16384xi32, #tpu.memory_space<hbm>>
        tpu.enqueue_dma source(%dma_start3A_41 : memref<16384xi32, #tpu.memory_space<hbm>>) target(%arg6 : memref<16384xi32, #tpu.memory_space<vmem>>) target_semaphore(%run_scoped3A : memref<!tpu.dma_semaphore, #tpu.memory_space<semaphore_mem>>)
        %dma_wait3A = tpu.memref_slice %arg3[%add3A_16] : memref<2097152xi32, #tpu.memory_space<hbm>> -> memref<16384xi32, #tpu.memory_space<hbm>>
        %dma_wait3A_42 = tpu.memref_slice %arg3[%add3A_16] : memref<2097152xi32, #tpu.memory_space<hbm>> -> memref<16384xi32, #tpu.memory_space<hbm>>
        tpu.wait_dma2 semaphore(%run_scoped3A : memref<!tpu.dma_semaphore, #tpu.memory_space<semaphore_mem>>) src(%dma_wait3A_42 : memref<16384xi32, #tpu.memory_space<hbm>>) dst(%arg6 : memref<16384xi32, #tpu.memory_space<vmem>>)
        tpu.yield
      }) : () -> ()
      %scan3A_17 = arith.constant 0 : i32
      %scan3A_18 = arith.constant 0 : i32
      %scan3A_19 = arith.constant 1024 : i32
      %scan3A_20 = arith.addi %scan3A_18, %scan3A_19 : i32
      %scan3A_21 = arith.constant 1 : i32
      scf.for %scan3A_41 = %scan3A_18 to %scan3A_20 step %scan3A_21  : i32 {
        %mul3A_42 = arith.constant 16 : i32
        %mul3A_43 = arith.muli %scan3A_41, %mul3A_42 : i32
        %get3A = arith.index_cast %mul3A_43 : i32 to index
        %get3A_44 = tpu.vector_load %arg6[%get3A] {strides = array<i32>} : memref<16384xi32, #tpu.memory_space<vmem>>, vector<16xi32>,
        %mul3A_45 = arith.constant 4 : i32
        %mul3A_46 = vector.broadcast %mul3A_45 : i32 to vector<16xi32>
        %mul3A_47 = arith.muli %get3A_44, %mul3A_46 : vector<16xi32>
        %jit3A_48 = arith.constant 32 : i32
        %div3A_49 = arith.divsi %scan3A_41, %jit3A_48 : i32
        %sign3A_50 = arith.constant 0 : i32
        %sign3A_51 = arith.cmpi sgt, %scan3A_41, %sign3A_50 : i32
        %sign3A_52 = arith.extui %sign3A_51 : i1 to i32
        %sign3A_53 = arith.constant 0 : i32
        %sign3A_54 = arith.cmpi slt, %scan3A_41, %sign3A_53 : i32
        %sign3A_55 = arith.extui %sign3A_54 : i1 to i32
        %sign3A_56 = arith.subi %sign3A_52, %sign3A_55 : i32
        %sign3A_57 = arith.constant 0 : i32
        %sign3A_58 = arith.cmpi sgt, %jit3A_48, %sign3A_57 : i32
        %sign3A_59 = arith.extui %sign3A_58 : i1 to i32
        %sign3A_60 = arith.constant 0 : i32
        %sign3A_61 = arith.cmpi slt, %jit3A_48, %sign3A_60 : i32
        %sign3A_62 = arith.extui %sign3A_61 : i1 to i32
        %sign3A_63 = arith.subi %sign3A_59, %sign3A_62 : i32
        %ne3A_64 = arith.cmpi ne, %sign3A_56, %sign3A_63 : i32
        %rem3A_65 = arith.remsi %scan3A_41, %jit3A_48 : i32
        %ne3A_66 = arith.constant 0 : i32
        %ne3A_67 = arith.cmpi ne, %rem3A_65, %ne3A_66 : i32
        %and3A_68 = arith.andi %ne3A_64, %ne3A_67 : i1
        %sub3A_69 = arith.constant 1 : i32
        %sub3A_70 = arith.subi %div3A_49, %sub3A_69 : i32
        %select_n3A_71 = arith.select %and3A_68, %sub3A_70, %div3A_49 : i32
        %broadcast_in_dim3A = vector.broadcast %select_n3A_71 : i32 to vector<16xi32>
        %jit3A_72 = arith.constant 32 : i32
        %eq3A = arith.constant 0 : i32
        %eq3A_73 = arith.cmpi eq, %jit3A_72, %eq3A : i32
        %jit3A_74 = arith.constant 1 : i32
        %select_n3A_75 = arith.select %eq3A_73, %jit3A_74, %jit3A_72 : i32
        %rem3A_76 = arith.remsi %scan3A_41, %select_n3A_75 : i32
        %ne3A_77 = arith.constant 0 : i32
        %ne3A_78 = arith.cmpi ne, %rem3A_76, %ne3A_77 : i32
        %lt3A = arith.constant 0 : i32
        %lt3A_79 = arith.cmpi slt, %rem3A_76, %lt3A : i32
        %lt3A_80 = arith.constant 0 : i32
        %lt3A_81 = arith.cmpi slt, %select_n3A_75, %lt3A_80 : i32
        %ne3A_82 = arith.xori %lt3A_79, %lt3A_81 : i1
        %and3A_83 = arith.andi %ne3A_82, %ne3A_78 : i1
        %add3A_84 = arith.addi %rem3A_76, %select_n3A_75 : i32
        %select_n3A_85 = arith.select %and3A_83, %add3A_84, %rem3A_76 : i32
        %mul3A_86 = arith.constant 64 : i32
        %mul3A_87 = arith.muli %select_n3A_85, %mul3A_86 : i32
        %add3A_88 = vector.broadcast %mul3A_87 : i32 to vector<16xi32>
        %add3A_89 = arith.addi %mul3A_7, %add3A_88 : vector<16xi32>
        %add3A_90 = arith.constant 0 : i32
        %add3A_91 = vector.broadcast %add3A_90 : i32 to vector<16xi32>
        %add3A_92 = arith.addi %mul3A_47, %add3A_91 : vector<16xi32>
        %gather3A = tpu.vector_load_idx %arg5[%add3A_92] : memref<32768xi32, #tpu.memory_space<vmem>>[vector<16xi32>], vector<16xi32>,
        %add3A_93 = arith.constant 0 : i32
        %add3A_94 = vector.broadcast %add3A_93 : i32 to vector<16xi32>
        %add3A_95 = arith.addi %add3A_89, %add3A_94 : vector<16xi32>
        tpu.vector_store_idx %arg7[%broadcast_in_dim3A, %add3A_95], %gather3A : memref<32x2048xi32, #tpu.memory_space<vmem>>[vector<16xi32>, vector<16xi32>], vector<16xi32>,
        %add3A_96 = arith.constant 1 : i32
        %add3A_97 = vector.broadcast %add3A_96 : i32 to vector<16xi32>
        %add3A_98 = arith.addi %mul3A_47, %add3A_97 : vector<16xi32>
        %gather3A_99 = tpu.vector_load_idx %arg5[%add3A_98] : memref<32768xi32, #tpu.memory_space<vmem>>[vector<16xi32>], vector<16xi32>,
        %add3A_100 = arith.constant 1 : i32
        %add3A_101 = vector.broadcast %add3A_100 : i32 to vector<16xi32>
        %add3A_102 = arith.addi %add3A_89, %add3A_101 : vector<16xi32>
        tpu.vector_store_idx %arg7[%broadcast_in_dim3A, %add3A_102], %gather3A_99 : memref<32x2048xi32, #tpu.memory_space<vmem>>[vector<16xi32>, vector<16xi32>], vector<16xi32>,
        %add3A_103 = arith.constant 2 : i32
        %add3A_104 = vector.broadcast %add3A_103 : i32 to vector<16xi32>
        %add3A_105 = arith.addi %mul3A_47, %add3A_104 : vector<16xi32>
        %gather3A_106 = tpu.vector_load_idx %arg5[%add3A_105] : memref<32768xi32, #tpu.memory_space<vmem>>[vector<16xi32>], vector<16xi32>,
        %add3A_107 = arith.constant 2 : i32
        %add3A_108 = vector.broadcast %add3A_107 : i32 to vector<16xi32>
        %add3A_109 = arith.addi %add3A_89, %add3A_108 : vector<16xi32>
        tpu.vector_store_idx %arg7[%broadcast_in_dim3A, %add3A_109], %gather3A_106 : memref<32x2048xi32, #tpu.memory_space<vmem>>[vector<16xi32>, vector<16xi32>], vector<16xi32>,
        %add3A_110 = arith.constant 3 : i32
        %add3A_111 = vector.broadcast %add3A_110 : i32 to vector<16xi32>
        %add3A_112 = arith.addi %mul3A_47, %add3A_111 : vector<16xi32>
        %gather3A_113 = tpu.vector_load_idx %arg5[%add3A_112] : memref<32768xi32, #tpu.memory_space<vmem>>[vector<16xi32>], vector<16xi32>,
        %add3A_114 = arith.constant 3 : i32
        %add3A_115 = vector.broadcast %add3A_114 : i32 to vector<16xi32>
        %add3A_116 = arith.addi %add3A_89, %add3A_115 : vector<16xi32>
        tpu.vector_store_idx %arg7[%broadcast_in_dim3A, %add3A_116], %gather3A_113 : memref<32x2048xi32, #tpu.memory_space<vmem>>[vector<16xi32>, vector<16xi32>], vector<16xi32>,
      }
      %scan3A_22 = arith.constant 1024 : i32
      %sub3A = arith.constant 0 : i32
      %sub3A_23 = arith.subi %add3A_16, %sub3A : i32
      %jit3A = arith.constant 512 : i32
      %div3A = arith.divsi %sub3A_23, %jit3A : i32
      %sign3A = arith.constant 0 : i32
      %sign3A_24 = arith.cmpi sgt, %sub3A_23, %sign3A : i32
      %sign3A_25 = arith.extui %sign3A_24 : i1 to i32
      %sign3A_26 = arith.constant 0 : i32
      %sign3A_27 = arith.cmpi slt, %sub3A_23, %sign3A_26 : i32
      %sign3A_28 = arith.extui %sign3A_27 : i1 to i32
      %sign3A_29 = arith.subi %sign3A_25, %sign3A_28 : i32
      %sign3A_30 = arith.constant 0 : i32
      %sign3A_31 = arith.cmpi sgt, %jit3A, %sign3A_30 : i32
      %sign3A_32 = arith.extui %sign3A_31 : i1 to i32
      %sign3A_33 = arith.constant 0 : i32
      %sign3A_34 = arith.cmpi slt, %jit3A, %sign3A_33 : i32
      %sign3A_35 = arith.extui %sign3A_34 : i1 to i32
      %sign3A_36 = arith.subi %sign3A_32, %sign3A_35 : i32
      %ne3A = arith.cmpi ne, %sign3A_29, %sign3A_36 : i32
      %rem3A = arith.remsi %sub3A_23, %jit3A : i32
      %ne3A_37 = arith.constant 0 : i32
      %ne3A_38 = arith.cmpi ne, %rem3A, %ne3A_37 : i32
      %and3A = arith.andi %ne3A, %ne3A_38 : i1
      %sub3A_39 = arith.constant 1 : i32
      %sub3A_40 = arith.subi %div3A, %sub3A_39 : i32
      %select_n3A = arith.select %and3A, %sub3A_40, %div3A : i32
      %multiple_of3A = tpu.assume_multiple %select_n3A, 32 : i32
      "tpu.region"() ({
        %run_scoped3A = tpu.sem_alloc : memref<!tpu.dma_semaphore, #tpu.memory_space<semaphore_mem>>
        %dma_start3A = arith.constant 0 : i32
        %dma_start3A_41 = tpu.memref_slice %arg4[%multiple_of3A, %dma_start3A] : memref<2048x2048xi32, #tpu.memory_space<hbm>> -> memref<32x2048xi32, #tpu.memory_space<hbm>>
        %dma_start3A_42 = arith.constant 0 : i32
        %dma_start3A_43 = tpu.memref_slice %arg4[%multiple_of3A, %dma_start3A_42] : memref<2048x2048xi32, #tpu.memory_space<hbm>> -> memref<32x2048xi32, #tpu.memory_space<hbm>>
        tpu.enqueue_dma source(%arg7 : memref<32x2048xi32, #tpu.memory_space<vmem>>) target(%dma_start3A_43 : memref<32x2048xi32, #tpu.memory_space<hbm>>) target_semaphore(%run_scoped3A : memref<!tpu.dma_semaphore, #tpu.memory_space<semaphore_mem>>)
        %dma_wait3A = arith.constant 0 : i32
        %dma_wait3A_44 = tpu.memref_slice %arg4[%multiple_of3A, %dma_wait3A] : memref<2048x2048xi32, #tpu.memory_space<hbm>> -> memref<32x2048xi32, #tpu.memory_space<hbm>>
        %dma_wait3A_45 = arith.constant 0 : i32
        %dma_wait3A_46 = tpu.memref_slice %arg4[%multiple_of3A, %dma_wait3A_45] : memref<2048x2048xi32, #tpu.memory_space<hbm>> -> memref<32x2048xi32, #tpu.memory_space<hbm>>
        tpu.wait_dma2 semaphore(%run_scoped3A : memref<!tpu.dma_semaphore, #tpu.memory_space<semaphore_mem>>) src(%arg7 : memref<32x2048xi32, #tpu.memory_space<vmem>>) dst(%dma_wait3A_46 : memref<32x2048xi32, #tpu.memory_space<hbm>>)
        tpu.yield
      }) : () -> ()
    }
    %scan3A_12 = arith.constant 2 : i32
    return
  }
}

#map = affine_map<(d0, d1) -> (0)>
#map1 = affine_map<(d0, d1) -> (0, 0)>
module attributes {stable_mosaic.version = 14 : i64} {
  func.func @body(%arg0: i32, %arg1: i32, %arg2: memref<32768xi32, #tpu.memory_space<hbm>>, %arg3: memref<2097152xi32, #tpu.memory_space<hbm>>, %arg4: memref<2048x2048xi32, #tpu.memory_space<hbm>>, %arg5: memref<32768xi32, #tpu.memory_space<vmem>>, %arg6: memref<16384xi32, #tpu.memory_space<vmem>>, %arg7: memref<32x2048xi32, #tpu.memory_space<vmem>>) attributes {dimension_semantics = [#tpu.dimension_semantics<core_parallel>, #tpu.dimension_semantics<subcore_parallel>], iteration_bounds = array<i64: 2, 16>, scalar_prefetch = 0 : i64, scratch_operands = 3 : i64, tpu.core_type = #tpu.core_type<sc_vector_subcore>, window_params = [{transform_indices = #map}, {transform_indices = #map}, {transform_indices = #map1}]} {
    %mul3A = arith.constant 2 : i32
    %mul3A_0 = arith.muli %arg1, %mul3A : i32
    %add3A = arith.addi %mul3A_0, %arg0 : i32
    %mul3A_1 = arith.constant 32768 : i32
    %mul3A_2 = arith.muli %add3A, %mul3A_1 : i32
    %add3A_3 = arith.constant 1048576 : i32
    %add3A_4 = arith.addi %add3A_3, %mul3A_2 : i32
    "tpu.region"() ({
      %run_scoped3A = tpu.sem_alloc : memref<!tpu.dma_semaphore, #tpu.memory_space<semaphore_mem>>
      tpu.enqueue_dma source(%arg2 : memref<32768xi32, #tpu.memory_space<hbm>>) target(%arg5 : memref<32768xi32, #tpu.memory_space<vmem>>) target_semaphore(%run_scoped3A : memref<!tpu.dma_semaphore, #tpu.memory_space<semaphore_mem>>)
      tpu.wait_dma2 semaphore(%run_scoped3A : memref<!tpu.dma_semaphore, #tpu.memory_space<semaphore_mem>>) src(%arg2 : memref<32768xi32, #tpu.memory_space<hbm>>) dst(%arg5 : memref<32768xi32, #tpu.memory_space<vmem>>)
      tpu.yield
    }) : () -> ()
    %iota3A = tpu.iota {dimensions = array<i32: 0>} : vector<16xi32>
    %mul3A_5 = arith.constant 4 : i32
    %mul3A_6 = vector.broadcast %mul3A_5 : i32 to vector<16xi32>
    %mul3A_7 = arith.muli %iota3A, %mul3A_6 : vector<16xi32>
    %scan3A = arith.constant 0 : i32
    %scan3A_8 = arith.constant 0 : i32
    %scan3A_9 = arith.constant 2 : i32
    %scan3A_10 = arith.addi %scan3A_8, %scan3A_9 : i32
    %scan3A_11 = arith.constant 1 : i32
    scf.for %scan3A_13 = %scan3A_8 to %scan3A_10 step %scan3A_11  : i32 {
      %mul3A_14 = arith.constant 16384 : i32
      %mul3A_15 = arith.muli %scan3A_13, %mul3A_14 : i32
      %add3A_16 = arith.addi %add3A_4, %mul3A_15 : i32
      "tpu.region"() ({
        %run_scoped3A = tpu.sem_alloc : memref<!tpu.dma_semaphore, #tpu.memory_space<semaphore_mem>>
        %dma_start3A = tpu.memref_slice %arg3[%add3A_16] : memref<2097152xi32, #tpu.memory_space<hbm>> -> memref<16384xi32, #tpu.memory_space<hbm>>
        %dma_start3A_41 = tpu.memref_slice %arg3[%add3A_16] : memref<2097152xi32, #tpu.memory_space<hbm>> -> memref<16384xi32, #tpu.memory_space<hbm>>
        tpu.enqueue_dma source(%dma_start3A_41 : memref<16384xi32, #tpu.memory_space<hbm>>) target(%arg6 : memref<16384xi32, #tpu.memory_space<vmem>>) target_semaphore(%run_scoped3A : memref<!tpu.dma_semaphore, #tpu.memory_space<semaphore_mem>>)
        %dma_wait3A = tpu.memref_slice %arg3[%add3A_16] : memref<2097152xi32, #tpu.memory_space<hbm>> -> memref<16384xi32, #tpu.memory_space<hbm>>
        %dma_wait3A_42 = tpu.memref_slice %arg3[%add3A_16] : memref<2097152xi32, #tpu.memory_space<hbm>> -> memref<16384xi32, #tpu.memory_space<hbm>>
        tpu.wait_dma2 semaphore(%run_scoped3A : memref<!tpu.dma_semaphore, #tpu.memory_space<semaphore_mem>>) src(%dma_wait3A_42 : memref<16384xi32, #tpu.memory_space<hbm>>) dst(%arg6 : memref<16384xi32, #tpu.memory_space<vmem>>)
        tpu.yield
      }) : () -> ()
      %scan3A_17 = arith.constant 0 : i32
      %scan3A_18 = arith.constant 0 : i32
      %scan3A_19 = arith.constant 1024 : i32
      %scan3A_20 = arith.addi %scan3A_18, %scan3A_19 : i32
      %scan3A_21 = arith.constant 1 : i32
      scf.for %scan3A_41 = %scan3A_18 to %scan3A_20 step %scan3A_21  : i32 {
        %mul3A_42 = arith.constant 16 : i32
        %mul3A_43 = arith.muli %scan3A_41, %mul3A_42 : i32
        %get3A = arith.index_cast %mul3A_43 : i32 to index
        %get3A_44 = tpu.vector_load %arg6[%get3A] {strides = array<i32>} : memref<16384xi32, #tpu.memory_space<vmem>>, vector<16xi32>,
        %mul3A_45 = arith.constant 4 : i32
        %mul3A_46 = vector.broadcast %mul3A_45 : i32 to vector<16xi32>
        %mul3A_47 = arith.muli %get3A_44, %mul3A_46 : vector<16xi32>
        %jit3A_48 = arith.constant 32 : i32
        %div3A_49 = arith.divsi %scan3A_41, %jit3A_48 : i32
        %sign3A_50 = arith.constant 0 : i32
        %sign3A_51 = arith.cmpi sgt, %scan3A_41, %sign3A_50 : i32
        %sign3A_52 = arith.extui %sign3A_51 : i1 to i32
        %sign3A_53 = arith.constant 0 : i32
        %sign3A_54 = arith.cmpi slt, %scan3A_41, %sign3A_53 : i32
        %sign3A_55 = arith.extui %sign3A_54 : i1 to i32
        %sign3A_56 = arith.subi %sign3A_52, %sign3A_55 : i32
        %sign3A_57 = arith.constant 0 : i32
        %sign3A_58 = arith.cmpi sgt, %jit3A_48, %sign3A_57 : i32
        %sign3A_59 = arith.extui %sign3A_58 : i1 to i32
        %sign3A_60 = arith.constant 0 : i32
        %sign3A_61 = arith.cmpi slt, %jit3A_48, %sign3A_60 : i32
        %sign3A_62 = arith.extui %sign3A_61 : i1 to i32
        %sign3A_63 = arith.subi %sign3A_59, %sign3A_62 : i32
        %ne3A_64 = arith.cmpi ne, %sign3A_56, %sign3A_63 : i32
        %rem3A_65 = arith.remsi %scan3A_41, %jit3A_48 : i32
        %ne3A_66 = arith.constant 0 : i32
        %ne3A_67 = arith.cmpi ne, %rem3A_65, %ne3A_66 : i32
        %and3A_68 = arith.andi %ne3A_64, %ne3A_67 : i1
        %sub3A_69 = arith.constant 1 : i32
        %sub3A_70 = arith.subi %div3A_49, %sub3A_69 : i32
        %select_n3A_71 = arith.select %and3A_68, %sub3A_70, %div3A_49 : i32
        %broadcast_in_dim3A = vector.broadcast %select_n3A_71 : i32 to vector<16xi32>
        %jit3A_72 = arith.constant 32 : i32
        %eq3A = arith.constant 0 : i32
        %eq3A_73 = arith.cmpi eq, %jit3A_72, %eq3A : i32
        %jit3A_74 = arith.constant 1 : i32
        %select_n3A_75 = arith.select %eq3A_73, %jit3A_74, %jit3A_72 : i32
        %rem3A_76 = arith.remsi %scan3A_41, %select_n3A_75 : i32
        %ne3A_77 = arith.constant 0 : i32
        %ne3A_78 = arith.cmpi ne, %rem3A_76, %ne3A_77 : i32
        %lt3A = arith.constant 0 : i32
        %lt3A_79 = arith.cmpi slt, %rem3A_76, %lt3A : i32
        %lt3A_80 = arith.constant 0 : i32
        %lt3A_81 = arith.cmpi slt, %select_n3A_75, %lt3A_80 : i32
        %ne3A_82 = arith.xori %lt3A_79, %lt3A_81 : i1
        %and3A_83 = arith.andi %ne3A_82, %ne3A_78 : i1
        %add3A_84 = arith.addi %rem3A_76, %select_n3A_75 : i32
        %select_n3A_85 = arith.select %and3A_83, %add3A_84, %rem3A_76 : i32
        %mul3A_86 = arith.constant 64 : i32
        %mul3A_87 = arith.muli %select_n3A_85, %mul3A_86 : i32
        %add3A_88 = vector.broadcast %mul3A_87 : i32 to vector<16xi32>
        %add3A_89 = arith.addi %mul3A_7, %add3A_88 : vector<16xi32>
        %add3A_90 = arith.constant 0 : i32
        %add3A_91 = vector.broadcast %add3A_90 : i32 to vector<16xi32>
        %add3A_92 = arith.addi %mul3A_47, %add3A_91 : vector<16xi32>
        %gather3A = tpu.vector_load_idx %arg5[%add3A_92] : memref<32768xi32, #tpu.memory_space<vmem>>[vector<16xi32>], vector<16xi32>,
        %add3A_93 = arith.constant 0 : i32
        %add3A_94 = vector.broadcast %add3A_93 : i32 to vector<16xi32>
        %add3A_95 = arith.addi %add3A_89, %add3A_94 : vector<16xi32>
        tpu.vector_store_idx %arg7[%broadcast_in_dim3A, %add3A_95], %gather3A : memref<32x2048xi32, #tpu.memory_space<vmem>>[vector<16xi32>, vector<16xi32>], vector<16xi32>,
        %add3A_96 = arith.constant 1 : i32
        %add3A_97 = vector.broadcast %add3A_96 : i32 to vector<16xi32>
        %add3A_98 = arith.addi %mul3A_47, %add3A_97 : vector<16xi32>
        %gather3A_99 = tpu.vector_load_idx %arg5[%add3A_98] : memref<32768xi32, #tpu.memory_space<vmem>>[vector<16xi32>], vector<16xi32>,
        %add3A_100 = arith.constant 1 : i32
        %add3A_101 = vector.broadcast %add3A_100 : i32 to vector<16xi32>
        %add3A_102 = arith.addi %add3A_89, %add3A_101 : vector<16xi32>
        tpu.vector_store_idx %arg7[%broadcast_in_dim3A, %add3A_102], %gather3A_99 : memref<32x2048xi32, #tpu.memory_space<vmem>>[vector<16xi32>, vector<16xi32>], vector<16xi32>,
        %add3A_103 = arith.constant 2 : i32
        %add3A_104 = vector.broadcast %add3A_103 : i32 to vector<16xi32>
        %add3A_105 = arith.addi %mul3A_47, %add3A_104 : vector<16xi32>
        %gather3A_106 = tpu.vector_load_idx %arg5[%add3A_105] : memref<32768xi32, #tpu.memory_space<vmem>>[vector<16xi32>], vector<16xi32>,
        %add3A_107 = arith.constant 2 : i32
        %add3A_108 = vector.broadcast %add3A_107 : i32 to vector<16xi32>
        %add3A_109 = arith.addi %add3A_89, %add3A_108 : vector<16xi32>
        tpu.vector_store_idx %arg7[%broadcast_in_dim3A, %add3A_109], %gather3A_106 : memref<32x2048xi32, #tpu.memory_space<vmem>>[vector<16xi32>, vector<16xi32>], vector<16xi32>,
        %add3A_110 = arith.constant 3 : i32
        %add3A_111 = vector.broadcast %add3A_110 : i32 to vector<16xi32>
        %add3A_112 = arith.addi %mul3A_47, %add3A_111 : vector<16xi32>
        %gather3A_113 = tpu.vector_load_idx %arg5[%add3A_112] : memref<32768xi32, #tpu.memory_space<vmem>>[vector<16xi32>], vector<16xi32>,
        %add3A_114 = arith.constant 3 : i32
        %add3A_115 = vector.broadcast %add3A_114 : i32 to vector<16xi32>
        %add3A_116 = arith.addi %add3A_89, %add3A_115 : vector<16xi32>
        tpu.vector_store_idx %arg7[%broadcast_in_dim3A, %add3A_116], %gather3A_113 : memref<32x2048xi32, #tpu.memory_space<vmem>>[vector<16xi32>, vector<16xi32>], vector<16xi32>,
      }
      %scan3A_22 = arith.constant 1024 : i32
      %sub3A = arith.constant 1048576 : i32
      %sub3A_23 = arith.subi %add3A_16, %sub3A : i32
      %jit3A = arith.constant 512 : i32
      %div3A = arith.divsi %sub3A_23, %jit3A : i32
      %sign3A = arith.constant 0 : i32
      %sign3A_24 = arith.cmpi sgt, %sub3A_23, %sign3A : i32
      %sign3A_25 = arith.extui %sign3A_24 : i1 to i32
      %sign3A_26 = arith.constant 0 : i32
      %sign3A_27 = arith.cmpi slt, %sub3A_23, %sign3A_26 : i32
      %sign3A_28 = arith.extui %sign3A_27 : i1 to i32
      %sign3A_29 = arith.subi %sign3A_25, %sign3A_28 : i32
      %sign3A_30 = arith.constant 0 : i32
      %sign3A_31 = arith.cmpi sgt, %jit3A, %sign3A_30 : i32
      %sign3A_32 = arith.extui %sign3A_31 : i1 to i32
      %sign3A_33 = arith.constant 0 : i32
      %sign3A_34 = arith.cmpi slt, %jit3A, %sign3A_33 : i32
      %sign3A_35 = arith.extui %sign3A_34 : i1 to i32
      %sign3A_36 = arith.subi %sign3A_32, %sign3A_35 : i32
      %ne3A = arith.cmpi ne, %sign3A_29, %sign3A_36 : i32
      %rem3A = arith.remsi %sub3A_23, %jit3A : i32
      %ne3A_37 = arith.constant 0 : i32
      %ne3A_38 = arith.cmpi ne, %rem3A, %ne3A_37 : i32
      %and3A = arith.andi %ne3A, %ne3A_38 : i1
      %sub3A_39 = arith.constant 1 : i32
      %sub3A_40 = arith.subi %div3A, %sub3A_39 : i32
      %select_n3A = arith.select %and3A, %sub3A_40, %div3A : i32
      %multiple_of3A = tpu.assume_multiple %select_n3A, 32 : i32
      "tpu.region"() ({
        %run_scoped3A = tpu.sem_alloc : memref<!tpu.dma_semaphore, #tpu.memory_space<semaphore_mem>>
        %dma_start3A = arith.constant 0 : i32
        %dma_start3A_41 = tpu.memref_slice %arg4[%multiple_of3A, %dma_start3A] : memref<2048x2048xi32, #tpu.memory_space<hbm>> -> memref<32x2048xi32, #tpu.memory_space<hbm>>
        %dma_start3A_42 = arith.constant 0 : i32
        %dma_start3A_43 = tpu.memref_slice %arg4[%multiple_of3A, %dma_start3A_42] : memref<2048x2048xi32, #tpu.memory_space<hbm>> -> memref<32x2048xi32, #tpu.memory_space<hbm>>
        tpu.enqueue_dma source(%arg7 : memref<32x2048xi32, #tpu.memory_space<vmem>>) target(%dma_start3A_43 : memref<32x2048xi32, #tpu.memory_space<hbm>>) target_semaphore(%run_scoped3A : memref<!tpu.dma_semaphore, #tpu.memory_space<semaphore_mem>>)
        %dma_wait3A = arith.constant 0 : i32
        %dma_wait3A_44 = tpu.memref_slice %arg4[%multiple_of3A, %dma_wait3A] : memref<2048x2048xi32, #tpu.memory_space<hbm>> -> memref<32x2048xi32, #tpu.memory_space<hbm>>
        %dma_wait3A_45 = arith.constant 0 : i32
        %dma_wait3A_46 = tpu.memref_slice %arg4[%multiple_of3A, %dma_wait3A_45] : memref<2048x2048xi32, #tpu.memory_space<hbm>> -> memref<32x2048xi32, #tpu.memory_space<hbm>>
        tpu.wait_dma2 semaphore(%run_scoped3A : memref<!tpu.dma_semaphore, #tpu.memory_space<semaphore_mem>>) src(%arg7 : memref<32x2048xi32, #tpu.memory_space<vmem>>) dst(%dma_wait3A_46 : memref<32x2048xi32, #tpu.memory_space<hbm>>)
        tpu.yield
      }) : () -> ()
    }
    %scan3A_12 = arith.constant 2 : i32
    return
  }
}

module attributes {stable_mosaic.version = 14 : i64} {
  func.func @_mm_body_first(%arg0: i32, %arg1: i32, %arg2: memref<2048x1024xbf16, #tpu.memory_space<vmem>>, %arg3: memref<2048x512xi32, #tpu.memory_space<vmem>>, %arg4: memref<1x2048xf32, #tpu.memory_space<vmem>>, %arg5: memref<2048x2048xf32, #tpu.memory_space<vmem>>) attributes {dimension_semantics = [#tpu.dimension_semantics<parallel>, #tpu.dimension_semantics<arbitrary>], iteration_bounds = array<i64: 4, 4>, scalar_prefetch = 0 : i64, scratch_operands = 0 : i64, tpu.core_type = #tpu.core_type<tc>, window_params = [{transform_indices = @transform_0, window_bounds = array<i64: 2048, 1024>}, {transform_indices = @transform_1, window_bounds = array<i64: 2048, 512>}, {pipeline_mode = #tpu.pipeline_mode<synchronous>, transform_indices = @transform_2, window_bounds = array<i64: 1, 2048>}, {transform_indices = @transform_3, window_bounds = array<i64: 2048, 2048>}]} {
    %eq3A = arith.constant 0 : i32
    %eq3A_0 = arith.cmpi eq, %arg1, %eq3A : i32
    %convert_element_type3A = arith.extui %eq3A_0 : i1 to i32
    %cond3A = arith.constant 0 : i32
    %cond3A_1 = arith.cmpi ne, %convert_element_type3A, %cond3A : i32
    scf.if %cond3A_1 {
      %broadcast_in_dim3A = arith.constant 0.000000e+00 : f32
      %broadcast_in_dim3A_25 = vector.broadcast %broadcast_in_dim3A : f32 to vector<2048x2048xf32>
      %swap3A_26 = arith.constant 0 : index
      %swap3A_27 = arith.constant 0 : index
      %swap3A_28 = vector.load %arg5[%swap3A_26, %swap3A_27] : memref<2048x2048xf32, #tpu.memory_space<vmem>>, vector<2048x2048xf32>
      tpu.vector_store %arg5[%swap3A_26, %swap3A_27], %broadcast_in_dim3A_25 {strides = array<i32>} : memref<2048x2048xf32, #tpu.memory_space<vmem>>, vector<2048x2048xf32>,
    } else {
    }
    %get3A = arith.constant 0 : index
    %get3A_2 = arith.constant 0 : index
    %get3A_3 = vector.load %arg3[%get3A, %get3A_2] : memref<2048x512xi32, #tpu.memory_space<vmem>>, vector<2048x512xi32>
    %shift_left3A = arith.constant 16 : i32
    %shift_left3A_4 = vector.broadcast %shift_left3A : i32 to vector<2048x512xi32>
    %shift_left3A_5 = arith.shli %get3A_3, %shift_left3A_4 : vector<2048x512xi32>
    %bitcast3A = tpu.bitcast %shift_left3A_5 : vector<2048x512xi32> -> vector<2048x512xf32>
    %convert_element_type3A_6 = arith.truncf %bitcast3A : vector<2048x512xf32> to vector<2048x512xbf16>
    %and3A = arith.constant -65536 : i32
    %and3A_7 = vector.broadcast %and3A : i32 to vector<2048x512xi32>
    %and3A_8 = arith.andi %get3A_3, %and3A_7 : vector<2048x512xi32>
    %bitcast3A_9 = tpu.bitcast %and3A_8 : vector<2048x512xi32> -> vector<2048x512xf32>
    %convert_element_type3A_10 = arith.truncf %bitcast3A_9 : vector<2048x512xf32> to vector<2048x512xbf16>
    %concatenate3A = tpu.concatenate %convert_element_type3A_6, %convert_element_type3A_10 in 1 : vector<2048x512xbf16>, vector<2048x512xbf16> -> vector<2048x1024xbf16>
    %get3A_11 = arith.constant 0 : index
    %get3A_12 = arith.constant 0 : index
    %get3A_13 = vector.load %arg5[%get3A_11, %get3A_12] : memref<2048x2048xf32, #tpu.memory_space<vmem>>, vector<2048x2048xf32>
    %get3A_14 = arith.constant 0 : index
    %get3A_15 = arith.constant 0 : index
    %get3A_16 = vector.load %arg2[%get3A_14, %get3A_15] : memref<2048x1024xbf16, #tpu.memory_space<vmem>>, vector<2048x1024xbf16>
    %dot_general3A = arith.constant dense<0.000000e+00> : vector<2048x2048xf32>
    %dot_general3A_17 = tpu.matmul %get3A_16, %concatenate3A, %dot_general3A {dimension_numbers = #tpu.dot_dimension_numbers<[1], [1], [0], [0], [0, 0, 1, 0], [], []>, transpose_lhs_hint = false} : vector<2048x1024xbf16>, vector<2048x1024xbf16>, vector<2048x2048xf32> -> vector<2048x2048xf32>
    %add3A = arith.addf %get3A_13, %dot_general3A_17 : vector<2048x2048xf32>
    %swap3A = arith.constant 0 : index
    %swap3A_18 = arith.constant 0 : index
    %swap3A_19 = vector.load %arg5[%swap3A, %swap3A_18] : memref<2048x2048xf32, #tpu.memory_space<vmem>>, vector<2048x2048xf32>
    tpu.vector_store %arg5[%swap3A, %swap3A_18], %add3A {strides = array<i32>} : memref<2048x2048xf32, #tpu.memory_space<vmem>>, vector<2048x2048xf32>,
    %eq3A_20 = arith.constant 3 : i32
    %eq3A_21 = arith.cmpi eq, %arg1, %eq3A_20 : i32
    %convert_element_type3A_22 = arith.extui %eq3A_21 : i1 to i32
    %cond3A_23 = arith.constant 0 : i32
    %cond3A_24 = arith.cmpi ne, %convert_element_type3A_22, %cond3A_23 : i32
    scf.if %cond3A_24 {
      %get3A_25 = arith.constant 0 : index
      %get3A_26 = arith.constant 0 : index
      %get3A_27 = vector.load %arg5[%get3A_25, %get3A_26] : memref<2048x2048xf32, #tpu.memory_space<vmem>>, vector<2048x2048xf32>
      %get3A_28 = arith.constant 0 : index
      %get3A_29 = arith.constant 0 : index
      %get3A_30 = vector.load %arg4[%get3A_28, %get3A_29] : memref<1x2048xf32, #tpu.memory_space<vmem>>, vector<1x2048xf32>
      %mul3A = vector.broadcast %get3A_30 : vector<1x2048xf32> to vector<2048x2048xf32>
      %mul3A_31 = arith.mulf %get3A_27, %mul3A : vector<2048x2048xf32>
      %swap3A_32 = arith.constant 0 : index
      %swap3A_33 = arith.constant 0 : index
      %swap3A_34 = vector.load %arg5[%swap3A_32, %swap3A_33] : memref<2048x2048xf32, #tpu.memory_space<vmem>>, vector<2048x2048xf32>
      tpu.vector_store %arg5[%swap3A_32, %swap3A_33], %mul3A_31 {strides = array<i32>} : memref<2048x2048xf32, #tpu.memory_space<vmem>>, vector<2048x2048xf32>,
    } else {
    }
    return
  }
  func.func @transform_0(%arg0: i32, %arg1: i32) -> (i32, i32) {
    %c0_i32 = arith.constant 0 : i32
    return %arg0, %arg1 : i32, i32
  }
  func.func @transform_1(%arg0: i32, %arg1: i32) -> (i32, i32) {
    %c0_i32 = arith.constant 0 : i32
    %c0_i32_0 = arith.constant 0 : i32
    return %c0_i32, %arg1 : i32, i32
  }
  func.func @transform_2(%arg0: i32, %arg1: i32) -> (i32, i32) {
    %c0_i32 = arith.constant 0 : i32
    %c0_i32_0 = arith.constant 0 : i32
    %c0_i32_1 = arith.constant 0 : i32
    return %c0_i32, %c0_i32_0 : i32, i32
  }
  func.func @transform_3(%arg0: i32, %arg1: i32) -> (i32, i32) {
    %c0_i32 = arith.constant 0 : i32
    %c0_i32_0 = arith.constant 0 : i32
    return %arg0, %c0_i32 : i32, i32
  }
}

module attributes {stable_mosaic.version = 14 : i64} {
  func.func @_mm_body_rest(%arg0: i32, %arg1: i32, %arg2: memref<2048x1024xbf16, #tpu.memory_space<vmem>>, %arg3: memref<2048x512xi32, #tpu.memory_space<vmem>>, %arg4: memref<1x2048xf32, #tpu.memory_space<vmem>>, %arg5: memref<8192x4096xf32, #tpu.memory_space<any>>, %arg6: memref<2048x2048xf32, #tpu.memory_space<vmem>>) attributes {dimension_semantics = [#tpu.dimension_semantics<parallel>, #tpu.dimension_semantics<arbitrary>], iteration_bounds = array<i64: 4, 4>, scalar_prefetch = 0 : i64, scratch_operands = 0 : i64, tpu.core_type = #tpu.core_type<tc>, window_params = [{transform_indices = @transform_0, window_bounds = array<i64: 2048, 1024>}, {transform_indices = @transform_1, window_bounds = array<i64: 2048, 512>}, {pipeline_mode = #tpu.pipeline_mode<synchronous>, transform_indices = @transform_2, window_bounds = array<i64: 1, 2048>}, {}, {transform_indices = @transform_4, window_bounds = array<i64: 2048, 2048>}]} {
    %eq3A = arith.constant 0 : i32
    %eq3A_0 = arith.cmpi eq, %arg1, %eq3A : i32
    %convert_element_type3A = arith.extui %eq3A_0 : i1 to i32
    %cond3A = arith.constant 0 : i32
    %cond3A_1 = arith.cmpi ne, %convert_element_type3A, %cond3A : i32
    scf.if %cond3A_1 {
      %broadcast_in_dim3A = arith.constant 0.000000e+00 : f32
      %broadcast_in_dim3A_25 = vector.broadcast %broadcast_in_dim3A : f32 to vector<2048x2048xf32>
      %swap3A_26 = arith.constant 0 : index
      %swap3A_27 = arith.constant 0 : index
      %swap3A_28 = vector.load %arg6[%swap3A_26, %swap3A_27] : memref<2048x2048xf32, #tpu.memory_space<vmem>>, vector<2048x2048xf32>
      tpu.vector_store %arg6[%swap3A_26, %swap3A_27], %broadcast_in_dim3A_25 {strides = array<i32>} : memref<2048x2048xf32, #tpu.memory_space<vmem>>, vector<2048x2048xf32>,
    } else {
    }
    %get3A = arith.constant 0 : index
    %get3A_2 = arith.constant 0 : index
    %get3A_3 = vector.load %arg3[%get3A, %get3A_2] : memref<2048x512xi32, #tpu.memory_space<vmem>>, vector<2048x512xi32>
    %shift_left3A = arith.constant 16 : i32
    %shift_left3A_4 = vector.broadcast %shift_left3A : i32 to vector<2048x512xi32>
    %shift_left3A_5 = arith.shli %get3A_3, %shift_left3A_4 : vector<2048x512xi32>
    %bitcast3A = tpu.bitcast %shift_left3A_5 : vector<2048x512xi32> -> vector<2048x512xf32>
    %convert_element_type3A_6 = arith.truncf %bitcast3A : vector<2048x512xf32> to vector<2048x512xbf16>
    %and3A = arith.constant -65536 : i32
    %and3A_7 = vector.broadcast %and3A : i32 to vector<2048x512xi32>
    %and3A_8 = arith.andi %get3A_3, %and3A_7 : vector<2048x512xi32>
    %bitcast3A_9 = tpu.bitcast %and3A_8 : vector<2048x512xi32> -> vector<2048x512xf32>
    %convert_element_type3A_10 = arith.truncf %bitcast3A_9 : vector<2048x512xf32> to vector<2048x512xbf16>
    %concatenate3A = tpu.concatenate %convert_element_type3A_6, %convert_element_type3A_10 in 1 : vector<2048x512xbf16>, vector<2048x512xbf16> -> vector<2048x1024xbf16>
    %get3A_11 = arith.constant 0 : index
    %get3A_12 = arith.constant 0 : index
    %get3A_13 = vector.load %arg6[%get3A_11, %get3A_12] : memref<2048x2048xf32, #tpu.memory_space<vmem>>, vector<2048x2048xf32>
    %get3A_14 = arith.constant 0 : index
    %get3A_15 = arith.constant 0 : index
    %get3A_16 = vector.load %arg2[%get3A_14, %get3A_15] : memref<2048x1024xbf16, #tpu.memory_space<vmem>>, vector<2048x1024xbf16>
    %dot_general3A = arith.constant dense<0.000000e+00> : vector<2048x2048xf32>
    %dot_general3A_17 = tpu.matmul %get3A_16, %concatenate3A, %dot_general3A {dimension_numbers = #tpu.dot_dimension_numbers<[1], [1], [0], [0], [0, 0, 1, 0], [], []>, transpose_lhs_hint = false} : vector<2048x1024xbf16>, vector<2048x1024xbf16>, vector<2048x2048xf32> -> vector<2048x2048xf32>
    %add3A = arith.addf %get3A_13, %dot_general3A_17 : vector<2048x2048xf32>
    %swap3A = arith.constant 0 : index
    %swap3A_18 = arith.constant 0 : index
    %swap3A_19 = vector.load %arg6[%swap3A, %swap3A_18] : memref<2048x2048xf32, #tpu.memory_space<vmem>>, vector<2048x2048xf32>
    tpu.vector_store %arg6[%swap3A, %swap3A_18], %add3A {strides = array<i32>} : memref<2048x2048xf32, #tpu.memory_space<vmem>>, vector<2048x2048xf32>,
    %eq3A_20 = arith.constant 3 : i32
    %eq3A_21 = arith.cmpi eq, %arg1, %eq3A_20 : i32
    %convert_element_type3A_22 = arith.extui %eq3A_21 : i1 to i32
    %cond3A_23 = arith.constant 0 : i32
    %cond3A_24 = arith.cmpi ne, %convert_element_type3A_22, %cond3A_23 : i32
    scf.if %cond3A_24 {
      %get3A_25 = arith.constant 0 : index
      %get3A_26 = arith.constant 0 : index
      %get3A_27 = vector.load %arg6[%get3A_25, %get3A_26] : memref<2048x2048xf32, #tpu.memory_space<vmem>>, vector<2048x2048xf32>
      %get3A_28 = arith.constant 0 : index
      %get3A_29 = arith.constant 0 : index
      %get3A_30 = vector.load %arg4[%get3A_28, %get3A_29] : memref<1x2048xf32, #tpu.memory_space<vmem>>, vector<1x2048xf32>
      %mul3A = vector.broadcast %get3A_30 : vector<1x2048xf32> to vector<2048x2048xf32>
      %mul3A_31 = arith.mulf %get3A_27, %mul3A : vector<2048x2048xf32>
      %swap3A_32 = arith.constant 0 : index
      %swap3A_33 = arith.constant 0 : index
      %swap3A_34 = vector.load %arg6[%swap3A_32, %swap3A_33] : memref<2048x2048xf32, #tpu.memory_space<vmem>>, vector<2048x2048xf32>
      tpu.vector_store %arg6[%swap3A_32, %swap3A_33], %mul3A_31 {strides = array<i32>} : memref<2048x2048xf32, #tpu.memory_space<vmem>>, vector<2048x2048xf32>,
    } else {
    }
    return
  }
  func.func @transform_0(%arg0: i32, %arg1: i32) -> (i32, i32) {
    %c0_i32 = arith.constant 0 : i32
    return %arg0, %arg1 : i32, i32
  }
  func.func @transform_1(%arg0: i32, %arg1: i32) -> (i32, i32) {
    %c0_i32 = arith.constant 0 : i32
    %c0_i32_0 = arith.constant 0 : i32
    return %c0_i32, %arg1 : i32, i32
  }
  func.func @transform_2(%arg0: i32, %arg1: i32) -> (i32, i32) {
    %c0_i32 = arith.constant 0 : i32
    %c0_i32_0 = arith.constant 0 : i32
    %c0_i32_1 = arith.constant 0 : i32
    return %c0_i32, %c0_i32_0 : i32, i32
  }
  func.func @transform_4(%arg0: i32, %arg1: i32) -> (i32, i32) {
    %c1_i32 = arith.constant 1 : i32
    %c0_i32 = arith.constant 0 : i32
    return %arg0, %c1_i32 : i32, i32
  }
}

</mosaic_0001>

<sc_bundles>
// kernel: gather_offload_async_start
scs
__scs_entry_jumppad:
0x0: {  	(pc) =	sbr.rel $0x88, $3  }
0x1: {  	(tag) =	ssettag $0x0;
	lr =	simm.s32 $0x1  }
0x2: {  	[smem:$0x3F9D] =	sst lr;
	_ =	strace $0xD0000000  }
0x3: {  	_ = 	snop  }
0x4: {  	_ = 	snop  }
0x5: {  	_ = 	snop  }
0x6: {  	_ = 	snop  }
0x7: {  	_ = 	snop  }
__scs_overlays_trampoline_lowered:
0x8: {  	[smem:$0x3FAC] =	sst s0  }
0x9: {  	[smem:$0x3FAD] =	sst s1  }
0xa: {  	[smem:$0x3FAE] =	sst s2  }
0xb: {  	[smem:$0x3FAF] =	sst s3  }
0xc: {  	[smem:$0x3FB0] =	sst s4  }
0xd: {  	[smem:$0x3FB1] =	sst s5  }
0xe: {  	[smem:$0x3FB2] =	sst s6  }
0xf: {  	[smem:$0x3FB3] =	sst s7  }
0x10: {  	[smem:$0x3FB4] =	sst s8  }
0x11: {  	[smem:$0x3FB5] =	sst s9;
	s0 =	simm.s32 @!p0 $0x0  }
0x12: {  	s1 =	sld [smem:$0x3F9B];
	s0 =	simm.s32 @p0 $0x1  }
0x13: {  	[smem:$0x3FB6] =	sst s0;
	s0 =	simm.s32 @!p1 $0x0  }
0x14: {  	s2 =	sld [smem:$0x3F9A];
	s0 =	simm.s32 @p1 $0x1  }
0x15: {  	[smem:$0x3FB7] =	sst s0;
	s0 =	simm.s32 @!p2 $0x0  }
0x16: {  	s3 =	sld [smem:$0x3FDB];
	s0 =	simm.s32 @p2 $0x1  }
0x17: {  	s4 =	simm.s32 $0x1BF5;
	[smem:$0x3FB9] =	sst s0  }
0x18: {  	s0 =	sld [smem:$0x3F9C];
	_ =	swait.ge [sflag:s4], $0x0  }
0x19: {  	s7 =	sld [smem:$0x3F9D]  }
0x1a: {  	s8 =	sadd.s32 $0xFFFFE003, lr  }
0x1b: {  	s9 =	sadd.s32 $0xFFFFFEF7, lr;
	s5 =	simm.s32 $0xFFFFFFFF;
	p2 =	slt.u32 s8, $0xFFFFF086  }
0x1c: {  	p1 =	slt.u32 s9, $0xF7A;
	s5 =	simm.s32 @!p2 $0x0  }
0x1d: {  	s5 =	simm.s32 @p1 $0x1;
	p0 =	seq.s32 s7, s2  }
0x1e: {  	s7 =	smul.u32 @!p0 $0xF7A, s2;
	p2 =	seq.s32 @!p0 s5, $0x0  }
0x1f: {  	s9 =	smul.u32 $0xF7A, s1;
	s8 =	simm.s32 @!p0 $0x1BF5;
	p2 =	por !p2, p0  }
0x20: {  	[sflag:s8] =	ssyncset.s32 @!p0 $0xFFFFF086;
	s6 =	sadd.s32 @!p0 s3, s7;
	s7 =	simm.s32 @!p0 $0x108  }
0x21: {  	s3 =	sadd.s32 s3, s9;
	s6 =	sadd.s32 @!p0 $0x88, s6;
	s7 =	simm.s32 @p2 $0x1082  }
0x22: {  	[simem:s7], [sflag:s8] =	dma.local @!p0 [hbm:s6], $0xF7A  }
0x23: {  	s9 =	sor.u32 $0xD0000000, s2;
	s6 =	simm.s32 $0x108;
	_ =	swait.ge @!p0 [sflag:s8], $0x0  }
0x24: {  	s3 =	sadd.s32 $0x88, s3;
	s6 =	simm.s32 @!p1 $0x1082;
	[sflag:s4] =	ssyncset.s32 $0xFFFFF086  }
0x25: {  	[simem:s6], [sflag:s4] =	dma.local [hbm:s3], $0xF7A  }
0x26: {  	[smem:$0x3F9D] =	sst s1;
	(tag) =	ssettag s2;
	_ =	strace s9  }
0x27: {  	s1 =	sld [smem:$0x3FAD]  }
0x28: {  	s2 =	sld [smem:$0x3FAE]  }
0x29: {  	s4 =	sld [smem:$0x3FB0]  }
0x2a: {  	p0 =	seq.s32 s5, $0x0;
	s5 =	sld [smem:$0x3FB1]  }
0x2b: {  	s6 =	sld [smem:$0x3FB2]  }
0x2c: {  	s7 =	sld [smem:$0x3FB3]  }
0x2d: {  	s3 =	simm.s32 $0x108;
	s8 =	sld [smem:$0x3FB4]  }
0x2e: {  	s3 =	simm.s32 @!p0 $0x1082;
	s9 =	sld [smem:$0x3FB5]  }
0x2f: {  	lr =	sadd.s32 s0, s3;
	s0 =	sld [smem:$0x3FAC]  }
0x30: {  	s3 =	sld [smem:$0x3FAF]  }
0x31: {  	[smem:$0x3FB8] =	sst s10  }
0x32: {  	s10 =	sld [smem:$0x3FB6];
	_ =	sdelay $0x3  }
0x33: {  	p0 =	seq.s32 s10, $0x1;
	s10 =	sld [smem:$0x3FB8];
	_ =	sdelay $0x3  }
0x34: {  	[smem:$0x3FB8] =	sst s10  }
0x35: {  	s10 =	sld [smem:$0x3FB7];
	_ =	sdelay $0x3  }
0x36: {  	p1 =	seq.s32 s10, $0x1;
	s10 =	sld [smem:$0x3FB8];
	_ =	sdelay $0x3  }
0x37: {  	[smem:$0x3FB8] =	sst s10  }
0x38: {  	s10 =	sld [smem:$0x3FB9]  }
0x39: {  	_ = 	snop;
	(pc) =	sbr.ind lr, $3  }
0x3a: {  	_ = 	snop  }
0x3b: {  	_ = 	snop  }
0x3c: {  	p2 =	seq.s32 s10, $0x1;
	s10 =	sld [smem:$0x3FB8]  }
0x3d: {  	_ =	shalt  }
0x3e: {  	_ =	shalt  }
0x3f: {  	_ =	shalt  }
0x40: {  	_ =	shalt  }
0x41: {  	_ =	shalt  }
0x42: {  	_ =	shalt  }
0x43: {  	_ =	shalt  }
0x44: {  	_ =	shalt  }
0x45: {  	_ =	shalt  }
0x46: {  	_ =	shalt  }
0x47: {  	_ =	shalt  }
0x48: {  	_ =	shalt  }
0x49: {  	_ =	shalt  }
0x4a: {  	_ =	shalt  }
0x4b: {  	_ =	shalt  }
0x4c: {  	_ =	shalt  }
0x4d: {  	_ =	shalt  }
0x4e: {  	_ =	shalt  }
0x4f: {  	_ =	shalt  }
0x50: {  	_ =	shalt  }
0x51: {  	_ =	shalt  }
0x52: {  	_ =	shalt  }
0x53: {  	_ =	shalt  }
0x54: {  	_ =	shalt  }
0x55: {  	_ =	shalt  }
0x56: {  	_ =	shalt  }
0x57: {  	_ =	shalt  }
0x58: {  	_ =	shalt  }
0x59: {  	_ =	shalt  }
0x5a: {  	_ =	shalt  }
0x5b: {  	_ =	shalt  }
0x5c: {  	_ =	shalt  }
0x5d: {  	_ =	shalt  }
0x5e: {  	_ =	shalt  }
0x5f: {  	_ =	shalt  }
0x60: {  	_ =	shalt  }
0x61: {  	_ =	shalt  }
0x62: {  	_ =	shalt  }
0x63: {  	_ =	shalt  }
0x64: {  	_ =	shalt  }
0x65: {  	_ =	shalt  }
0x66: {  	_ =	shalt  }
0x67: {  	_ =	shalt  }
0x68: {  	_ =	shalt  }
0x69: {  	_ =	shalt  }
0x6a: {  	_ =	shalt  }
0x6b: {  	_ =	shalt  }
0x6c: {  	_ =	shalt  }
0x6d: {  	_ =	shalt  }
0x6e: {  	_ =	shalt  }
0x6f: {  	_ =	shalt  }
0x70: {  	_ =	shalt  }
0x71: {  	_ =	shalt  }
0x72: {  	_ =	shalt  }
0x73: {  	_ =	shalt  }
0x74: {  	_ =	shalt  }
0x75: {  	_ =	shalt  }
0x76: {  	_ =	shalt  }
0x77: {  	_ =	shalt  }
0x78: {  	_ =	shalt  }
0x79: {  	_ =	shalt  }
0x7a: {  	_ =	shalt  }
0x7b: {  	_ =	shalt  }
0x7c: {  	_ =	shalt  }
0x7d: {  	_ =	shalt  }
0x7e: {  	_ =	shalt  }
0x7f: {  	_ =	shalt  }
0x80: {  	_ =	shalt  }
0x81: {  	_ =	shalt  }
0x82: {  	_ =	shalt  }
0x83: {  	_ =	shalt  }
0x84: {  	_ =	shalt  }
0x85: {  	_ =	shalt  }
0x86: {  	_ =	shalt  }
0x87: {  	_ =	shalt  }
.Lfunc_end0:
.L_simem_size_0:
called_computation.1_lowered:
.L_overlay_start_0:
0x88: {  	s2 =	sld [smem:$0x3FD9]  }
0x89: {  	s3 =	sld [smem:$0x3FFE];
	_ =	sdelay $0x1  }
0x8a: {  	s1 =	srdreg.scid  }
0x8b: {  	s0 =	sand.u32 $0x1, s1  }
0x8c: {  	s17 =	sshll.u32 s0, $0xA;
	s2 =	sadd.s32 s3, s2  }
0x8d: {  	s2 =	sadd.s32 s2, s17  }
0x8e: {  	[smem:$0x3FC4] =	sst s2  }
0x8f: {  	_ = 	snop  }
0x90: {  	s2 =	sld [smem:$0x3FD0];
	(tm) =	ssettm $0x1  }
0x91: {  	s18 =	sld [smem:$0x3FFB];
	_ =	sdelay $0x3  }
0x92: {  	_ =	strace s18  }
0x93: {  	s3 =	sld [smem:$0x3FFC];
	_ =	sdelay $0x3  }
0x94: {  	_ =	strace s3  }
0x95: {  	s3 =	sld [smem:$0x3FFD];
	_ =	sdelay $0x3  }
0x96: {  	_ =	strace s3  }
0x97: {  	_ =	strace $0x8FFFFFFF  }
0x98: {  	s19 =	sld [smem:$0x3FDB];
	_ =	sdelay $0x1  }
0x99: {  	s4 =	simm.s32 $_scs_section_size  }
0x9a: {  	s5 =	simm.s32 $_size__tile_overlayer_lowered;
	s6 =	simm.s32 $_tile_overlayer_lowered  }
0x9b: {  	s22 =	simm.s32 $0x1BFF;
	s21 =	sshll.u32 s6, $0x1;
	s3 =	sadd.s32 s4, s19  }
0x9c: {  	s7 =	simm.s32 $0x0;
	s20 =	sshll.u32 s5, $0x1;
	s5 =	sadd.s32 s21, s3  }
0x9d: {  	[timem:s7], [sflag:s22] =	dma.local [hbm:s5], s20  }
0x9e: {  	_ =	swait.ge [sflag:s22], s20  }
0x9f: {  	s4 =	ssub.s32 $0x0, s20;
	[sflag:s22] =	ssyncset.done $0x0  }
0xa0: {  	[sflag:s22] =	ssyncadd.s32 s4;
	_ =	sdelay $0x1  }
0xa1: {  	s23 =	simm.s32 $0x1B8B  }
0xa2: {  	_ =	swait.ge [sflag:s23], $0x1  }
0xa3: {  	[sflag:s23] =	ssyncset.done $0x0  }
0xa4: {  	s25 =	simm.s32 $0x1B8E;
	s24 =	sld [smem:$0x3FFE];
	[sflag:s23] =	ssyncadd.s32 $0xFFFFFFFF  }
0xa5: {  	s26 =	simm.s32 $execute0_lowered;
	[smem:$0x3FD2] =	sst s25  }
0xa6: {  	s5 =	sshll.u32 s26, $0x1;
	_ =	strace $0x80000046;
	[dreg:$0x1] =	wrdreg $0xFFFFFFFF  }
0xa7: {  	s28 =	simm.s32 $_size_execute0_lowered;
	s3 =	sadd.s32 s3, s5;
	[dreg:$0x0] =	wrdreg $0x0  }
0xa8: {  	s5 =	sshll.u32 s28, $0x1;
	[dreg:$0x2] =	wrdreg s3  }
0xa9: {  	[dreg:$0x3] =	wrdreg s5  }
0xaa: {  	[dreg:$0x4] =	wrdreg $0xC0  }
0xab: {  	_ =	task [dreg:s7], $0x5FFFF  }
0xac: {  	[dreg:$0x1] =	wrdreg $0xFFFFFFFF  }
0xad: {  	[dreg:$0x0] =	wrdreg $0x60  }
0xae: {  	[dreg:$0x2] =	wrdreg s2  }
0xaf: {  	[dreg:$0x3] =	wrdreg s24  }
0xb0: {  	[dreg:$0x4] =	wrdreg $0x9  }
0xb1: {  	_ =	task.clear_ibuf [dreg:s7], $0x5FFFF;
	_ =	strace $0x90000046  }
0xb2: {  	s29 =	simm.s32 $0x9;
	_ =	strace $0x80000048  }
0xb3: {  	_ =	swait.ge [sflag:s29], $0x1  }
0xb4: {  	[sflag:s29] =	ssyncadd.s32 $0xFFFFFFFF  }
0xb5: {  	_ =	strace $0x90000048  }
0xb6: {  	_ =	sfence  }
0xb7: {  	s30 =	sld [smem:$0x0];
	_ =	sdelay $0x2  }
0xb8: {  	s31 =	sshll.u32 s1, $0xD;
	s1 =	sshrl.u32 s1, $0x2  }
0xb9: {  	s3 =	sand.u32 $0x4000, s31;
	s1 =	sadd.s32 s1, s30  }
0xba: {  	s0 =	sor.u32 s3, s0;
	s1 =	sshll.u32 s1, $0x11  }
0xbb: {  	s0 =	sor.u32 s1, s0  }
0xbc: {  	s0 =	sadd.s32 $0x8F2B, s0  }
0xbd: {  	[sflag:s0] =	ssyncadd.remote.s32 $0x1  }
0xbe: {  	_ =	sfence.sel $0xFFFF  }
0xbf: {  	[dreg:$0x0] =	wrdreg $0xFFFFFFFF;
	(pc) =	sbr.abs _section_cstart, $3  }
0xc0: {  	[dreg:$0x1] =	wrdreg $0xFFFFFFFF  }
0xc1: {  	_ =	task.clear_ibuf [dreg:s7], $0x2FFFF;
	_ =	strace $0x9FFFFFFF  }
0xc2: {  	(tm) =	ssettm $0x7FFFFFFF  }
0xc3: {  	_ =	shalt  }
tec
execute0_lowered:
.L_overlay_start_1:
0x0: {  	(tag) =	ssettag $0x1  }
0x1: {  	s2 =	rddreg [dreg:$0x0]  }
0x2: {  	s4 =	rddreg [dreg:$0x1]  }
0x3: {  	s0 =	rddreg [dreg:$0x2];
	s1 =	srdreg.scid;
	_ =	strace $0x80000047  }
0x4: {  	s7 =	simm.s32 $0x2;
	s9 =	simm.s32 $0x3;
	s13 =	simm.s32 $0x0  }
0x5: {  	p0 =	por $0x0, $0x0;
	s11 =	simm.s32 $0x0;
	s5 =	sshll.u32 s1, $0x4  }
.Ltmp0:
0x6: {  	s1 =	stileid.u32;
	s5 =	sand.u32 $0x10, s5;
	(pc) =	sbr.rel .LBB2_1-.Ltmp0, $4  }
0x7: {  	s10 =	simm.s32 $0x0;
	s6 =	sor.u32 s1, s5;
	s5 =	simm.s32 $0x1  }
0x8: {  	s3 =	sadd.s32 $0x1200, s4;
	s6 =	sshll.u32 s6, $0x7;
	[sflag:s5] =	ssyncpa.u1 $0x0  }
0x9: {  	vm0 =	vmmov $0xf;
	v0 =	vimm.s32 $0x0;
	s4 =	sadd.s32 $0x1400, s4;
	s8 =	sadd.s32 $0x80, s6;
	[sflag:s7] =	ssyncpa.u1 $0x0  }
0xa: {  	v1 =	vimm.s32 $0x1;
	v2 =	vimm.s32 $0x2;
	v3 =	vimm.s32 $0x3;
	s12 =	smov.u32 s6;
	[sflag:s9] =	ssyncpa.u1 $0x0;
	s9 =	simm.s32 $0xFFFF0000  }
.LBB2_10:
0xb: {  	[hbm:s17] =	stream.linear.scatter [tilespmem:s14], [sflag:$0x3], $0x100, $0x38;
	[tilespmem:$0x1800C] =	vst v63  }
.LBB2_11:
0xc: {  	p1 =	slt.u32 s10, $0x3;
	s15 =	sadd.s32 $0x4, s12  }
0xd: {  	s16 =	smov.u32 s6;
	s10 =	sadd.s32 $0x1, s10;
	p2 =	slt.s32 s15, s8  }
0xe: {  	s16 =	smov.u32 @p2 s15;
	p2 =	sne.s32 s10, $0x23  }
.Ltmp1:
0xf: {  	_ = 	snop;
	(pc) =	sbr.rel @!p2 .LBB2_12-.Ltmp1, $4  }
0x10: {  	s14 =	simm.s32 @!p1 $0x3  }
0x11: {  	s13 =	smov.u32 s11;
	_ =	swait.ge @!p1 [sflag:s14], $0x4000  }
0x12: {  	s11 =	smov.u32 s12;
	s9 =	sadd.s32 $0x10000, s9;
	[sflag:s14] =	ssyncset.done @!p1 $0x0  }
0x13: {  	p0 =	por !p0, !p0;
	s12 =	smov.u32 s16;
	[sflag:s14] =	ssyncadd.s32 @!p1 $0xFFFFC000  }
.LBB2_1:
0x14: {  	p1 =	sgt.u32 s10, $0x1F  }
0x15: {  	s14 =	smul.u32 @!p1 $0xAB, s10;
	_ =	sdelay $0x1  }
0x16: {  	s14 =	sshrl.u32 @!p1 s14, $0x9  }
0x17: {  	s14 =	smul.u32 @!p1 $0x3, s14;
	_ =	sdelay $0x1  }
0x18: {  	s14 =	ssub.s32 @!p1 s10, s14  }
0x19: {  	s15 =	sshrl.u32 @!p1 s12, $0x3;
	s14 =	sshll.u32 @!p1 s14, $0x2  }
0x1a: {  	s16 =	sand.u32 @!p1 $0x7, s12;
	s15 =	sadd.s32 @!p1 s3, s15;
	s14 =	sand.u32 @!p1 $0x3C, s14  }
0x1b: {  	[tilespmem:s14], [sflag:$0x1] =	stream.linear.gather @!p1 [hbm4b:s15+s16], $0x4, $0x38;
	[tilespmem:$0x1800C] =	vst v63  }
0x1c: {  	s14 =	sadd.s32 $0xFFFFFFFF, s10  }
0x1d: {  	p1 =	sgt.u32 s14, $0x1F  }
.Ltmp2:
0x1e: {  	_ = 	snop;
	(pc) =	sbr.rel @p1 .LBB2_5-.Ltmp2, $1  }
0x1f: {  	_ =	sdelay $0x3  }
0x20: {  	s15 =	smul.u32 $0xAB, s14;
	_ =	sdelay $0x1  }
0x21: {  	s15 =	sshrl.u32 s15, $0x9  }
0x22: {  	s15 =	smul.u32 $0x3, s15;
	_ =	sdelay $0x1  }
0x23: {  	_ =	swait.ge [sflag:s5], $0x4;
	s29 =	ssub.s32 s14, s15  }
0x24: {  	[sflag:s5] =	ssyncset.done $0x0;
	s14 =	sshll.u32 s29, $0x2  }
0x25: {  	[sflag:s5] =	ssyncadd.s32 $0xFFFFFFFC;
	s30 =	sand.u32 $0xFC, s14  }
0x26: {  	v4 =	vld.msk [tilespmem:s30+$0x0 ss:$0x1], $0xf;
	_ =	sdelay $0x4  }
0x27: {  	vm1 =	vgt.s32 v4, $0x0  }
0x28: {  	v4 =	vnsel vm1, $0x0, v4  }
0x29: {  	v4 =	vmin.u32 v4, $0xFFF  }
0x2a: {  	v5 =	vshll.u32 v4, $0x9;
	v6 =	vshll.u32 v4, $0x3  }
0x2b: {  	v7 =	vand.u32 $0x1, v4;
	v4 =	vand.u32 $0x1FF000, v5;
	v5 =	vand.u32 $0x30, v6  }
0x2c: {  	v4 =	vor.u32 v5, v4  }
0x2d: {  	s31 =	sshrl.u32 s9, $0x1  }
0x2e: {  	s14 =	sand.u32 $0x8000, s31  }
0x2f: {  	s14 =	sor.u32 $0xC, s14  }
0x30: {  	s15 =	simm.s32 $0x800;
	s16 =	sadd.s32 $0x0, s14;
	[tilespmem:s30+$0x0] =	vst.msk $0xf, v7  }
.LBB2_3:
0x31: {  	[tilespmem:s16], [sflag:$0x2] =	stream.indirect_vreg.gather [hbm:s2], $0x80, v4, vm0, $0x38;
	[tilespmem:$0x1800C] =	vst v63  }
0x32: {  	v4 =	vadd.s32 $0x40, v4;
	s16 =	smov.u32 s15;
	p1 =	sne.s32 s15, $0x1F800  }
.Ltmp3:
0x33: {  	s15 =	sadd.s32 $0x800, s15;
	(pc) =	sbr.rel @p1 .LBB2_3-.Ltmp3, $3  }
0x34: {  	_ =	sdelay $0x1  }
0x35: {  	s16 =	sshra.s32 s16, $0x2  }
0x36: {  	s16 =	sadd.s32 s16, s14  }
0x37: {  	_ =	sdelay $0x3  }
0x38: {  	[tilespmem:s16], [sflag:$0x2] =	stream.indirect_vreg.gather [hbm:s2], $0x80, v4, vm0, $0x38;
	[tilespmem:$0x1800C] =	vst v63  }
.LBB2_5:
0x39: {  	p1 =	slt.u32 s10, $0x2  }
0x3a: {  	p2 =	seq.s32 @!p1 s10, $0x22  }
0x3b: {  	p1 =	por p1, p2  }
.Ltmp4:
0x3c: {  	_ = 	snop;
	(pc) =	sbr.rel @p1 .LBB2_11-.Ltmp4, $1  }
0x3d: {  	_ =	sdelay $0x3  }
0x3e: {  	s14 =	sadd.s32 $0xFFFFFFFE, s10  }
0x3f: {  	s15 =	smulhi.u32 $0xAAAAAAAB, s14;
	_ =	sdelay $0x1  }
0x40: {  	s15 =	sshrl.u32 s15, $0x1  }
0x41: {  	s15 =	smul.u32 $0x3, s15  }
0x42: {  	_ =	swait.ge [sflag:s7], $0x8000  }
0x43: {  	[sflag:s7] =	ssyncset.done $0x0;
	s14 =	ssub.s32 s14, s15  }
0x44: {  	[sflag:s7] =	ssyncadd.s32 $0xFFFF8000;
	s14 =	sshll.u32 s14, $0x2  }
0x45: {  	v4 =	vld.msk [tilespmem:s14+$0x0 ss:$0x1], $0xf;
	_ =	sdelay $0x2  }
0x46: {  	s31 =	sand.u32 $0x1, s10  }
0x47: {  	s16 =	sshll.u32 s31, $0xF  }
0x48: {  	s16 =	sor.u32 $0xC, s16;
	s15 =	sshll.u32 s31, $0xE;
	s14 =	simm.s32 $0x1;
	v6 =	vshll.u32 v4, $0x4  }
0x49: {  	v8 =	vmov s16;
	s17 =	sor.u32 $0x1000C, s15;
	s14 =	simm.s32 @!p0 $0x0;
	v5 =	vperm.xlane v6, v1;
	v7 =	vperm.xlane v6, v3  }
0x4a: {  	v9 =	vmov s17;
	s14 =	sshll.u32 s14, $0xE;
	v4 =	vperm.xlane v6, v0  }
0x4b: {  	s15 =	simm.s32 $0x0;
	s14 =	sor.u32 $0x1000C, s14;
	v6 =	vperm.xlane v6, v2;
	v5 =	vsub.s32 $0x10, v5;
	v7 =	vsub.s32 $0x10, v7  }
.LBB2_7:
0x4c: {  	s16 =	sshll.u32 s15, $0x9  }
0x4d: {  	s19 =	sand.u32 $0x3FFFFE00, s16  }
0x4e: {  	v10 =	vld.idx.msk [tilespmem:v8+s19+$0x0 ss:$0x1], $0xffff  }
0x4f: {  	v11 =	vld.idx.msk [tilespmem:v8+s19+$0x80 ss:$0x1], $0xffff  }
0x50: {  	v12 =	vld.idx.msk [tilespmem:v8+s19+$0x10 ss:$0x1], $0xffff  }
0x51: {  	v13 =	vld.idx.msk [tilespmem:v8+s19+$0x90 ss:$0x1], $0xffff  }
0x52: {  	v14 =	vld.idx.msk [tilespmem:v8+s19+$0x20 ss:$0x1], $0xffff  }
0x53: {  	v15 =	vld.idx.msk [tilespmem:v8+s19+$0xA0 ss:$0x1], $0xffff  }
0x54: {  	v16 =	vld.idx.msk [tilespmem:v8+s19+$0x30 ss:$0x1], $0xffff  }
0x55: {  	v17 =	vld.idx.msk [tilespmem:v8+s19+$0xB0 ss:$0x1], $0xffff  }
0x56: {  	v18 =	vld.idx.msk [tilespmem:v8+s19+$0x40 ss:$0x1], $0xffff  }
0x57: {  	v19 =	vld.idx.msk [tilespmem:v8+s19+$0xC0 ss:$0x1], $0xffff  }
0x58: {  	v34 =	vld.idx.msk [tilespmem:v8+s19+$0x50 ss:$0x1], $0xffff  }
0x59: {  	v37 =	vld.idx.msk [tilespmem:v8+s19+$0xD0 ss:$0x1], $0xffff  }
0x5a: {  	v39 =	vld.idx.msk [tilespmem:v8+s19+$0x60 ss:$0x1], $0xffff  }
0x5b: {  	s17 =	sor.u32 $0x1, s15;
	v41 =	vld.idx.msk [tilespmem:v8+s19+$0xE0 ss:$0x1], $0xffff  }
0x5c: {  	s18 =	sshll.u32 s17, $0x9;
	v44 =	vld.idx.msk [tilespmem:v8+s19+$0x70 ss:$0x1], $0xffff  }
0x5d: {  	v46 =	vld.idx.msk [tilespmem:v8+s19+$0xF0 ss:$0x1], $0xffff;
	s18 =	sand.u32 $0x3FFFFE00, s18;
	v10 =	vshrl.u32 v10, v4;
	v11 =	vshll.u32 v11, v5  }
0x5e: {  	s28 =	sshll.u32 s15, $0x8;
	v48 =	vld.idx.msk [tilespmem:v8+s18+$0x0 ss:$0x1], $0xffff;
	v10 =	vand.u32 $0xFFFF, v10;
	v11 =	vand.u32 $0xFFFF0000, v11  }
0x5f: {  	s16 =	sand.u32 $0x3FFFFF00, s28;
	v50 =	vld.idx.msk [tilespmem:v8+s18+$0x80 ss:$0x1], $0xffff;
	v24 =	vshll.u32 v13, v5;
	v10 =	vor.u32 v10, v11;
	v11 =	vshrl.u32 v12, v4  }
0x60: {  	v47 =	vshrl.u32 v34, v4;
	v34 =	vld.idx.msk [tilespmem:v8+s18+$0xC0 ss:$0x1], $0xffff;
	[tilespmem:v9+s16+$0x0 ss:$0x1] =	vst.idx.msk $0xffff, v10;
	v10 =	vand.u32 $0xFFFF, v11;
	v11 =	vand.u32 $0xFFFF0000, v24  }
0x61: {  	v26 =	vshll.u32 v15, v5;
	v25 =	vld.idx.msk [tilespmem:v8+s19+$0x100 ss:$0x1], $0xffff;
	v10 =	vor.u32 v10, v11;
	v11 =	vshrl.u32 v14, v4  }
0x62: {  	v27 =	vld.idx.msk [tilespmem:v8+s19+$0x180 ss:$0x1], $0xffff;
	[tilespmem:v9+s16+$0x10 ss:$0x1] =	vst.idx.msk $0xffff, v10;
	v10 =	vand.u32 $0xFFFF, v11;
	v11 =	vand.u32 $0xFFFF0000, v26  }
0x63: {  	v28 =	vld.idx.msk [tilespmem:v8+s19+$0x110 ss:$0x1], $0xffff;
	v10 =	vor.u32 v10, v11  }
0x64: {  	v29 =	vshll.u32 v17, v5;
	v11 =	vshrl.u32 v16, v4;
	v30 =	vld.idx.msk [tilespmem:v8+s19+$0x190 ss:$0x1], $0xffff;
	[tilespmem:v9+s16+$0x20 ss:$0x1] =	vst.idx.msk $0xffff, v10  }
0x65: {  	v10 =	vand.u32 $0xFFFF, v11;
	v11 =	vand.u32 $0xFFFF0000, v29;
	v31 =	vld.idx.msk [tilespmem:v8+s19+$0x120 ss:$0x1], $0xffff  }
0x66: {  	v10 =	vor.u32 v10, v11;
	v11 =	vld.idx.msk [tilespmem:v8+s19+$0x1A0 ss:$0x1], $0xffff  }
0x67: {  	v29 =	vld.idx.msk [tilespmem:v8+s18+$0x20 ss:$0x1], $0xffff  }
0x68: {  	[tilespmem:v9+s16+$0x30 ss:$0x1] =	vst.idx.msk $0xffff, v10;
	v12 =	vshrl.u32 v25, v6;
	v14 =	vshll.u32 v27, v7;
	v27 =	vld.idx.msk [tilespmem:v8+s18+$0x10 ss:$0x1], $0xffff  }
0x69: {  	v43 =	vshll.u32 v19, v5;
	v10 =	vld.idx.msk [tilespmem:v8+s19+$0x130 ss:$0x1], $0xffff;
	v12 =	vand.u32 $0xFFFF, v12;
	v14 =	vand.u32 $0xFFFF0000, v14  }
0x6a: {  	v42 =	vshrl.u32 v18, v4;
	v45 =	vand.u32 $0xFFFF0000, v43;
	v32 =	vld.idx.msk [tilespmem:v8+s19+$0x1B0 ss:$0x1], $0xffff;
	v12 =	vor.u32 v12, v14  }
0x6b: {  	v13 =	vshrl.u32 v28, v6;
	v28 =	vld.idx.msk [tilespmem:v8+s18+$0x90 ss:$0x1], $0xffff;
	v38 =	vshrl.u32 v31, v6;
	v11 =	vshll.u32 v11, v7  }
0x6c: {  	v33 =	vshll.u32 v30, v7;
	v30 =	vld.idx.msk [tilespmem:v8+s18+$0xA0 ss:$0x1], $0xffff;
	v40 =	vand.u32 $0xFFFF, v38;
	v11 =	vand.u32 $0xFFFF0000, v11  }
0x6d: {  	v14 =	vshll.u32 v37, v5;
	v36 =	vand.u32 $0xFFFF0000, v33;
	v33 =	vld.idx.msk [tilespmem:v8+s18+$0x40 ss:$0x1], $0xffff;
	v11 =	vor.u32 v40, v11  }
0x6e: {  	v49 =	vand.u32 $0xFFFF0000, v14;
	v14 =	vshll.u32 v50, v5;
	v50 =	vld.idx.msk [tilespmem:v8+s18+$0xE0 ss:$0x1], $0xffff;
	[tilespmem:v9+s16+$0xA0 ss:$0x1] =	vst.idx.msk $0xffff, v11;
	v11 =	vand.u32 $0xFFFF, v42  }
0x6f: {  	[tilespmem:v9+s16+$0x80 ss:$0x1] =	vst.idx.msk $0xffff, v12;
	v35 =	vand.u32 $0xFFFF, v13;
	v31 =	vld.idx.msk [tilespmem:v8+s18+$0x30 ss:$0x1], $0xffff;
	v11 =	vor.u32 v11, v45  }
0x70: {  	v12 =	vor.u32 v35, v36;
	v35 =	vld.idx.msk [tilespmem:v8+s18+$0x50 ss:$0x1], $0xffff;
	[tilespmem:v9+s16+$0x40 ss:$0x1] =	vst.idx.msk $0xffff, v11;
	v11 =	vand.u32 $0xFFFF, v47  }
0x71: {  	v51 =	vshrl.u32 v39, v4;
	v13 =	vshll.u32 v41, v5;
	v36 =	vld.idx.msk [tilespmem:v8+s18+$0xD0 ss:$0x1], $0xffff;
	v11 =	vor.u32 v11, v49  }
0x72: {  	v18 =	vshll.u32 v46, v5;
	v53 =	vand.u32 $0xFFFF0000, v13;
	v20 =	vld.idx.msk [tilespmem:v8+s19+$0x140 ss:$0x1], $0xffff;
	[tilespmem:v9+s16+$0x50 ss:$0x1] =	vst.idx.msk $0xffff, v11;
	v11 =	vand.u32 $0xFFFF, v51  }
0x73: {  	v55 =	vshrl.u32 v44, v4;
	v57 =	vand.u32 $0xFFFF0000, v18;
	v52 =	vld.idx.msk [tilespmem:v8+s19+$0x1C0 ss:$0x1], $0xffff;
	v11 =	vor.u32 v11, v53  }
0x74: {  	v59 =	vshrl.u32 v48, v4;
	v61 =	vand.u32 $0xFFFF0000, v14;
	v54 =	vld.idx.msk [tilespmem:v8+s19+$0x150 ss:$0x1], $0xffff;
	[tilespmem:v9+s16+$0x60 ss:$0x1] =	vst.idx.msk $0xffff, v11;
	v11 =	vand.u32 $0xFFFF, v55  }
0x75: {  	v10 =	vshrl.u32 v10, v6;
	v62 =	vshll.u32 v32, v7;
	v56 =	vld.idx.msk [tilespmem:v8+s19+$0x1D0 ss:$0x1], $0xffff;
	v11 =	vor.u32 v11, v57  }
0x76: {  	s17 =	sshll.u32 s17, $0x8;
	v10 =	vand.u32 $0xFFFF, v10;
	v21 =	vand.u32 $0xFFFF0000, v62;
	v58 =	vld.idx.msk [tilespmem:v8+s19+$0x160 ss:$0x1], $0xffff;
	[tilespmem:v9+s16+$0x70 ss:$0x1] =	vst.idx.msk $0xffff, v11;
	v11 =	vand.u32 $0xFFFF, v59  }
0x77: {  	s17 =	sand.u32 $0x3FFFFF00, s17;
	[tilespmem:v9+s16+$0x90 ss:$0x1] =	vst.idx.msk $0xffff, v12;
	v10 =	vor.u32 v10, v21;
	v60 =	vld.idx.msk [tilespmem:v8+s19+$0x1E0 ss:$0x1], $0xffff;
	v11 =	vor.u32 v11, v61  }
0x78: {  	v23 =	vshll.u32 v52, v7;
	v63 =	vld.idx.msk [tilespmem:v8+s19+$0x170 ss:$0x1], $0xffff;
	[tilespmem:v9+s17+$0x0 ss:$0x1] =	vst.idx.msk $0xffff, v11;
	v11 =	vshrl.u32 v20, v6  }
0x79: {  	[tilespmem:v9+s16+$0xB0 ss:$0x1] =	vst.idx.msk $0xffff, v10;
	v22 =	vld.idx.msk [tilespmem:v8+s19+$0x1F0 ss:$0x1], $0xffff;
	v10 =	vand.u32 $0xFFFF, v11;
	v11 =	vand.u32 $0xFFFF0000, v23  }
0x7a: {  	v32 =	vld.idx.msk [tilespmem:v8+s18+$0xB0 ss:$0x1], $0xffff;
	v26 =	vshll.u32 v56, v7;
	v10 =	vor.u32 v10, v11;
	v11 =	vshrl.u32 v54, v6  }
0x7b: {  	s29 =	sor.u32 $0x2, s15;
	v49 =	vld.idx.msk [tilespmem:v8+s18+$0x60 ss:$0x1], $0xffff;
	[tilespmem:v9+s16+$0xC0 ss:$0x1] =	vst.idx.msk $0xffff, v10;
	v10 =	vand.u32 $0xFFFF, v11;
	v11 =	vand.u32 $0xFFFF0000, v26  }
0x7c: {  	s30 =	sshll.u32 s29, $0x9;
	v53 =	vld.idx.msk [tilespmem:v8+s18+$0xF0 ss:$0x1], $0xffff;
	v16 =	vshll.u32 v60, v7;
	v10 =	vor.u32 v10, v11;
	v11 =	vshrl.u32 v58, v6  }
0x7d: {  	v52 =	vld.idx.msk [tilespmem:v8+s18+$0x70 ss:$0x1], $0xffff;
	s19 =	sand.u32 $0x3FFFFE00, s30;
	[tilespmem:v9+s16+$0xD0 ss:$0x1] =	vst.idx.msk $0xffff, v10;
	v10 =	vand.u32 $0xFFFF, v11;
	v11 =	vand.u32 $0xFFFF0000, v16  }
0x7e: {  	v55 =	vld.idx.msk [tilespmem:v8+s19+$0x80 ss:$0x1], $0xffff;
	v14 =	vshll.u32 v22, v7;
	v10 =	vor.u32 v10, v11;
	v11 =	vshrl.u32 v63, v6  }
0x7f: {  	v56 =	vld.idx.msk [tilespmem:v8+s19+$0x10 ss:$0x1], $0xffff;
	[tilespmem:v9+s16+$0xE0 ss:$0x1] =	vst.idx.msk $0xffff, v10;
	v10 =	vand.u32 $0xFFFF, v11;
	v11 =	vand.u32 $0xFFFF0000, v14  }
0x80: {  	v13 =	vshll.u32 v28, v5;
	v24 =	vld.idx.msk [tilespmem:v8+s18+$0x100 ss:$0x1], $0xffff;
	v10 =	vor.u32 v10, v11;
	v11 =	vshrl.u32 v27, v4  }
0x81: {  	v57 =	vld.idx.msk [tilespmem:v8+s19+$0x90 ss:$0x1], $0xffff;
	[tilespmem:v9+s16+$0xF0 ss:$0x1] =	vst.idx.msk $0xffff, v10;
	v10 =	vand.u32 $0xFFFF, v11;
	v11 =	vand.u32 $0xFFFF0000, v13  }
0x82: {  	v25 =	vld.idx.msk [tilespmem:v8+s18+$0x180 ss:$0x1], $0xffff;
	v16 =	vshll.u32 v30, v5;
	v10 =	vor.u32 v10, v11;
	v11 =	vshrl.u32 v29, v4  }
0x83: {  	v59 =	vld.idx.msk [tilespmem:v8+s19+$0xA0 ss:$0x1], $0xffff;
	[tilespmem:v9+s17+$0x10 ss:$0x1] =	vst.idx.msk $0xffff, v10;
	v10 =	vand.u32 $0xFFFF, v11;
	v11 =	vand.u32 $0xFFFF0000, v16  }
0x84: {  	v54 =	vld.idx.msk [tilespmem:v8+s19+$0x0 ss:$0x1], $0xffff;
	v14 =	vshll.u32 v32, v5;
	v10 =	vor.u32 v10, v11;
	v11 =	vshrl.u32 v31, v4  }
0x85: {  	v15 =	vshrl.u32 v24, v6;
	v38 =	vld.idx.msk [tilespmem:v8+s18+$0x190 ss:$0x1], $0xffff;
	[tilespmem:v9+s17+$0x20 ss:$0x1] =	vst.idx.msk $0xffff, v10;
	v10 =	vand.u32 $0xFFFF, v11;
	v11 =	vand.u32 $0xFFFF0000, v14  }
0x86: {  	v13 =	vshll.u32 v34, v5;
	v37 =	vld.idx.msk [tilespmem:v8+s18+$0x110 ss:$0x1], $0xffff;
	v10 =	vor.u32 v10, v11;
	v11 =	vshrl.u32 v33, v4  }
0x87: {  	v12 =	vshll.u32 v25, v7;
	v39 =	vld.idx.msk [tilespmem:v8+s18+$0x120 ss:$0x1], $0xffff;
	[tilespmem:v9+s17+$0x30 ss:$0x1] =	vst.idx.msk $0xffff, v10;
	v10 =	vand.u32 $0xFFFF, v11;
	v11 =	vand.u32 $0xFFFF0000, v13  }
0x88: {  	v16 =	vshll.u32 v36, v5;
	v40 =	vld.idx.msk [tilespmem:v8+s18+$0x1A0 ss:$0x1], $0xffff;
	v10 =	vor.u32 v10, v11;
	v11 =	vshrl.u32 v35, v4  }
0x89: {  	v12 =	vand.u32 $0xFFFF0000, v12;
	v41 =	vld.idx.msk [tilespmem:v8+s18+$0x130 ss:$0x1], $0xffff;
	[tilespmem:v9+s17+$0x40 ss:$0x1] =	vst.idx.msk $0xffff, v10;
	v10 =	vand.u32 $0xFFFF, v11;
	v11 =	vand.u32 $0xFFFF0000, v16  }
0x8a: {  	v42 =	vld.idx.msk [tilespmem:v8+s18+$0x1B0 ss:$0x1], $0xffff;
	v45 =	vshll.u32 v38, v7;
	v10 =	vor.u32 v10, v11;
	v11 =	vand.u32 $0xFFFF, v15  }
0x8b: {  	v43 =	vld.idx.msk [tilespmem:v8+s18+$0x140 ss:$0x1], $0xffff;
	[tilespmem:v9+s17+$0x50 ss:$0x1] =	vst.idx.msk $0xffff, v10;
	v10 =	vor.u32 v11, v12;
	v11 =	vshrl.u32 v37, v6  }
0x8c: {  	v44 =	vld.idx.msk [tilespmem:v8+s18+$0x1C0 ss:$0x1], $0xffff;
	[tilespmem:v9+s17+$0x80 ss:$0x1] =	vst.idx.msk $0xffff, v10;
	v10 =	vand.u32 $0xFFFF, v11;
	v11 =	vand.u32 $0xFFFF0000, v45  }
0x8d: {  	v58 =	vld.idx.msk [tilespmem:v8+s19+$0x20 ss:$0x1], $0xffff;
	v48 =	vshll.u32 v40, v7;
	v10 =	vor.u32 v10, v11;
	v11 =	vshrl.u32 v39, v6  }
0x8e: {  	v30 =	vld.idx.msk [tilespmem:v8+s19+$0x30 ss:$0x1], $0xffff;
	[tilespmem:v9+s17+$0x90 ss:$0x1] =	vst.idx.msk $0xffff, v10;
	v10 =	vand.u32 $0xFFFF, v11;
	v11 =	vand.u32 $0xFFFF0000, v48  }
0x8f: {  	v34 =	vld.idx.msk [tilespmem:v8+s19+$0xC0 ss:$0x1], $0xffff;
	v51 =	vshll.u32 v42, v7;
	v10 =	vor.u32 v10, v11;
	v11 =	vshrl.u32 v41, v6  }
0x90: {  	v36 =	vld.idx.msk [tilespmem:v8+s19+$0xD0 ss:$0x1], $0xffff;
	[tilespmem:v9+s17+$0xA0 ss:$0x1] =	vst.idx.msk $0xffff, v10;
	v10 =	vand.u32 $0xFFFF, v11;
	v11 =	vand.u32 $0xFFFF0000, v51  }
0x91: {  	v31 =	vld.idx.msk [tilespmem:v8+s19+$0xB0 ss:$0x1], $0xffff;
	v15 =	vshll.u32 v44, v7;
	v10 =	vor.u32 v10, v11;
	v11 =	vshrl.u32 v43, v6  }
0x92: {  	v33 =	vld.idx.msk [tilespmem:v8+s19+$0x40 ss:$0x1], $0xffff;
	[tilespmem:v9+s17+$0xB0 ss:$0x1] =	vst.idx.msk $0xffff, v10;
	v10 =	vand.u32 $0xFFFF, v11;
	v11 =	vand.u32 $0xFFFF0000, v15  }
0x93: {  	v14 =	vshll.u32 v50, v5;
	v46 =	vld.idx.msk [tilespmem:v8+s18+$0x150 ss:$0x1], $0xffff;
	v10 =	vor.u32 v10, v11;
	v11 =	vshrl.u32 v49, v4  }
0x94: {  	v35 =	vld.idx.msk [tilespmem:v8+s19+$0x50 ss:$0x1], $0xffff;
	[tilespmem:v9+s17+$0xC0 ss:$0x1] =	vst.idx.msk $0xffff, v10;
	v10 =	vand.u32 $0xFFFF, v11;
	v11 =	vand.u32 $0xFFFF0000, v14  }
0x95: {  	v13 =	vshll.u32 v53, v5;
	v47 =	vld.idx.msk [tilespmem:v8+s18+$0x1D0 ss:$0x1], $0xffff;
	v10 =	vor.u32 v10, v11;
	v11 =	vshrl.u32 v52, v4  }
0x96: {  	v38 =	vld.idx.msk [tilespmem:v8+s19+$0xE0 ss:$0x1], $0xffff;
	[tilespmem:v9+s17+$0x60 ss:$0x1] =	vst.idx.msk $0xffff, v10;
	v10 =	vand.u32 $0xFFFF, v11;
	v11 =	vand.u32 $0xFFFF0000, v13  }
0x97: {  	v37 =	vld.idx.msk [tilespmem:v8+s19+$0x60 ss:$0x1], $0xffff;
	v15 =	vshll.u32 v55, v5;
	v10 =	vor.u32 v10, v11;
	v11 =	vshrl.u32 v54, v4  }
0x98: {  	s16 =	sshll.u32 s29, $0x8;
	v23 =	vshrl.u32 v46, v6;
	v61 =	vld.idx.msk [tilespmem:v8+s18+$0x1E0 ss:$0x1], $0xffff;
	[tilespmem:v9+s17+$0x70 ss:$0x1] =	vst.idx.msk $0xffff, v10;
	v10 =	vand.u32 $0xFFFF, v11;
	v11 =	vand.u32 $0xFFFF0000, v15  }
0x99: {  	s16 =	sand.u32 $0x3FFFFF00, s16;
	v14 =	vshll.u32 v57, v5;
	v60 =	vld.idx.msk [tilespmem:v8+s18+$0x160 ss:$0x1], $0xffff;
	v10 =	vor.u32 v10, v11;
	v11 =	vshrl.u32 v56, v4  }
0x9a: {  	v12 =	vshll.u32 v47, v7;
	v62 =	vld.idx.msk [tilespmem:v8+s18+$0x170 ss:$0x1], $0xffff;
	[tilespmem:v9+s16+$0x0 ss:$0x1] =	vst.idx.msk $0xffff, v10;
	v10 =	vand.u32 $0xFFFF, v11;
	v11 =	vand.u32 $0xFFFF0000, v14  }
0x9b: {  	v13 =	vshll.u32 v59, v5;
	v63 =	vld.idx.msk [tilespmem:v8+s18+$0x1F0 ss:$0x1], $0xffff;
	v10 =	vor.u32 v10, v11;
	v11 =	vshrl.u32 v58, v4  }
0x9c: {  	v12 =	vand.u32 $0xFFFF0000, v12;
	v21 =	vld.idx.msk [tilespmem:v8+s19+$0x100 ss:$0x1], $0xffff;
	[tilespmem:v9+s16+$0x10 ss:$0x1] =	vst.idx.msk $0xffff, v10;
	v10 =	vand.u32 $0xFFFF, v11;
	v11 =	vand.u32 $0xFFFF0000, v13  }
0x9d: {  	v22 =	vld.idx.msk [tilespmem:v8+s19+$0x180 ss:$0x1], $0xffff;
	v26 =	vshll.u32 v61, v7;
	v10 =	vor.u32 v10, v11;
	v11 =	vand.u32 $0xFFFF, v23  }
0x9e: {  	v24 =	vld.idx.msk [tilespmem:v8+s19+$0x110 ss:$0x1], $0xffff;
	[tilespmem:v9+s16+$0x20 ss:$0x1] =	vst.idx.msk $0xffff, v10;
	v10 =	vor.u32 v11, v12;
	v11 =	vshrl.u32 v60, v6  }
0x9f: {  	s31 =	sor.u32 $0x3, s15;
	v25 =	vld.idx.msk [tilespmem:v8+s19+$0x190 ss:$0x1], $0xffff;
	[tilespmem:v9+s17+$0xD0 ss:$0x1] =	vst.idx.msk $0xffff, v10;
	v10 =	vand.u32 $0xFFFF, v11;
	v11 =	vand.u32 $0xFFFF0000, v26  }
0xa0: {  	s20 =	sshll.u32 s31, $0x9;
	v40 =	vld.idx.msk [tilespmem:v8+s19+$0xF0 ss:$0x1], $0xffff;
	v29 =	vshll.u32 v63, v7;
	v10 =	vor.u32 v10, v11;
	v11 =	vshrl.u32 v62, v6  }
0xa1: {  	s21 =	sand.u32 $0x3FFFFE00, s20;
	v39 =	vld.idx.msk [tilespmem:v8+s19+$0x70 ss:$0x1], $0xffff;
	[tilespmem:v9+s17+$0xE0 ss:$0x1] =	vst.idx.msk $0xffff, v10;
	v10 =	vand.u32 $0xFFFF, v11;
	v11 =	vand.u32 $0xFFFF0000, v29  }
0xa2: {  	v55 =	vld.idx.msk [tilespmem:v8+s21+$0x80 ss:$0x1], $0xffff;
	v32 =	vshll.u32 v22, v7;
	v10 =	vor.u32 v10, v11;
	v11 =	vshrl.u32 v21, v6  }
0xa3: {  	v57 =	vld.idx.msk [tilespmem:v8+s21+$0x10 ss:$0x1], $0xffff;
	[tilespmem:v9+s17+$0xF0 ss:$0x1] =	vst.idx.msk $0xffff, v10;
	v10 =	vand.u32 $0xFFFF, v11;
	v11 =	vand.u32 $0xFFFF0000, v32  }
0xa4: {  	v59 =	vld.idx.msk [tilespmem:v8+s21+$0x20 ss:$0x1], $0xffff;
	v13 =	vshll.u32 v25, v7;
	v10 =	vor.u32 v10, v11;
	v11 =	vshrl.u32 v24, v6  }
0xa5: {  	v54 =	vld.idx.msk [tilespmem:v8+s21+$0x0 ss:$0x1], $0xffff;
	[tilespmem:v9+s16+$0x80 ss:$0x1] =	vst.idx.msk $0xffff, v10;
	v10 =	vand.u32 $0xFFFF, v11;
	v11 =	vand.u32 $0xFFFF0000, v13  }
0xa6: {  	v15 =	vshll.u32 v31, v5;
	v27 =	vld.idx.msk [tilespmem:v8+s19+$0x120 ss:$0x1], $0xffff;
	v10 =	vor.u32 v10, v11;
	v11 =	vshrl.u32 v30, v4  }
0xa7: {  	v58 =	vld.idx.msk [tilespmem:v8+s21+$0x90 ss:$0x1], $0xffff;
	[tilespmem:v9+s16+$0x90 ss:$0x1] =	vst.idx.msk $0xffff, v10;
	v10 =	vand.u32 $0xFFFF, v11;
	v11 =	vand.u32 $0xFFFF0000, v15  }
0xa8: {  	v14 =	vshll.u32 v34, v5;
	v28 =	vld.idx.msk [tilespmem:v8+s19+$0x1A0 ss:$0x1], $0xffff;
	v10 =	vor.u32 v10, v11;
	v11 =	vshrl.u32 v33, v4  }
0xa9: {  	v61 =	vld.idx.msk [tilespmem:v8+s21+$0x30 ss:$0x1], $0xffff;
	[tilespmem:v9+s16+$0x30 ss:$0x1] =	vst.idx.msk $0xffff, v10;
	v10 =	vand.u32 $0xFFFF, v11;
	v11 =	vand.u32 $0xFFFF0000, v14  }
0xaa: {  	v60 =	vld.idx.msk [tilespmem:v8+s21+$0xA0 ss:$0x1], $0xffff;
	v13 =	vshll.u32 v36, v5;
	v10 =	vor.u32 v10, v11;
	v11 =	vshrl.u32 v35, v4  }
0xab: {  	v47 =	vshrl.u32 v27, v6;
	v42 =	vld.idx.msk [tilespmem:v8+s19+$0x1B0 ss:$0x1], $0xffff;
	[tilespmem:v9+s16+$0x40 ss:$0x1] =	vst.idx.msk $0xffff, v10;
	v10 =	vand.u32 $0xFFFF, v11;
	v11 =	vand.u32 $0xFFFF0000, v13  }
0xac: {  	v15 =	vshll.u32 v38, v5;
	v41 =	vld.idx.msk [tilespmem:v8+s19+$0x130 ss:$0x1], $0xffff;
	v10 =	vor.u32 v10, v11;
	v11 =	vshrl.u32 v37, v4  }
0xad: {  	v12 =	vshll.u32 v28, v7;
	v43 =	vld.idx.msk [tilespmem:v8+s19+$0x140 ss:$0x1], $0xffff;
	[tilespmem:v9+s16+$0x50 ss:$0x1] =	vst.idx.msk $0xffff, v10;
	v10 =	vand.u32 $0xFFFF, v11;
	v11 =	vand.u32 $0xFFFF0000, v15  }
0xae: {  	v14 =	vshll.u32 v40, v5;
	v44 =	vld.idx.msk [tilespmem:v8+s19+$0x1C0 ss:$0x1], $0xffff;
	v10 =	vor.u32 v10, v11;
	v11 =	vshrl.u32 v39, v4  }
0xaf: {  	v12 =	vand.u32 $0xFFFF0000, v12;
	v45 =	vld.idx.msk [tilespmem:v8+s19+$0x150 ss:$0x1], $0xffff;
	[tilespmem:v9+s16+$0x60 ss:$0x1] =	vst.idx.msk $0xffff, v10;
	v10 =	vand.u32 $0xFFFF, v11;
	v11 =	vand.u32 $0xFFFF0000, v14  }
0xb0: {  	v46 =	vld.idx.msk [tilespmem:v8+s19+$0x1D0 ss:$0x1], $0xffff;
	v50 =	vshll.u32 v42, v7;
	v10 =	vor.u32 v10, v11;
	v11 =	vand.u32 $0xFFFF, v47  }
0xb1: {  	v48 =	vld.idx.msk [tilespmem:v8+s19+$0x160 ss:$0x1], $0xffff;
	[tilespmem:v9+s16+$0x70 ss:$0x1] =	vst.idx.msk $0xffff, v10;
	v10 =	vor.u32 v11, v12;
	v11 =	vshrl.u32 v41, v6  }
0xb2: {  	v49 =	vld.idx.msk [tilespmem:v8+s19+$0x1E0 ss:$0x1], $0xffff;
	[tilespmem:v9+s16+$0xA0 ss:$0x1] =	vst.idx.msk $0xffff, v10;
	v10 =	vand.u32 $0xFFFF, v11;
	v11 =	vand.u32 $0xFFFF0000, v50  }
0xb3: {  	s23 =	sor.u32 $0x4, s15;
	v63 =	vld.idx.msk [tilespmem:v8+s21+$0x40 ss:$0x1], $0xffff;
	v53 =	vshll.u32 v44, v7;
	v10 =	vor.u32 v10, v11;
	v11 =	vshrl.u32 v43, v6  }
0xb4: {  	s24 =	sshll.u32 s23, $0x9;
	v62 =	vld.idx.msk [tilespmem:v8+s21+$0xB0 ss:$0x1], $0xffff;
	s17 =	sshll.u32 s31, $0x8;
	[tilespmem:v9+s16+$0xB0 ss:$0x1] =	vst.idx.msk $0xffff, v10;
	v10 =	vand.u32 $0xFFFF, v11;
	v11 =	vand.u32 $0xFFFF0000, v53  }
0xb5: {  	s22 =	sand.u32 $0x3FFFFF00, s17;
	v24 =	vld.idx.msk [tilespmem:v8+s21+$0xC0 ss:$0x1], $0xffff;
	s17 =	sand.u32 $0x3FFFFE00, s24;
	v56 =	vshll.u32 v46, v7;
	v10 =	vor.u32 v10, v11;
	v11 =	vshrl.u32 v45, v6  }
0xb6: {  	v22 =	vld.idx.msk [tilespmem:v8+s17+$0x30 ss:$0x1], $0xffff;
	[tilespmem:v9+s16+$0xC0 ss:$0x1] =	vst.idx.msk $0xffff, v10;
	v10 =	vand.u32 $0xFFFF, v11;
	v11 =	vand.u32 $0xFFFF0000, v56  }
0xb7: {  	v23 =	vld.idx.msk [tilespmem:v8+s17+$0xB0 ss:$0x1], $0xffff;
	v14 =	vshll.u32 v49, v7;
	v10 =	vor.u32 v10, v11;
	v11 =	vshrl.u32 v48, v6  }
0xb8: {  	v38 =	vld.idx.msk [tilespmem:v8+s21+$0x50 ss:$0x1], $0xffff;
	[tilespmem:v9+s16+$0xD0 ss:$0x1] =	vst.idx.msk $0xffff, v10;
	v10 =	vand.u32 $0xFFFF, v11;
	v11 =	vand.u32 $0xFFFF0000, v14  }
0xb9: {  	v13 =	vshll.u32 v55, v5;
	v51 =	vld.idx.msk [tilespmem:v8+s19+$0x170 ss:$0x1], $0xffff;
	v10 =	vor.u32 v10, v11;
	v11 =	vshrl.u32 v54, v4  }
0xba: {  	v39 =	vld.idx.msk [tilespmem:v8+s21+$0xD0 ss:$0x1], $0xffff;
	[tilespmem:v9+s16+$0xE0 ss:$0x1] =	vst.idx.msk $0xffff, v10;
	v10 =	vand.u32 $0xFFFF, v11;
	v11 =	vand.u32 $0xFFFF0000, v13  }
0xbb: {  	v15 =	vshll.u32 v58, v5;
	v52 =	vld.idx.msk [tilespmem:v8+s19+$0x1F0 ss:$0x1], $0xffff;
	v10 =	vor.u32 v10, v11;
	v11 =	vshrl.u32 v57, v4  }
0xbc: {  	v42 =	vld.idx.msk [tilespmem:v8+s21+$0xE0 ss:$0x1], $0xffff;
	[tilespmem:v9+s22+$0x0 ss:$0x1] =	vst.idx.msk $0xffff, v10;
	v10 =	vand.u32 $0xFFFF, v11;
	v11 =	vand.u32 $0xFFFF0000, v15  }
0xbd: {  	v47 =	vld.idx.msk [tilespmem:v8+s17+$0x10 ss:$0x1], $0xffff;
	v14 =	vshll.u32 v60, v5;
	v10 =	vor.u32 v10, v11;
	v11 =	vshrl.u32 v59, v4  }
0xbe: {  	v31 =	vshrl.u32 v51, v6;
	v26 =	vld.idx.msk [tilespmem:v8+s21+$0x180 ss:$0x1], $0xffff;
	[tilespmem:v9+s22+$0x10 ss:$0x1] =	vst.idx.msk $0xffff, v10;
	v10 =	vand.u32 $0xFFFF, v11;
	v11 =	vand.u32 $0xFFFF0000, v14  }
0xbf: {  	v13 =	vshll.u32 v62, v5;
	v25 =	vld.idx.msk [tilespmem:v8+s21+$0x100 ss:$0x1], $0xffff;
	v10 =	vor.u32 v10, v11;
	v11 =	vshrl.u32 v61, v4  }
0xc0: {  	v12 =	vshll.u32 v52, v7;
	v27 =	vld.idx.msk [tilespmem:v8+s21+$0x110 ss:$0x1], $0xffff;
	[tilespmem:v9+s22+$0x20 ss:$0x1] =	vst.idx.msk $0xffff, v10;
	v10 =	vand.u32 $0xFFFF, v11;
	v11 =	vand.u32 $0xFFFF0000, v13  }
0xc1: {  	v15 =	vshll.u32 v24, v5;
	v28 =	vld.idx.msk [tilespmem:v8+s21+$0x190 ss:$0x1], $0xffff;
	v10 =	vor.u32 v10, v11;
	v11 =	vshrl.u32 v63, v4  }
0xc2: {  	v12 =	vand.u32 $0xFFFF0000, v12;
	v29 =	vld.idx.msk [tilespmem:v8+s21+$0x120 ss:$0x1], $0xffff;
	[tilespmem:v9+s22+$0x30 ss:$0x1] =	vst.idx.msk $0xffff, v10;
	v10 =	vand.u32 $0xFFFF, v11;
	v11 =	vand.u32 $0xFFFF0000, v15  }
0xc3: {  	v30 =	vld.idx.msk [tilespmem:v8+s21+$0x1A0 ss:$0x1], $0xffff;
	v34 =	vshll.u32 v26, v7;
	v10 =	vor.u32 v10, v11;
	v11 =	vand.u32 $0xFFFF, v31  }
0xc4: {  	v32 =	vld.idx.msk [tilespmem:v8+s21+$0x130 ss:$0x1], $0xffff;
	[tilespmem:v9+s22+$0x40 ss:$0x1] =	vst.idx.msk $0xffff, v10;
	v10 =	vor.u32 v11, v12;
	v11 =	vshrl.u32 v25, v6  }
0xc5: {  	v33 =	vld.idx.msk [tilespmem:v8+s21+$0x1B0 ss:$0x1], $0xffff;
	[tilespmem:v9+s16+$0xF0 ss:$0x1] =	vst.idx.msk $0xffff, v10;
	v10 =	vand.u32 $0xFFFF, v11;
	v11 =	vand.u32 $0xFFFF0000, v34  }
0xc6: {  	v41 =	vld.idx.msk [tilespmem:v8+s21+$0x60 ss:$0x1], $0xffff;
	v37 =	vshll.u32 v28, v7;
	v10 =	vor.u32 v10, v11;
	v11 =	vshrl.u32 v27, v6  }
0xc7: {  	v44 =	vld.idx.msk [tilespmem:v8+s21+$0xF0 ss:$0x1], $0xffff;
	[tilespmem:v9+s22+$0x80 ss:$0x1] =	vst.idx.msk $0xffff, v10;
	v10 =	vand.u32 $0xFFFF, v11;
	v11 =	vand.u32 $0xFFFF0000, v37  }
0xc8: {  	v43 =	vld.idx.msk [tilespmem:v8+s21+$0x70 ss:$0x1], $0xffff;
	v40 =	vshll.u32 v30, v7;
	v10 =	vor.u32 v10, v11;
	v11 =	vshrl.u32 v29, v6  }
0xc9: {  	v46 =	vld.idx.msk [tilespmem:v8+s17+$0x80 ss:$0x1], $0xffff;
	[tilespmem:v9+s22+$0x90 ss:$0x1] =	vst.idx.msk $0xffff, v10;
	v10 =	vand.u32 $0xFFFF, v11;
	v11 =	vand.u32 $0xFFFF0000, v40  }
0xca: {  	v45 =	vld.idx.msk [tilespmem:v8+s17+$0x0 ss:$0x1], $0xffff;
	v15 =	vshll.u32 v33, v7;
	v10 =	vor.u32 v10, v11;
	v11 =	vshrl.u32 v32, v6  }
0xcb: {  	v48 =	vld.idx.msk [tilespmem:v8+s17+$0x90 ss:$0x1], $0xffff;
	[tilespmem:v9+s22+$0xA0 ss:$0x1] =	vst.idx.msk $0xffff, v10;
	v10 =	vand.u32 $0xFFFF, v11;
	v11 =	vand.u32 $0xFFFF0000, v15  }
0xcc: {  	v14 =	vshll.u32 v39, v5;
	v35 =	vld.idx.msk [tilespmem:v8+s21+$0x140 ss:$0x1], $0xffff;
	v10 =	vor.u32 v10, v11;
	v11 =	vshrl.u32 v38, v4  }
0xcd: {  	v62 =	vld.idx.msk [tilespmem:v8+s17+$0x20 ss:$0x1], $0xffff;
	[tilespmem:v9+s22+$0xB0 ss:$0x1] =	vst.idx.msk $0xffff, v10;
	v10 =	vand.u32 $0xFFFF, v11;
	v11 =	vand.u32 $0xFFFF0000, v14  }
0xce: {  	v13 =	vshll.u32 v42, v5;
	v36 =	vld.idx.msk [tilespmem:v8+s21+$0x1C0 ss:$0x1], $0xffff;
	v10 =	vor.u32 v10, v11;
	v11 =	vshrl.u32 v41, v4  }
0xcf: {  	v24 =	vld.idx.msk [tilespmem:v8+s17+$0x40 ss:$0x1], $0xffff;
	[tilespmem:v9+s22+$0x50 ss:$0x1] =	vst.idx.msk $0xffff, v10;
	v10 =	vand.u32 $0xFFFF, v11;
	v11 =	vand.u32 $0xFFFF0000, v13  }
0xd0: {  	v63 =	vld.idx.msk [tilespmem:v8+s17+$0xA0 ss:$0x1], $0xffff;
	v15 =	vshll.u32 v44, v5;
	v10 =	vor.u32 v10, v11;
	v11 =	vshrl.u32 v43, v4  }
0xd1: {  	v55 =	vshrl.u32 v35, v6;
	v50 =	vld.idx.msk [tilespmem:v8+s21+$0x1D0 ss:$0x1], $0xffff;
	[tilespmem:v9+s22+$0x60 ss:$0x1] =	vst.idx.msk $0xffff, v10;
	v10 =	vand.u32 $0xFFFF, v11;
	v11 =	vand.u32 $0xFFFF0000, v15  }
0xd2: {  	v14 =	vshll.u32 v46, v5;
	v49 =	vld.idx.msk [tilespmem:v8+s21+$0x150 ss:$0x1], $0xffff;
	v10 =	vor.u32 v10, v11;
	v11 =	vshrl.u32 v45, v4  }
0xd3: {  	s16 =	sshll.u32 s23, $0x8;
	v12 =	vshll.u32 v36, v7;
	v51 =	vld.idx.msk [tilespmem:v8+s21+$0x160 ss:$0x1], $0xffff;
	[tilespmem:v9+s22+$0x70 ss:$0x1] =	vst.idx.msk $0xffff, v10;
	v10 =	vand.u32 $0xFFFF, v11;
	v11 =	vand.u32 $0xFFFF0000, v14  }
0xd4: {  	s16 =	sand.u32 $0x3FFFFF00, s16;
	v13 =	vshll.u32 v48, v5;
	v52 =	vld.idx.msk [tilespmem:v8+s21+$0x1E0 ss:$0x1], $0xffff;
	v10 =	vor.u32 v10, v11;
	v11 =	vshrl.u32 v47, v4  }
0xd5: {  	v12 =	vand.u32 $0xFFFF0000, v12;
	v53 =	vld.idx.msk [tilespmem:v8+s21+$0x170 ss:$0x1], $0xffff;
	[tilespmem:v9+s16+$0x0 ss:$0x1] =	vst.idx.msk $0xffff, v10;
	v10 =	vand.u32 $0xFFFF, v11;
	v11 =	vand.u32 $0xFFFF0000, v13  }
0xd6: {  	v54 =	vld.idx.msk [tilespmem:v8+s21+$0x1F0 ss:$0x1], $0xffff;
	v58 =	vshll.u32 v50, v7;
	v10 =	vor.u32 v10, v11;
	v11 =	vand.u32 $0xFFFF, v55  }
0xd7: {  	v56 =	vld.idx.msk [tilespmem:v8+s17+$0x100 ss:$0x1], $0xffff;
	[tilespmem:v9+s16+$0x10 ss:$0x1] =	vst.idx.msk $0xffff, v10;
	v10 =	vor.u32 v11, v12;
	v11 =	vshrl.u32 v49, v6  }
0xd8: {  	v57 =	vld.idx.msk [tilespmem:v8+s17+$0x180 ss:$0x1], $0xffff;
	[tilespmem:v9+s22+$0xC0 ss:$0x1] =	vst.idx.msk $0xffff, v10;
	v10 =	vand.u32 $0xFFFF, v11;
	v11 =	vand.u32 $0xFFFF0000, v58  }
0xd9: {  	v26 =	vld.idx.msk [tilespmem:v8+s17+$0x50 ss:$0x1], $0xffff;
	v61 =	vshll.u32 v52, v7;
	v10 =	vor.u32 v10, v11;
	v11 =	vshrl.u32 v51, v6  }
0xda: {  	v25 =	vld.idx.msk [tilespmem:v8+s17+$0xC0 ss:$0x1], $0xffff;
	[tilespmem:v9+s22+$0xD0 ss:$0x1] =	vst.idx.msk $0xffff, v10;
	v10 =	vand.u32 $0xFFFF, v11;
	v11 =	vand.u32 $0xFFFF0000, v61  }
0xdb: {  	v28 =	vld.idx.msk [tilespmem:v8+s17+$0x60 ss:$0x1], $0xffff;
	v21 =	vshll.u32 v54, v7;
	v10 =	vor.u32 v10, v11;
	v11 =	vshrl.u32 v53, v6  }
0xdc: {  	v27 =	vld.idx.msk [tilespmem:v8+s17+$0xD0 ss:$0x1], $0xffff;
	[tilespmem:v9+s22+$0xE0 ss:$0x1] =	vst.idx.msk $0xffff, v10;
	v10 =	vand.u32 $0xFFFF, v11;
	v11 =	vand.u32 $0xFFFF0000, v21  }
0xdd: {  	s25 =	sor.u32 $0x5, s15;
	v29 =	vld.idx.msk [tilespmem:v8+s17+$0xE0 ss:$0x1], $0xffff;
	v13 =	vshll.u32 v57, v7;
	v10 =	vor.u32 v10, v11;
	v11 =	vshrl.u32 v56, v6  }
0xde: {  	s26 =	sshll.u32 s25, $0x9;
	v44 =	vld.idx.msk [tilespmem:v8+s17+$0xF0 ss:$0x1], $0xffff;
	[tilespmem:v9+s22+$0xF0 ss:$0x1] =	vst.idx.msk $0xffff, v10;
	v10 =	vand.u32 $0xFFFF, v11;
	v11 =	vand.u32 $0xFFFF0000, v13  }
0xdf: {  	s19 =	sand.u32 $0x3FFFFE00, s26;
	v15 =	vshll.u32 v63, v5;
	v59 =	vld.idx.msk [tilespmem:v8+s17+$0x110 ss:$0x1], $0xffff;
	v10 =	vor.u32 v10, v11;
	v11 =	vshrl.u32 v62, v4  }
0xe0: {  	v46 =	vld.idx.msk [tilespmem:v8+s19+$0x0 ss:$0x1], $0xffff;
	[tilespmem:v9+s16+$0x80 ss:$0x1] =	vst.idx.msk $0xffff, v10;
	v10 =	vand.u32 $0xFFFF, v11;
	v11 =	vand.u32 $0xFFFF0000, v15  }
0xe1: {  	v14 =	vshll.u32 v23, v5;
	v60 =	vld.idx.msk [tilespmem:v8+s17+$0x190 ss:$0x1], $0xffff;
	v10 =	vor.u32 v10, v11;
	v11 =	vshrl.u32 v22, v4  }
0xe2: {  	v48 =	vld.idx.msk [tilespmem:v8+s19+$0x10 ss:$0x1], $0xffff;
	[tilespmem:v9+s16+$0x20 ss:$0x1] =	vst.idx.msk $0xffff, v10;
	v10 =	vand.u32 $0xFFFF, v11;
	v11 =	vand.u32 $0xFFFF0000, v14  }
0xe3: {  	v43 =	vld.idx.msk [tilespmem:v8+s17+$0x70 ss:$0x1], $0xffff;
	v13 =	vshll.u32 v25, v5;
	v10 =	vor.u32 v10, v11;
	v11 =	vshrl.u32 v24, v4  }
0xe4: {  	v36 =	vshrl.u32 v59, v6;
	v31 =	vld.idx.msk [tilespmem:v8+s17+$0x1A0 ss:$0x1], $0xffff;
	[tilespmem:v9+s16+$0x30 ss:$0x1] =	vst.idx.msk $0xffff, v10;
	v10 =	vand.u32 $0xFFFF, v11;
	v11 =	vand.u32 $0xFFFF0000, v13  }
0xe5: {  	v15 =	vshll.u32 v27, v5;
	v30 =	vld.idx.msk [tilespmem:v8+s17+$0x120 ss:$0x1], $0xffff;
	v10 =	vor.u32 v10, v11;
	v11 =	vshrl.u32 v26, v4  }
0xe6: {  	v12 =	vshll.u32 v60, v7;
	v32 =	vld.idx.msk [tilespmem:v8+s17+$0x130 ss:$0x1], $0xffff;
	[tilespmem:v9+s16+$0x40 ss:$0x1] =	vst.idx.msk $0xffff, v10;
	v10 =	vand.u32 $0xFFFF, v11;
	v11 =	vand.u32 $0xFFFF0000, v15  }
0xe7: {  	v14 =	vshll.u32 v29, v5;
	v33 =	vld.idx.msk [tilespmem:v8+s17+$0x1B0 ss:$0x1], $0xffff;
	v10 =	vor.u32 v10, v11;
	v11 =	vshrl.u32 v28, v4  }
0xe8: {  	v12 =	vand.u32 $0xFFFF0000, v12;
	v34 =	vld.idx.msk [tilespmem:v8+s17+$0x140 ss:$0x1], $0xffff;
	[tilespmem:v9+s16+$0x50 ss:$0x1] =	vst.idx.msk $0xffff, v10;
	v10 =	vand.u32 $0xFFFF, v11;
	v11 =	vand.u32 $0xFFFF0000, v14  }
0xe9: {  	v35 =	vld.idx.msk [tilespmem:v8+s17+$0x1C0 ss:$0x1], $0xffff;
	v39 =	vshll.u32 v31, v7;
	v10 =	vor.u32 v10, v11;
	v11 =	vand.u32 $0xFFFF, v36  }
0xea: {  	v37 =	vld.idx.msk [tilespmem:v8+s17+$0x150 ss:$0x1], $0xffff;
	[tilespmem:v9+s16+$0x60 ss:$0x1] =	vst.idx.msk $0xffff, v10;
	v10 =	vor.u32 v11, v12;
	v11 =	vshrl.u32 v30, v6  }
0xeb: {  	v38 =	vld.idx.msk [tilespmem:v8+s17+$0x1D0 ss:$0x1], $0xffff;
	[tilespmem:v9+s16+$0x90 ss:$0x1] =	vst.idx.msk $0xffff, v10;
	v10 =	vand.u32 $0xFFFF, v11;
	v11 =	vand.u32 $0xFFFF0000, v39  }
0xec: {  	v47 =	vld.idx.msk [tilespmem:v8+s19+$0x80 ss:$0x1], $0xffff;
	v42 =	vshll.u32 v33, v7;
	v10 =	vor.u32 v10, v11;
	v11 =	vshrl.u32 v32, v6  }
0xed: {  	v50 =	vld.idx.msk [tilespmem:v8+s19+$0x20 ss:$0x1], $0xffff;
	[tilespmem:v9+s16+$0xA0 ss:$0x1] =	vst.idx.msk $0xffff, v10;
	v10 =	vand.u32 $0xFFFF, v11;
	v11 =	vand.u32 $0xFFFF0000, v42  }
0xee: {  	v49 =	vld.idx.msk [tilespmem:v8+s19+$0x90 ss:$0x1], $0xffff;
	v45 =	vshll.u32 v35, v7;
	v10 =	vor.u32 v10, v11;
	v11 =	vshrl.u32 v34, v6  }
0xef: {  	v52 =	vld.idx.msk [tilespmem:v8+s19+$0x30 ss:$0x1], $0xffff;
	[tilespmem:v9+s16+$0xB0 ss:$0x1] =	vst.idx.msk $0xffff, v10;
	v10 =	vand.u32 $0xFFFF, v11;
	v11 =	vand.u32 $0xFFFF0000, v45  }
0xf0: {  	v27 =	vld.idx.msk [tilespmem:v8+s19+$0xC0 ss:$0x1], $0xffff;
	v14 =	vshll.u32 v38, v7;
	v10 =	vor.u32 v10, v11;
	v11 =	vshrl.u32 v37, v6  }
0xf1: {  	v51 =	vld.idx.msk [tilespmem:v8+s19+$0xA0 ss:$0x1], $0xffff;
	[tilespmem:v9+s16+$0xC0 ss:$0x1] =	vst.idx.msk $0xffff, v10;
	v10 =	vand.u32 $0xFFFF, v11;
	v11 =	vand.u32 $0xFFFF0000, v14  }
0xf2: {  	v25 =	vld.idx.msk [tilespmem:v8+s19+$0x40 ss:$0x1], $0xffff;
	v13 =	vshll.u32 v44, v5;
	v10 =	vor.u32 v10, v11;
	v11 =	vshrl.u32 v43, v4  }
0xf3: {  	v53 =	vld.idx.msk [tilespmem:v8+s19+$0xB0 ss:$0x1], $0xffff;
	[tilespmem:v9+s16+$0xD0 ss:$0x1] =	vst.idx.msk $0xffff, v10;
	v10 =	vand.u32 $0xFFFF, v11;
	v11 =	vand.u32 $0xFFFF0000, v13  }
0xf4: {  	v15 =	vshll.u32 v47, v5;
	v41 =	vld.idx.msk [tilespmem:v8+s17+$0x1E0 ss:$0x1], $0xffff;
	v10 =	vor.u32 v10, v11;
	v11 =	vshrl.u32 v46, v4  }
0xf5: {  	s18 =	sshll.u32 s25, $0x8;
	v36 =	vshll.u32 v27, v5;
	v40 =	vld.idx.msk [tilespmem:v8+s17+$0x160 ss:$0x1], $0xffff;
	[tilespmem:v9+s16+$0x70 ss:$0x1] =	vst.idx.msk $0xffff, v10;
	v10 =	vand.u32 $0xFFFF, v11;
	v11 =	vand.u32 $0xFFFF0000, v15  }
0xf6: {  	s18 =	sand.u32 $0x3FFFFF00, s18;
	v14 =	vshll.u32 v49, v5;
	v54 =	vld.idx.msk [tilespmem:v8+s17+$0x170 ss:$0x1], $0xffff;
	v10 =	vor.u32 v10, v11;
	v11 =	vshrl.u32 v48, v4  }
0xf7: {  	v35 =	vshrl.u32 v25, v4;
	v55 =	vld.idx.msk [tilespmem:v8+s17+$0x1F0 ss:$0x1], $0xffff;
	[tilespmem:v9+s18+$0x0 ss:$0x1] =	vst.idx.msk $0xffff, v10;
	v10 =	vand.u32 $0xFFFF, v11;
	v11 =	vand.u32 $0xFFFF0000, v14  }
0xf8: {  	v13 =	vshll.u32 v51, v5;
	v56 =	vld.idx.msk [tilespmem:v8+s19+$0x100 ss:$0x1], $0xffff;
	v10 =	vor.u32 v10, v11;
	v11 =	vshrl.u32 v50, v4  }
0xf9: {  	v12 =	vshll.u32 v41, v7;
	v57 =	vld.idx.msk [tilespmem:v8+s19+$0x180 ss:$0x1], $0xffff;
	[tilespmem:v9+s18+$0x10 ss:$0x1] =	vst.idx.msk $0xffff, v10;
	v10 =	vand.u32 $0xFFFF, v11;
	v11 =	vand.u32 $0xFFFF0000, v13  }
0xfa: {  	v60 =	vshrl.u32 v40, v6;
	v12 =	vand.u32 $0xFFFF0000, v12;
	v58 =	vld.idx.msk [tilespmem:v8+s19+$0x110 ss:$0x1], $0xffff;
	v10 =	vor.u32 v10, v11  }
0xfb: {  	v15 =	vshll.u32 v53, v5;
	v11 =	vshrl.u32 v52, v4;
	v59 =	vld.idx.msk [tilespmem:v8+s19+$0x190 ss:$0x1], $0xffff;
	[tilespmem:v9+s18+$0x20 ss:$0x1] =	vst.idx.msk $0xffff, v10  }
0xfc: {  	v10 =	vand.u32 $0xFFFF, v11;
	v11 =	vand.u32 $0xFFFF0000, v15;
	v62 =	vshrl.u32 v54, v6;
	v61 =	vld.idx.msk [tilespmem:v8+s19+$0x120 ss:$0x1], $0xffff  }
0xfd: {  	v22 =	vshll.u32 v55, v7;
	v10 =	vor.u32 v10, v11;
	v11 =	vand.u32 $0xFFFF, v60;
	v63 =	vld.idx.msk [tilespmem:v8+s19+$0x1A0 ss:$0x1], $0xffff  }
0xfe: {  	[tilespmem:v9+s18+$0x30 ss:$0x1] =	vst.idx.msk $0xffff, v10;
	v10 =	vor.u32 v11, v12;
	v11 =	vand.u32 $0xFFFF, v62;
	v14 =	vshrl.u32 v56, v6  }
0xff: {  	v12 =	vand.u32 $0xFFFF0000, v22;
	v24 =	vshll.u32 v57, v7;
	v23 =	vld.idx.msk [tilespmem:v8+s19+$0x130 ss:$0x1], $0xffff;
	[tilespmem:v9+s16+$0xE0 ss:$0x1] =	vst.idx.msk $0xffff, v10;
	v10 =	vand.u32 $0xFFFF, v14  }
0x100: {  	v26 =	vand.u32 $0xFFFF0000, v24;
	v11 =	vor.u32 v11, v12;
	v29 =	vld.idx.msk [tilespmem:v8+s19+$0x1B0 ss:$0x1], $0xffff;
	v13 =	vshrl.u32 v58, v6  }
0x101: {  	v10 =	vor.u32 v10, v26;
	v30 =	vshll.u32 v59, v7;
	[tilespmem:v9+s16+$0xF0 ss:$0x1] =	vst.idx.msk $0xffff, v11  }
0x102: {  	v38 =	vand.u32 $0xFFFF0000, v36;
	v28 =	vand.u32 $0xFFFF, v13;
	v11 =	vand.u32 $0xFFFF0000, v30;
	[tilespmem:v9+s18+$0x80 ss:$0x1] =	vst.idx.msk $0xffff, v10  }
0x103: {  	v16 =	vshrl.u32 v61, v6;
	v31 =	vshll.u32 v63, v7;
	v10 =	vor.u32 v28, v11  }
0x104: {  	v37 =	vand.u32 $0xFFFF, v35;
	v32 =	vand.u32 $0xFFFF, v16;
	v33 =	vand.u32 $0xFFFF0000, v31;
	[tilespmem:v9+s18+$0x90 ss:$0x1] =	vst.idx.msk $0xffff, v10  }
0x105: {  	v11 =	vor.u32 v32, v33;
	v34 =	vshrl.u32 v23, v6;
	v10 =	vshll.u32 v29, v7  }
0x106: {  	v39 =	vor.u32 v37, v38;
	[tilespmem:v9+s18+$0xA0 ss:$0x1] =	vst.idx.msk $0xffff, v11;
	v11 =	vand.u32 $0xFFFF, v34;
	v10 =	vand.u32 $0xFFFF0000, v10  }
0x107: {  	[tilespmem:v9+s18+$0x40 ss:$0x1] =	vst.idx.msk $0xffff, v39;
	v10 =	vor.u32 v11, v10  }
0x108: {  	[tilespmem:v9+s18+$0xB0 ss:$0x1] =	vst.idx.msk $0xffff, v10;
	v10 =	vld.idx.msk [tilespmem:v8+s19+$0x140 ss:$0x1], $0xffff  }
0x109: {  	v11 =	vld.idx.msk [tilespmem:v8+s19+$0x1C0 ss:$0x1], $0xffff  }
0x10a: {  	v40 =	vld.idx.msk [tilespmem:v8+s19+$0x50 ss:$0x1], $0xffff  }
0x10b: {  	v41 =	vld.idx.msk [tilespmem:v8+s19+$0xD0 ss:$0x1], $0xffff  }
0x10c: {  	v42 =	vld.idx.msk [tilespmem:v8+s19+$0x60 ss:$0x1], $0xffff  }
0x10d: {  	s28 =	sor.u32 $0x6, s15;
	v43 =	vld.idx.msk [tilespmem:v8+s19+$0xE0 ss:$0x1], $0xffff  }
0x10e: {  	s29 =	sshll.u32 s28, $0x9;
	v44 =	vld.idx.msk [tilespmem:v8+s19+$0x70 ss:$0x1], $0xffff  }
0x10f: {  	s30 =	sand.u32 $0x3FFFFE00, s29;
	v45 =	vld.idx.msk [tilespmem:v8+s19+$0xF0 ss:$0x1], $0xffff  }
0x110: {  	v59 =	vld.idx.msk [tilespmem:v8+s30+$0x0 ss:$0x1], $0xffff  }
0x111: {  	v60 =	vld.idx.msk [tilespmem:v8+s30+$0x80 ss:$0x1], $0xffff  }
0x112: {  	v61 =	vld.idx.msk [tilespmem:v8+s30+$0x10 ss:$0x1], $0xffff  }
0x113: {  	v21 =	vld.idx.msk [tilespmem:v8+s30+$0x90 ss:$0x1], $0xffff  }
0x114: {  	v63 =	vld.idx.msk [tilespmem:v8+s30+$0x20 ss:$0x1], $0xffff  }
0x115: {  	v24 =	vld.idx.msk [tilespmem:v8+s30+$0xA0 ss:$0x1], $0xffff;
	v12 =	vshrl.u32 v40, v4;
	v13 =	vshll.u32 v41, v5  }
0x116: {  	v26 =	vld.idx.msk [tilespmem:v8+s30+$0x30 ss:$0x1], $0xffff;
	v12 =	vand.u32 $0xFFFF, v12;
	v13 =	vand.u32 $0xFFFF0000, v13  }
0x117: {  	v27 =	vld.idx.msk [tilespmem:v8+s30+$0xB0 ss:$0x1], $0xffff;
	v12 =	vor.u32 v12, v13  }
0x118: {  	v29 =	vld.idx.msk [tilespmem:v8+s30+$0x40 ss:$0x1], $0xffff;
	[tilespmem:v9+s18+$0x50 ss:$0x1] =	vst.idx.msk $0xffff, v12  }
0x119: {  	v50 =	vld.idx.msk [tilespmem:v8+s19+$0x150 ss:$0x1], $0xffff  }
0x11a: {  	v10 =	vshrl.u32 v10, v6;
	v46 =	vshrl.u32 v42, v4;
	v53 =	vld.idx.msk [tilespmem:v8+s19+$0x1D0 ss:$0x1], $0xffff  }
0x11b: {  	v30 =	vld.idx.msk [tilespmem:v8+s30+$0xC0 ss:$0x1], $0xffff;
	v47 =	vshll.u32 v43, v5;
	v51 =	vshrl.u32 v44, v4;
	v52 =	vshll.u32 v45, v5  }
0x11c: {  	v11 =	vshll.u32 v11, v7;
	v10 =	vand.u32 $0xFFFF, v10;
	v25 =	vshll.u32 v60, v5;
	v41 =	vld.idx.msk [tilespmem:v8+s30+$0x50 ss:$0x1], $0xffff  }
0x11d: {  	v28 =	vshll.u32 v21, v5;
	v42 =	vld.idx.msk [tilespmem:v8+s30+$0xD0 ss:$0x1], $0xffff;
	v48 =	vand.u32 $0xFFFF, v46;
	v49 =	vand.u32 $0xFFFF0000, v47  }
0x11e: {  	v44 =	vld.idx.msk [tilespmem:v8+s30+$0x60 ss:$0x1], $0xffff;
	v54 =	vand.u32 $0xFFFF, v51;
	v55 =	vand.u32 $0xFFFF0000, v52;
	v11 =	vand.u32 $0xFFFF0000, v11  }
0x11f: {  	v45 =	vld.idx.msk [tilespmem:v8+s30+$0xE0 ss:$0x1], $0xffff;
	v10 =	vor.u32 v10, v11;
	v11 =	vshrl.u32 v50, v6;
	v62 =	vshll.u32 v53, v7  }
0x120: {  	v47 =	vld.idx.msk [tilespmem:v8+s30+$0x70 ss:$0x1], $0xffff;
	v12 =	vor.u32 v48, v49;
	[tilespmem:v9+s18+$0xC0 ss:$0x1] =	vst.idx.msk $0xffff, v10;
	v10 =	vand.u32 $0xFFFF, v11;
	v11 =	vand.u32 $0xFFFF0000, v62  }
0x121: {  	v48 =	vld.idx.msk [tilespmem:v8+s30+$0xF0 ss:$0x1], $0xffff;
	[tilespmem:v9+s18+$0x60 ss:$0x1] =	vst.idx.msk $0xffff, v12;
	v10 =	vor.u32 v10, v11;
	v11 =	vshrl.u32 v59, v4  }
0x122: {  	s16 =	sshll.u32 s28, $0x8;
	v12 =	vor.u32 v54, v55;
	v56 =	vld.idx.msk [tilespmem:v8+s19+$0x160 ss:$0x1], $0xffff;
	[tilespmem:v9+s18+$0xD0 ss:$0x1] =	vst.idx.msk $0xffff, v10;
	v10 =	vand.u32 $0xFFFF, v11;
	v11 =	vand.u32 $0xFFFF0000, v25  }
0x123: {  	s31 =	sand.u32 $0x3FFFFF00, s16;
	v57 =	vld.idx.msk [tilespmem:v8+s19+$0x1E0 ss:$0x1], $0xffff;
	[tilespmem:v9+s18+$0x70 ss:$0x1] =	vst.idx.msk $0xffff, v12;
	v10 =	vor.u32 v10, v11;
	v11 =	vshrl.u32 v61, v4  }
0x124: {  	v12 =	vld.idx.msk [tilespmem:v8+s19+$0x170 ss:$0x1], $0xffff;
	[tilespmem:v9+s31+$0x0 ss:$0x1] =	vst.idx.msk $0xffff, v10;
	v10 =	vand.u32 $0xFFFF, v11;
	v11 =	vand.u32 $0xFFFF0000, v28  }
0x125: {  	v14 =	vshll.u32 v24, v5;
	v58 =	vld.idx.msk [tilespmem:v8+s19+$0x1F0 ss:$0x1], $0xffff;
	v10 =	vor.u32 v10, v11;
	v11 =	vshrl.u32 v63, v4  }
0x126: {  	v18 =	vshll.u32 v27, v5;
	v22 =	vld.idx.msk [tilespmem:v8+s30+$0x100 ss:$0x1], $0xffff;
	[tilespmem:v9+s31+$0x10 ss:$0x1] =	vst.idx.msk $0xffff, v10;
	v10 =	vand.u32 $0xFFFF, v11;
	v11 =	vand.u32 $0xFFFF0000, v14  }
0x127: {  	v20 =	vshll.u32 v30, v5;
	v31 =	vld.idx.msk [tilespmem:v8+s30+$0x180 ss:$0x1], $0xffff;
	v10 =	vor.u32 v10, v11;
	v11 =	vshrl.u32 v26, v4  }
0x128: {  	v15 =	vshrl.u32 v56, v6;
	v32 =	vld.idx.msk [tilespmem:v8+s30+$0x110 ss:$0x1], $0xffff;
	[tilespmem:v9+s31+$0x20 ss:$0x1] =	vst.idx.msk $0xffff, v10;
	v10 =	vand.u32 $0xFFFF, v11;
	v11 =	vand.u32 $0xFFFF0000, v18  }
0x129: {  	v13 =	vshll.u32 v57, v7;
	v33 =	vld.idx.msk [tilespmem:v8+s30+$0x190 ss:$0x1], $0xffff;
	v10 =	vor.u32 v10, v11;
	v11 =	vshrl.u32 v29, v4  }
0x12a: {  	v13 =	vand.u32 $0xFFFF0000, v13;
	v34 =	vld.idx.msk [tilespmem:v8+s30+$0x120 ss:$0x1], $0xffff;
	[tilespmem:v9+s31+$0x30 ss:$0x1] =	vst.idx.msk $0xffff, v10;
	v10 =	vand.u32 $0xFFFF, v11;
	v11 =	vand.u32 $0xFFFF0000, v20  }
0x12b: {  	v38 =	vshll.u32 v58, v7;
	v35 =	vld.idx.msk [tilespmem:v8+s30+$0x1A0 ss:$0x1], $0xffff;
	v10 =	vor.u32 v10, v11;
	v11 =	vand.u32 $0xFFFF, v15  }
0x12c: {  	v36 =	vld.idx.msk [tilespmem:v8+s30+$0x130 ss:$0x1], $0xffff;
	[tilespmem:v9+s31+$0x40 ss:$0x1] =	vst.idx.msk $0xffff, v10;
	v10 =	vor.u32 v11, v13;
	v11 =	vshrl.u32 v12, v6  }
0x12d: {  	s20 =	sor.u32 $0x7, s15;
	v37 =	vld.idx.msk [tilespmem:v8+s30+$0x1B0 ss:$0x1], $0xffff;
	[tilespmem:v9+s18+$0xE0 ss:$0x1] =	vst.idx.msk $0xffff, v10;
	v10 =	vand.u32 $0xFFFF, v11;
	v11 =	vand.u32 $0xFFFF0000, v38  }
0x12e: {  	s21 =	sshll.u32 s20, $0x9;
	v39 =	vld.idx.msk [tilespmem:v8+s30+$0x140 ss:$0x1], $0xffff;
	v10 =	vor.u32 v10, v11  }
0x12f: {  	v40 =	vld.idx.msk [tilespmem:v8+s30+$0x1C0 ss:$0x1], $0xffff;
	[tilespmem:v9+s18+$0xF0 ss:$0x1] =	vst.idx.msk $0xffff, v10;
	s18 =	sand.u32 $0x3FFFFE00, s21  }
0x130: {  	v49 =	vld.idx.msk [tilespmem:v8+s18+$0x0 ss:$0x1], $0xffff  }
0x131: {  	v50 =	vld.idx.msk [tilespmem:v8+s18+$0x80 ss:$0x1], $0xffff  }
0x132: {  	v16 =	vshll.u32 v31, v7;
	v11 =	vshrl.u32 v22, v6;
	v51 =	vld.idx.msk [tilespmem:v8+s18+$0x10 ss:$0x1], $0xffff  }
0x133: {  	v10 =	vand.u32 $0xFFFF, v11;
	v11 =	vand.u32 $0xFFFF0000, v16;
	v52 =	vld.idx.msk [tilespmem:v8+s18+$0x90 ss:$0x1], $0xffff  }
0x134: {  	v43 =	vshll.u32 v33, v7;
	v10 =	vor.u32 v10, v11;
	v11 =	vshrl.u32 v32, v6;
	v26 =	vld.idx.msk [tilespmem:v8+s18+$0x20 ss:$0x1], $0xffff  }
0x135: {  	v27 =	vld.idx.msk [tilespmem:v8+s18+$0xA0 ss:$0x1], $0xffff;
	[tilespmem:v9+s31+$0x80 ss:$0x1] =	vst.idx.msk $0xffff, v10;
	v10 =	vand.u32 $0xFFFF, v11;
	v11 =	vand.u32 $0xFFFF0000, v43  }
0x136: {  	v46 =	vshll.u32 v35, v7;
	v28 =	vld.idx.msk [tilespmem:v8+s18+$0x30 ss:$0x1], $0xffff;
	v10 =	vor.u32 v10, v11;
	v11 =	vshrl.u32 v34, v6  }
0x137: {  	v29 =	vld.idx.msk [tilespmem:v8+s18+$0xB0 ss:$0x1], $0xffff;
	[tilespmem:v9+s31+$0x90 ss:$0x1] =	vst.idx.msk $0xffff, v10;
	v10 =	vand.u32 $0xFFFF, v11;
	v11 =	vand.u32 $0xFFFF0000, v46  }
0x138: {  	v16 =	vshll.u32 v42, v5;
	v31 =	vld.idx.msk [tilespmem:v8+s18+$0x40 ss:$0x1], $0xffff;
	v10 =	vor.u32 v10, v11;
	v11 =	vshrl.u32 v41, v4  }
0x139: {  	v32 =	vld.idx.msk [tilespmem:v8+s18+$0xC0 ss:$0x1], $0xffff;
	[tilespmem:v9+s31+$0xA0 ss:$0x1] =	vst.idx.msk $0xffff, v10;
	v10 =	vand.u32 $0xFFFF, v11;
	v11 =	vand.u32 $0xFFFF0000, v16  }
0x13a: {  	v14 =	vshll.u32 v45, v5;
	v33 =	vld.idx.msk [tilespmem:v8+s18+$0x50 ss:$0x1], $0xffff;
	v10 =	vor.u32 v10, v11;
	v11 =	vshrl.u32 v44, v4  }
0x13b: {  	v18 =	vshll.u32 v48, v5;
	v35 =	vld.idx.msk [tilespmem:v8+s18+$0x60 ss:$0x1], $0xffff;
	[tilespmem:v9+s31+$0x50 ss:$0x1] =	vst.idx.msk $0xffff, v10;
	v10 =	vand.u32 $0xFFFF, v11;
	v11 =	vand.u32 $0xFFFF0000, v14  }
0x13c: {  	v59 =	vshrl.u32 v36, v6;
	v36 =	vld.idx.msk [tilespmem:v8+s18+$0xE0 ss:$0x1], $0xffff;
	v10 =	vor.u32 v10, v11;
	v11 =	vshrl.u32 v47, v4  }
0x13d: {  	v34 =	vld.idx.msk [tilespmem:v8+s18+$0xD0 ss:$0x1], $0xffff;
	[tilespmem:v9+s31+$0x60 ss:$0x1] =	vst.idx.msk $0xffff, v10;
	v10 =	vand.u32 $0xFFFF, v11;
	v11 =	vand.u32 $0xFFFF0000, v18  }
0x13e: {  	v16 =	vshll.u32 v50, v5;
	v50 =	vld.idx.msk [tilespmem:v8+s18+$0xF0 ss:$0x1], $0xffff;
	v10 =	vor.u32 v10, v11;
	v11 =	vshrl.u32 v49, v4  }
0x13f: {  	s16 =	sshll.u32 s20, $0x8;
	v15 =	vshll.u32 v37, v7;
	v53 =	vld.idx.msk [tilespmem:v8+s30+$0x150 ss:$0x1], $0xffff;
	[tilespmem:v9+s31+$0x70 ss:$0x1] =	vst.idx.msk $0xffff, v10;
	v10 =	vand.u32 $0xFFFF, v11;
	v11 =	vand.u32 $0xFFFF0000, v16  }
0x140: {  	s16 =	sand.u32 $0x3FFFFF00, s16;
	v14 =	vshll.u32 v52, v5;
	v54 =	vld.idx.msk [tilespmem:v8+s30+$0x1D0 ss:$0x1], $0xffff;
	v10 =	vor.u32 v10, v11;
	v11 =	vshrl.u32 v51, v4  }
0x141: {  	v61 =	vand.u32 $0xFFFF0000, v15;
	v55 =	vld.idx.msk [tilespmem:v8+s30+$0x160 ss:$0x1], $0xffff;
	[tilespmem:v9+s16+$0x0 ss:$0x1] =	vst.idx.msk $0xffff, v10;
	v10 =	vand.u32 $0xFFFF, v11;
	v11 =	vand.u32 $0xFFFF0000, v14  }
0x142: {  	s22 =	sor.u32 $0x8, s15;
	v12 =	vshll.u32 v40, v7;
	v56 =	vld.idx.msk [tilespmem:v8+s30+$0x1E0 ss:$0x1], $0xffff;
	v10 =	vor.u32 v10, v11;
	v11 =	vand.u32 $0xFFFF, v59  }
0x143: {  	s23 =	sshll.u32 s22, $0x9;
	v57 =	vld.idx.msk [tilespmem:v8+s30+$0x170 ss:$0x1], $0xffff;
	[tilespmem:v9+s16+$0x10 ss:$0x1] =	vst.idx.msk $0xffff, v10;
	v10 =	vor.u32 v11, v61;
	v11 =	vshrl.u32 v39, v6  }
0x144: {  	s20 =	sand.u32 $0x3FFFFE00, s23;
	v58 =	vld.idx.msk [tilespmem:v8+s30+$0x1F0 ss:$0x1], $0xffff;
	[tilespmem:v9+s31+$0xB0 ss:$0x1] =	vst.idx.msk $0xffff, v10;
	v10 =	vand.u32 $0xFFFF, v11;
	v11 =	vand.u32 $0xFFFF0000, v12  }
0x145: {  	v52 =	vld.idx.msk [tilespmem:v8+s20+$0x0 ss:$0x1], $0xffff;
	v25 =	vshll.u32 v54, v7;
	v10 =	vor.u32 v10, v11;
	v11 =	vshrl.u32 v53, v6  }
0x146: {  	v49 =	vld.idx.msk [tilespmem:v8+s18+$0x70 ss:$0x1], $0xffff;
	[tilespmem:v9+s31+$0xC0 ss:$0x1] =	vst.idx.msk $0xffff, v10;
	v10 =	vand.u32 $0xFFFF, v11;
	v11 =	vand.u32 $0xFFFF0000, v25  }
0x147: {  	v60 =	vld.idx.msk [tilespmem:v8+s18+$0x100 ss:$0x1], $0xffff;
	v17 =	vshll.u32 v56, v7;
	v10 =	vor.u32 v10, v11;
	v11 =	vshrl.u32 v55, v6  }
0x148: {  	v62 =	vld.idx.msk [tilespmem:v8+s18+$0x180 ss:$0x1], $0xffff;
	[tilespmem:v9+s31+$0xD0 ss:$0x1] =	vst.idx.msk $0xffff, v10;
	v10 =	vand.u32 $0xFFFF, v11;
	v11 =	vand.u32 $0xFFFF0000, v17  }
0x149: {  	v59 =	vld.idx.msk [tilespmem:v8+s20+$0x30 ss:$0x1], $0xffff;
	v30 =	vshll.u32 v58, v7;
	v10 =	vor.u32 v10, v11;
	v11 =	vshrl.u32 v57, v6  }
0x14a: {  	v56 =	vld.idx.msk [tilespmem:v8+s20+$0x90 ss:$0x1], $0xffff;
	[tilespmem:v9+s31+$0xE0 ss:$0x1] =	vst.idx.msk $0xffff, v10;
	v10 =	vand.u32 $0xFFFF, v11;
	v11 =	vand.u32 $0xFFFF0000, v30  }
0x14b: {  	v14 =	vshll.u32 v27, v5;
	v63 =	vld.idx.msk [tilespmem:v8+s18+$0x110 ss:$0x1], $0xffff;
	v10 =	vor.u32 v10, v11;
	v11 =	vshrl.u32 v26, v4  }
0x14c: {  	v24 =	vld.idx.msk [tilespmem:v8+s18+$0x190 ss:$0x1], $0xffff;
	[tilespmem:v9+s31+$0xF0 ss:$0x1] =	vst.idx.msk $0xffff, v10;
	v10 =	vand.u32 $0xFFFF, v11;
	v11 =	vand.u32 $0xFFFF0000, v14  }
0x14d: {  	v53 =	vld.idx.msk [tilespmem:v8+s20+$0x80 ss:$0x1], $0xffff;
	v17 =	vshll.u32 v29, v5;
	v10 =	vor.u32 v10, v11;
	v11 =	vshrl.u32 v28, v4  }
0x14e: {  	v58 =	vld.idx.msk [tilespmem:v8+s20+$0xA0 ss:$0x1], $0xffff;
	[tilespmem:v9+s16+$0x20 ss:$0x1] =	vst.idx.msk $0xffff, v10;
	v10 =	vand.u32 $0xFFFF, v11;
	v11 =	vand.u32 $0xFFFF0000, v17  }
0x14f: {  	v16 =	vshll.u32 v32, v5;
	v55 =	vld.idx.msk [tilespmem:v8+s20+$0x10 ss:$0x1], $0xffff;
	v10 =	vor.u32 v10, v11;
	v11 =	vshrl.u32 v31, v4  }
0x150: {  	v43 =	vshrl.u32 v60, v6;
	v60 =	vld.idx.msk [tilespmem:v8+s20+$0xB0 ss:$0x1], $0xffff;
	[tilespmem:v9+s16+$0x30 ss:$0x1] =	vst.idx.msk $0xffff, v10;
	v10 =	vand.u32 $0xFFFF, v11;
	v11 =	vand.u32 $0xFFFF0000, v16  }
0x151: {  	v57 =	vld.idx.msk [tilespmem:v8+s20+$0x20 ss:$0x1], $0xffff;
	v14 =	vshll.u32 v34, v5;
	v10 =	vor.u32 v10, v11;
	v11 =	vshrl.u32 v33, v4  }
0x152: {  	v15 =	vshll.u32 v62, v7;
	v37 =	vld.idx.msk [tilespmem:v8+s18+$0x120 ss:$0x1], $0xffff;
	[tilespmem:v9+s16+$0x40 ss:$0x1] =	vst.idx.msk $0xffff, v10;
	v10 =	vand.u32 $0xFFFF, v11;
	v11 =	vand.u32 $0xFFFF0000, v14  }
0x153: {  	v17 =	vshll.u32 v36, v5;
	v38 =	vld.idx.msk [tilespmem:v8+s18+$0x1A0 ss:$0x1], $0xffff;
	v10 =	vor.u32 v10, v11;
	v11 =	vshrl.u32 v35, v4  }
0x154: {  	v15 =	vand.u32 $0xFFFF0000, v15;
	v39 =	vld.idx.msk [tilespmem:v8+s18+$0x130 ss:$0x1], $0xffff;
	[tilespmem:v9+s16+$0x50 ss:$0x1] =	vst.idx.msk $0xffff, v10;
	v10 =	vand.u32 $0xFFFF, v11;
	v11 =	vand.u32 $0xFFFF0000, v17  }
0x155: {  	v12 =	vshll.u32 v24, v7;
	v40 =	vld.idx.msk [tilespmem:v8+s18+$0x1B0 ss:$0x1], $0xffff;
	v10 =	vor.u32 v10, v11;
	v11 =	vand.u32 $0xFFFF, v43  }
0x156: {  	v41 =	vld.idx.msk [tilespmem:v8+s18+$0x140 ss:$0x1], $0xffff;
	[tilespmem:v9+s16+$0x60 ss:$0x1] =	vst.idx.msk $0xffff, v10;
	v10 =	vor.u32 v11, v15;
	v11 =	vshrl.u32 v63, v6  }
0x157: {  	v42 =	vld.idx.msk [tilespmem:v8+s18+$0x1C0 ss:$0x1], $0xffff;
	[tilespmem:v9+s16+$0x80 ss:$0x1] =	vst.idx.msk $0xffff, v10;
	v10 =	vand.u32 $0xFFFF, v11;
	v11 =	vand.u32 $0xFFFF0000, v12  }
0x158: {  	v34 =	vld.idx.msk [tilespmem:v8+s20+$0x40 ss:$0x1], $0xffff;
	v48 =	vshll.u32 v38, v7;
	v10 =	vor.u32 v10, v11;
	v11 =	vshrl.u32 v37, v6  }
0x159: {  	v35 =	vld.idx.msk [tilespmem:v8+s20+$0xC0 ss:$0x1], $0xffff;
	[tilespmem:v9+s16+$0x90 ss:$0x1] =	vst.idx.msk $0xffff, v10;
	v10 =	vand.u32 $0xFFFF, v11;
	v11 =	vand.u32 $0xFFFF0000, v48  }
0x15a: {  	v38 =	vld.idx.msk [tilespmem:v8+s20+$0xD0 ss:$0x1], $0xffff;
	v51 =	vshll.u32 v40, v7;
	v10 =	vor.u32 v10, v11;
	v11 =	vshrl.u32 v39, v6  }
0x15b: {  	v44 =	vld.idx.msk [tilespmem:v8+s18+$0x150 ss:$0x1], $0xffff;
	[tilespmem:v9+s16+$0xA0 ss:$0x1] =	vst.idx.msk $0xffff, v10;
	v10 =	vand.u32 $0xFFFF, v11;
	v11 =	vand.u32 $0xFFFF0000, v51  }
0x15c: {  	v45 =	vld.idx.msk [tilespmem:v8+s18+$0x1D0 ss:$0x1], $0xffff;
	v54 =	vshll.u32 v42, v7;
	v10 =	vor.u32 v10, v11;
	v11 =	vshrl.u32 v41, v6  }
0x15d: {  	v43 =	vld.idx.msk [tilespmem:v8+s20+$0xF0 ss:$0x1], $0xffff;
	[tilespmem:v9+s16+$0xB0 ss:$0x1] =	vst.idx.msk $0xffff, v10;
	v10 =	vand.u32 $0xFFFF, v11;
	v11 =	vand.u32 $0xFFFF0000, v54  }
0x15e: {  	v15 =	vshll.u32 v50, v5;
	v40 =	vld.idx.msk [tilespmem:v8+s20+$0x60 ss:$0x1], $0xffff;
	v10 =	vor.u32 v10, v11;
	v11 =	vshrl.u32 v49, v4  }
0x15f: {  	v46 =	vld.idx.msk [tilespmem:v8+s18+$0x160 ss:$0x1], $0xffff;
	[tilespmem:v9+s16+$0xC0 ss:$0x1] =	vst.idx.msk $0xffff, v10;
	v10 =	vand.u32 $0xFFFF, v11;
	v11 =	vand.u32 $0xFFFF0000, v15  }
0x160: {  	s24 =	sor.u32 $0x9, s15;
	v16 =	vshll.u32 v53, v5;
	v47 =	vld.idx.msk [tilespmem:v8+s18+$0x1E0 ss:$0x1], $0xffff;
	v10 =	vor.u32 v10, v11;
	v11 =	vshrl.u32 v52, v4  }
0x161: {  	s25 =	sshll.u32 s24, $0x9;
	s17 =	sshll.u32 s22, $0x8;
	v14 =	vshll.u32 v56, v5;
	v37 =	vld.idx.msk [tilespmem:v8+s20+$0x50 ss:$0x1], $0xffff;
	[tilespmem:v9+s16+$0x70 ss:$0x1] =	vst.idx.msk $0xffff, v10;
	v10 =	vand.u32 $0xFFFF, v11;
	v11 =	vand.u32 $0xFFFF0000, v16  }
0x162: {  	s26 =	sand.u32 $0x3FFFFE00, s25;
	s17 =	sand.u32 $0x3FFFFF00, s17;
	v42 =	vld.idx.msk [tilespmem:v8+s20+$0x70 ss:$0x1], $0xffff;
	v27 =	vshrl.u32 v44, v6;
	v10 =	vor.u32 v10, v11;
	v11 =	vshrl.u32 v55, v4  }
0x163: {  	v17 =	vshll.u32 v45, v7;
	v44 =	vld.idx.msk [tilespmem:v8+s26+$0x0 ss:$0x1], $0xffff;
	[tilespmem:v9+s17+$0x0 ss:$0x1] =	vst.idx.msk $0xffff, v10;
	v10 =	vand.u32 $0xFFFF, v11;
	v11 =	vand.u32 $0xFFFF0000, v14  }
0x164: {  	v45 =	vld.idx.msk [tilespmem:v8+s26+$0x80 ss:$0x1], $0xffff;
	v15 =	vshll.u32 v58, v5;
	v10 =	vor.u32 v10, v11;
	v11 =	vshrl.u32 v57, v4  }
0x165: {  	v61 =	vld.idx.msk [tilespmem:v8+s18+$0x170 ss:$0x1], $0xffff;
	[tilespmem:v9+s17+$0x10 ss:$0x1] =	vst.idx.msk $0xffff, v10;
	v10 =	vand.u32 $0xFFFF, v11;
	v11 =	vand.u32 $0xFFFF0000, v15  }
0x166: {  	v16 =	vshll.u32 v60, v5;
	v62 =	vld.idx.msk [tilespmem:v8+s18+$0x1F0 ss:$0x1], $0xffff;
	v10 =	vor.u32 v10, v11;
	v11 =	vshrl.u32 v59, v4  }
0x167: {  	v29 =	vand.u32 $0xFFFF0000, v17;
	v63 =	vld.idx.msk [tilespmem:v8+s20+$0x100 ss:$0x1], $0xffff;
	[tilespmem:v9+s17+$0x20 ss:$0x1] =	vst.idx.msk $0xffff, v10;
	v10 =	vand.u32 $0xFFFF, v11;
	v11 =	vand.u32 $0xFFFF0000, v16  }
0x168: {  	v12 =	vshll.u32 v47, v7;
	v24 =	vld.idx.msk [tilespmem:v8+s20+$0x180 ss:$0x1], $0xffff;
	v10 =	vor.u32 v10, v11;
	v11 =	vand.u32 $0xFFFF, v27  }
0x169: {  	v25 =	vld.idx.msk [tilespmem:v8+s20+$0x110 ss:$0x1], $0xffff;
	[tilespmem:v9+s17+$0x30 ss:$0x1] =	vst.idx.msk $0xffff, v10;
	v10 =	vor.u32 v11, v29;
	v11 =	vshrl.u32 v46, v6  }
0x16a: {  	v26 =	vld.idx.msk [tilespmem:v8+s20+$0x190 ss:$0x1], $0xffff;
	[tilespmem:v9+s16+$0xD0 ss:$0x1] =	vst.idx.msk $0xffff, v10;
	v10 =	vand.u32 $0xFFFF, v11;
	v11 =	vand.u32 $0xFFFF0000, v12  }
0x16b: {  	v41 =	vld.idx.msk [tilespmem:v8+s20+$0xE0 ss:$0x1], $0xffff;
	v33 =	vshll.u32 v62, v7;
	v10 =	vor.u32 v10, v11;
	v11 =	vshrl.u32 v61, v6  }
0x16c: {  	v60 =	vld.idx.msk [tilespmem:v8+s26+$0x90 ss:$0x1], $0xffff;
	[tilespmem:v9+s16+$0xE0 ss:$0x1] =	vst.idx.msk $0xffff, v10;
	v10 =	vand.u32 $0xFFFF, v11;
	v11 =	vand.u32 $0xFFFF0000, v33  }
0x16d: {  	v59 =	vld.idx.msk [tilespmem:v8+s26+$0x10 ss:$0x1], $0xffff;
	v36 =	vshll.u32 v24, v7;
	v10 =	vor.u32 v10, v11;
	v11 =	vshrl.u32 v63, v6  }
0x16e: {  	v62 =	vld.idx.msk [tilespmem:v8+s26+$0x20 ss:$0x1], $0xffff;
	[tilespmem:v9+s16+$0xF0 ss:$0x1] =	vst.idx.msk $0xffff, v10;
	v10 =	vand.u32 $0xFFFF, v11;
	v11 =	vand.u32 $0xFFFF0000, v36  }
0x16f: {  	v28 =	vld.idx.msk [tilespmem:v8+s20+$0x120 ss:$0x1], $0xffff;
	v39 =	vshll.u32 v26, v7;
	v10 =	vor.u32 v10, v11;
	v11 =	vshrl.u32 v25, v6  }
0x170: {  	v30 =	vld.idx.msk [tilespmem:v8+s20+$0x1A0 ss:$0x1], $0xffff;
	[tilespmem:v9+s17+$0x80 ss:$0x1] =	vst.idx.msk $0xffff, v10;
	v10 =	vand.u32 $0xFFFF, v11;
	v11 =	vand.u32 $0xFFFF0000, v39  }
0x171: {  	v16 =	vshll.u32 v35, v5;
	v27 =	vld.idx.msk [tilespmem:v8+s26+$0x40 ss:$0x1], $0xffff;
	v10 =	vor.u32 v10, v11;
	v11 =	vshrl.u32 v34, v4  }
0x172: {  	v29 =	vld.idx.msk [tilespmem:v8+s26+$0x50 ss:$0x1], $0xffff;
	[tilespmem:v9+s17+$0x90 ss:$0x1] =	vst.idx.msk $0xffff, v10;
	v10 =	vand.u32 $0xFFFF, v11;
	v11 =	vand.u32 $0xFFFF0000, v16  }
0x173: {  	v14 =	vshll.u32 v38, v5;
	v31 =	vld.idx.msk [tilespmem:v8+s20+$0x130 ss:$0x1], $0xffff;
	v10 =	vor.u32 v10, v11;
	v11 =	vshrl.u32 v37, v4  }
0x174: {  	v32 =	vld.idx.msk [tilespmem:v8+s20+$0x1B0 ss:$0x1], $0xffff;
	[tilespmem:v9+s17+$0x40 ss:$0x1] =	vst.idx.msk $0xffff, v10;
	v10 =	vand.u32 $0xFFFF, v11;
	v11 =	vand.u32 $0xFFFF0000, v14  }
0x175: {  	v15 =	vshll.u32 v41, v5;
	v26 =	vld.idx.msk [tilespmem:v8+s26+$0xB0 ss:$0x1], $0xffff;
	v10 =	vor.u32 v10, v11;
	v11 =	vshrl.u32 v40, v4  }
0x176: {  	v52 =	vshrl.u32 v28, v6;
	v63 =	vld.idx.msk [tilespmem:v8+s26+$0xA0 ss:$0x1], $0xffff;
	[tilespmem:v9+s17+$0x50 ss:$0x1] =	vst.idx.msk $0xffff, v10;
	v10 =	vand.u32 $0xFFFF, v11;
	v11 =	vand.u32 $0xFFFF0000, v15  }
0x177: {  	v28 =	vld.idx.msk [tilespmem:v8+s26+$0xC0 ss:$0x1], $0xffff;
	v16 =	vshll.u32 v43, v5;
	v10 =	vor.u32 v10, v11;
	v11 =	vshrl.u32 v42, v4  }
0x178: {  	v17 =	vshll.u32 v30, v7;
	v46 =	vld.idx.msk [tilespmem:v8+s20+$0x140 ss:$0x1], $0xffff;
	[tilespmem:v9+s17+$0x60 ss:$0x1] =	vst.idx.msk $0xffff, v10;
	v10 =	vand.u32 $0xFFFF, v11;
	v11 =	vand.u32 $0xFFFF0000, v16  }
0x179: {  	v14 =	vshll.u32 v45, v5;
	v47 =	vld.idx.msk [tilespmem:v8+s20+$0x1C0 ss:$0x1], $0xffff;
	v10 =	vor.u32 v10, v11;
	v11 =	vshrl.u32 v44, v4  }
0x17a: {  	s16 =	sshll.u32 s24, $0x8;
	v54 =	vand.u32 $0xFFFF0000, v17;
	v48 =	vld.idx.msk [tilespmem:v8+s20+$0x150 ss:$0x1], $0xffff;
	[tilespmem:v9+s17+$0x70 ss:$0x1] =	vst.idx.msk $0xffff, v10;
	v10 =	vand.u32 $0xFFFF, v11;
	v11 =	vand.u32 $0xFFFF0000, v14  }
0x17b: {  	s28 =	sand.u32 $0x3FFFFF00, s16;
	v12 =	vshll.u32 v32, v7;
	v49 =	vld.idx.msk [tilespmem:v8+s20+$0x1D0 ss:$0x1], $0xffff;
	v10 =	vor.u32 v10, v11;
	v11 =	vand.u32 $0xFFFF, v52  }
0x17c: {  	v50 =	vld.idx.msk [tilespmem:v8+s20+$0x160 ss:$0x1], $0xffff;
	[tilespmem:v9+s28+$0x0 ss:$0x1] =	vst.idx.msk $0xffff, v10;
	v10 =	vor.u32 v11, v54;
	v11 =	vshrl.u32 v31, v6  }
0x17d: {  	v51 =	vld.idx.msk [tilespmem:v8+s20+$0x1E0 ss:$0x1], $0xffff;
	[tilespmem:v9+s17+$0xA0 ss:$0x1] =	vst.idx.msk $0xffff, v10;
	v10 =	vand.u32 $0xFFFF, v11;
	v11 =	vand.u32 $0xFFFF0000, v12  }
0x17e: {  	v30 =	vld.idx.msk [tilespmem:v8+s26+$0xD0 ss:$0x1], $0xffff;
	v58 =	vshll.u32 v47, v7;
	v10 =	vor.u32 v10, v11;
	v11 =	vshrl.u32 v46, v6  }
0x17f: {  	v25 =	vld.idx.msk [tilespmem:v8+s26+$0x30 ss:$0x1], $0xffff;
	[tilespmem:v9+s17+$0xB0 ss:$0x1] =	vst.idx.msk $0xffff, v10;
	v10 =	vand.u32 $0xFFFF, v11;
	v11 =	vand.u32 $0xFFFF0000, v58  }
0x180: {  	v45 =	vld.idx.msk [tilespmem:v8+s26+$0xE0 ss:$0x1], $0xffff;
	v61 =	vshll.u32 v49, v7;
	v10 =	vor.u32 v10, v11;
	v11 =	vshrl.u32 v48, v6  }
0x181: {  	v44 =	vld.idx.msk [tilespmem:v8+s26+$0x60 ss:$0x1], $0xffff;
	[tilespmem:v9+s17+$0xC0 ss:$0x1] =	vst.idx.msk $0xffff, v10;
	v10 =	vand.u32 $0xFFFF, v11;
	v11 =	vand.u32 $0xFFFF0000, v61  }
0x182: {  	v47 =	vld.idx.msk [tilespmem:v8+s26+$0x70 ss:$0x1], $0xffff;
	v24 =	vshll.u32 v51, v7;
	v10 =	vor.u32 v10, v11;
	v11 =	vshrl.u32 v50, v6  }
0x183: {  	v53 =	vld.idx.msk [tilespmem:v8+s20+$0x170 ss:$0x1], $0xffff;
	[tilespmem:v9+s17+$0xD0 ss:$0x1] =	vst.idx.msk $0xffff, v10;
	v10 =	vand.u32 $0xFFFF, v11;
	v11 =	vand.u32 $0xFFFF0000, v24  }
0x184: {  	v14 =	vshll.u32 v60, v5;
	v55 =	vld.idx.msk [tilespmem:v8+s20+$0x1F0 ss:$0x1], $0xffff;
	v10 =	vor.u32 v10, v11;
	v11 =	vshrl.u32 v59, v4  }
0x185: {  	v56 =	vld.idx.msk [tilespmem:v8+s26+$0x100 ss:$0x1], $0xffff;
	[tilespmem:v9+s17+$0xE0 ss:$0x1] =	vst.idx.msk $0xffff, v10;
	v10 =	vand.u32 $0xFFFF, v11;
	v11 =	vand.u32 $0xFFFF0000, v14  }
0x186: {  	v15 =	vshll.u32 v63, v5;
	v57 =	vld.idx.msk [tilespmem:v8+s26+$0x180 ss:$0x1], $0xffff;
	v10 =	vor.u32 v10, v11;
	v11 =	vshrl.u32 v62, v4  }
0x187: {  	v48 =	vld.idx.msk [tilespmem:v8+s26+$0xF0 ss:$0x1], $0xffff;
	[tilespmem:v9+s28+$0x10 ss:$0x1] =	vst.idx.msk $0xffff, v10;
	v10 =	vand.u32 $0xFFFF, v11;
	v11 =	vand.u32 $0xFFFF0000, v15  }
0x188: {  	v16 =	vshll.u32 v26, v5;
	v31 =	vld.idx.msk [tilespmem:v8+s26+$0x110 ss:$0x1], $0xffff;
	v10 =	vor.u32 v10, v11;
	v11 =	vshrl.u32 v25, v4  }
0x189: {  	v32 =	vld.idx.msk [tilespmem:v8+s26+$0x190 ss:$0x1], $0xffff;
	[tilespmem:v9+s28+$0x20 ss:$0x1] =	vst.idx.msk $0xffff, v10;
	v10 =	vand.u32 $0xFFFF, v11;
	v11 =	vand.u32 $0xFFFF0000, v16  }
0x18a: {  	v14 =	vshll.u32 v28, v5;
	v33 =	vld.idx.msk [tilespmem:v8+s26+$0x120 ss:$0x1], $0xffff;
	v10 =	vor.u32 v10, v11;
	v11 =	vshrl.u32 v27, v4  }
0x18b: {  	v34 =	vld.idx.msk [tilespmem:v8+s26+$0x1A0 ss:$0x1], $0xffff;
	[tilespmem:v9+s28+$0x30 ss:$0x1] =	vst.idx.msk $0xffff, v10;
	v10 =	vand.u32 $0xFFFF, v11;
	v11 =	vand.u32 $0xFFFF0000, v14  }
0x18c: {  	v15 =	vshll.u32 v30, v5;
	v35 =	vld.idx.msk [tilespmem:v8+s26+$0x130 ss:$0x1], $0xffff;
	v10 =	vor.u32 v10, v11;
	v11 =	vshrl.u32 v29, v4  }
0x18d: {  	v36 =	vld.idx.msk [tilespmem:v8+s26+$0x1B0 ss:$0x1], $0xffff;
	[tilespmem:v9+s28+$0x40 ss:$0x1] =	vst.idx.msk $0xffff, v10;
	v10 =	vand.u32 $0xFFFF, v11;
	v11 =	vand.u32 $0xFFFF0000, v15  }
0x18e: {  	v37 =	vshrl.u32 v53, v6;
	v17 =	vshll.u32 v55, v7;
	v38 =	vld.idx.msk [tilespmem:v8+s26+$0x140 ss:$0x1], $0xffff;
	v10 =	vor.u32 v10, v11  }
0x18f: {  	s29 =	sor.u32 $0xA, s15;
	v39 =	vand.u32 $0xFFFF0000, v17;
	v11 =	vand.u32 $0xFFFF, v37;
	v40 =	vld.idx.msk [tilespmem:v8+s26+$0x1C0 ss:$0x1], $0xffff;
	[tilespmem:v9+s28+$0x50 ss:$0x1] =	vst.idx.msk $0xffff, v10  }
0x190: {  	s30 =	sshll.u32 s29, $0x9;
	v10 =	vor.u32 v11, v39;
	v41 =	vld.idx.msk [tilespmem:v8+s26+$0x150 ss:$0x1], $0xffff  }
0x191: {  	[tilespmem:v9+s17+$0xF0 ss:$0x1] =	vst.idx.msk $0xffff, v10;
	v42 =	vld.idx.msk [tilespmem:v8+s26+$0x1D0 ss:$0x1], $0xffff;
	s17 =	sand.u32 $0x3FFFFE00, s30  }
0x192: {  	v50 =	vld.idx.msk [tilespmem:v8+s17+$0x0 ss:$0x1], $0xffff  }
0x193: {  	v51 =	vld.idx.msk [tilespmem:v8+s17+$0x80 ss:$0x1], $0xffff  }
0x194: {  	v52 =	vld.idx.msk [tilespmem:v8+s17+$0x10 ss:$0x1], $0xffff  }
0x195: {  	v53 =	vld.idx.msk [tilespmem:v8+s17+$0x90 ss:$0x1], $0xffff  }
0x196: {  	v54 =	vld.idx.msk [tilespmem:v8+s17+$0x20 ss:$0x1], $0xffff  }
0x197: {  	v12 =	vshll.u32 v57, v7;
	v11 =	vshrl.u32 v56, v6;
	v55 =	vld.idx.msk [tilespmem:v8+s17+$0xA0 ss:$0x1], $0xffff  }
0x198: {  	v10 =	vand.u32 $0xFFFF, v11;
	v11 =	vand.u32 $0xFFFF0000, v12;
	v28 =	vld.idx.msk [tilespmem:v8+s17+$0x30 ss:$0x1], $0xffff  }
0x199: {  	v43 =	vshll.u32 v32, v7;
	v10 =	vor.u32 v10, v11;
	v11 =	vshrl.u32 v31, v6;
	v29 =	vld.idx.msk [tilespmem:v8+s17+$0xB0 ss:$0x1], $0xffff  }
0x19a: {  	v31 =	vld.idx.msk [tilespmem:v8+s17+$0x40 ss:$0x1], $0xffff;
	[tilespmem:v9+s28+$0x80 ss:$0x1] =	vst.idx.msk $0xffff, v10;
	v10 =	vand.u32 $0xFFFF, v11;
	v11 =	vand.u32 $0xFFFF0000, v43  }
0x19b: {  	v46 =	vshll.u32 v34, v7;
	v32 =	vld.idx.msk [tilespmem:v8+s17+$0xC0 ss:$0x1], $0xffff;
	v10 =	vor.u32 v10, v11;
	v11 =	vshrl.u32 v33, v6  }
0x19c: {  	v34 =	vld.idx.msk [tilespmem:v8+s17+$0x50 ss:$0x1], $0xffff;
	[tilespmem:v9+s28+$0x90 ss:$0x1] =	vst.idx.msk $0xffff, v10;
	v10 =	vand.u32 $0xFFFF, v11;
	v11 =	vand.u32 $0xFFFF0000, v46  }
0x19d: {  	v49 =	vshll.u32 v36, v7;
	v36 =	vld.idx.msk [tilespmem:v8+s17+$0x60 ss:$0x1], $0xffff;
	v10 =	vor.u32 v10, v11;
	v11 =	vshrl.u32 v35, v6  }
0x19e: {  	v37 =	vld.idx.msk [tilespmem:v8+s17+$0xE0 ss:$0x1], $0xffff;
	[tilespmem:v9+s28+$0xA0 ss:$0x1] =	vst.idx.msk $0xffff, v10;
	v10 =	vand.u32 $0xFFFF, v11;
	v11 =	vand.u32 $0xFFFF0000, v49  }
0x19f: {  	s31 =	sor.u32 $0xB, s15;
	v15 =	vshll.u32 v45, v5;
	v39 =	vld.idx.msk [tilespmem:v8+s17+$0xF0 ss:$0x1], $0xffff;
	v10 =	vor.u32 v10, v11;
	v11 =	vshrl.u32 v44, v4  }
0x1a0: {  	s20 =	sshll.u32 s31, $0x9;
	v62 =	vshrl.u32 v38, v6;
	v38 =	vld.idx.msk [tilespmem:v8+s17+$0x70 ss:$0x1], $0xffff;
	[tilespmem:v9+s28+$0xB0 ss:$0x1] =	vst.idx.msk $0xffff, v10;
	v10 =	vand.u32 $0xFFFF, v11;
	v11 =	vand.u32 $0xFFFF0000, v15  }
0x1a1: {  	s19 =	sand.u32 $0x3FFFFE00, s20;
	v16 =	vshll.u32 v48, v5;
	v35 =	vld.idx.msk [tilespmem:v8+s17+$0xD0 ss:$0x1], $0xffff;
	v10 =	vor.u32 v10, v11;
	v11 =	vshrl.u32 v47, v4  }
0x1a2: {  	v15 =	vshll.u32 v53, v5;
	v53 =	vld.idx.msk [tilespmem:v8+s19+$0x0 ss:$0x1], $0xffff;
	[tilespmem:v9+s28+$0x60 ss:$0x1] =	vst.idx.msk $0xffff, v10;
	v10 =	vand.u32 $0xFFFF, v11;
	v11 =	vand.u32 $0xFFFF0000, v16  }
0x1a3: {  	v14 =	vshll.u32 v51, v5;
	v56 =	vld.idx.msk [tilespmem:v8+s26+$0x160 ss:$0x1], $0xffff;
	v10 =	vor.u32 v10, v11;
	v11 =	vshrl.u32 v50, v4  }
0x1a4: {  	s16 =	sshll.u32 s29, $0x8;
	v57 =	vld.idx.msk [tilespmem:v8+s26+$0x1E0 ss:$0x1], $0xffff;
	[tilespmem:v9+s28+$0x70 ss:$0x1] =	vst.idx.msk $0xffff, v10;
	v10 =	vand.u32 $0xFFFF, v11;
	v11 =	vand.u32 $0xFFFF0000, v14  }
0x1a5: {  	s16 =	sand.u32 $0x3FFFFF00, s16;
	v17 =	vshll.u32 v40, v7;
	v58 =	vld.idx.msk [tilespmem:v8+s26+$0x170 ss:$0x1], $0xffff;
	v10 =	vor.u32 v10, v11;
	v11 =	vshrl.u32 v52, v4  }
0x1a6: {  	v23 =	vand.u32 $0xFFFF0000, v17;
	v59 =	vld.idx.msk [tilespmem:v8+s26+$0x1F0 ss:$0x1], $0xffff;
	[tilespmem:v9+s16+$0x0 ss:$0x1] =	vst.idx.msk $0xffff, v10;
	v10 =	vand.u32 $0xFFFF, v11;
	v11 =	vand.u32 $0xFFFF0000, v15  }
0x1a7: {  	v16 =	vshll.u32 v55, v5;
	v60 =	vld.idx.msk [tilespmem:v8+s17+$0x100 ss:$0x1], $0xffff;
	v10 =	vor.u32 v10, v11;
	v11 =	vshrl.u32 v54, v4  }
0x1a8: {  	v12 =	vshll.u32 v42, v7;
	v61 =	vld.idx.msk [tilespmem:v8+s17+$0x180 ss:$0x1], $0xffff;
	[tilespmem:v9+s16+$0x10 ss:$0x1] =	vst.idx.msk $0xffff, v10;
	v10 =	vand.u32 $0xFFFF, v11;
	v11 =	vand.u32 $0xFFFF0000, v16  }
0x1a9: {  	v54 =	vld.idx.msk [tilespmem:v8+s19+$0x80 ss:$0x1], $0xffff;
	v27 =	vshll.u32 v57, v7;
	v10 =	vor.u32 v10, v11;
	v11 =	vand.u32 $0xFFFF, v62  }
0x1aa: {  	v57 =	vld.idx.msk [tilespmem:v8+s19+$0x90 ss:$0x1], $0xffff;
	[tilespmem:v9+s16+$0x20 ss:$0x1] =	vst.idx.msk $0xffff, v10;
	v10 =	vor.u32 v11, v23;
	v11 =	vshrl.u32 v41, v6  }
0x1ab: {  	v63 =	vld.idx.msk [tilespmem:v8+s17+$0x110 ss:$0x1], $0xffff;
	[tilespmem:v9+s28+$0xC0 ss:$0x1] =	vst.idx.msk $0xffff, v10;
	v10 =	vand.u32 $0xFFFF, v11;
	v11 =	vand.u32 $0xFFFF0000, v12  }
0x1ac: {  	v24 =	vld.idx.msk [tilespmem:v8+s17+$0x190 ss:$0x1], $0xffff;
	v10 =	vor.u32 v10, v11;
	v11 =	vshrl.u32 v56, v6  }
0x1ad: {  	v62 =	vld.idx.msk [tilespmem:v8+s19+$0xB0 ss:$0x1], $0xffff;
	[tilespmem:v9+s28+$0xD0 ss:$0x1] =	vst.idx.msk $0xffff, v10;
	v10 =	vand.u32 $0xFFFF, v11;
	v11 =	vand.u32 $0xFFFF0000, v27  }
0x1ae: {  	v30 =	vshll.u32 v59, v7;
	v59 =	vld.idx.msk [tilespmem:v8+s19+$0x20 ss:$0x1], $0xffff;
	v10 =	vor.u32 v10, v11;
	v11 =	vshrl.u32 v58, v6  }
0x1af: {  	v25 =	vld.idx.msk [tilespmem:v8+s17+$0x120 ss:$0x1], $0xffff;
	[tilespmem:v9+s28+$0xE0 ss:$0x1] =	vst.idx.msk $0xffff, v10;
	v10 =	vand.u32 $0xFFFF, v11;
	v11 =	vand.u32 $0xFFFF0000, v30  }
0x1b0: {  	v26 =	vld.idx.msk [tilespmem:v8+s17+$0x1A0 ss:$0x1], $0xffff;
	v33 =	vshll.u32 v61, v7;
	v10 =	vor.u32 v10, v11;
	v11 =	vshrl.u32 v60, v6  }
0x1b1: {  	v14 =	vshll.u32 v32, v5;
	v56 =	vld.idx.msk [tilespmem:v8+s19+$0x10 ss:$0x1], $0xffff;
	[tilespmem:v9+s28+$0xF0 ss:$0x1] =	vst.idx.msk $0xffff, v10;
	v10 =	vand.u32 $0xFFFF, v11;
	v11 =	vand.u32 $0xFFFF0000, v33  }
0x1b2: {  	v16 =	vshll.u32 v29, v5;
	v61 =	vld.idx.msk [tilespmem:v8+s19+$0x30 ss:$0x1], $0xffff;
	v10 =	vor.u32 v10, v11;
	v11 =	vshrl.u32 v28, v4  }
0x1b3: {  	v46 =	vshrl.u32 v63, v6;
	v63 =	vld.idx.msk [tilespmem:v8+s19+$0x40 ss:$0x1], $0xffff;
	[tilespmem:v9+s16+$0x80 ss:$0x1] =	vst.idx.msk $0xffff, v10;
	v10 =	vand.u32 $0xFFFF, v11;
	v11 =	vand.u32 $0xFFFF0000, v16  }
0x1b4: {  	v17 =	vshll.u32 v24, v7;
	v24 =	vld.idx.msk [tilespmem:v8+s19+$0xC0 ss:$0x1], $0xffff;
	v10 =	vor.u32 v10, v11;
	v11 =	vshrl.u32 v31, v4  }
0x1b5: {  	v15 =	vshll.u32 v35, v5;
	v60 =	vld.idx.msk [tilespmem:v8+s19+$0xA0 ss:$0x1], $0xffff;
	[tilespmem:v9+s16+$0x30 ss:$0x1] =	vst.idx.msk $0xffff, v10;
	v10 =	vand.u32 $0xFFFF, v11;
	v11 =	vand.u32 $0xFFFF0000, v14  }
0x1b6: {  	v14 =	vshll.u32 v39, v5;
	v39 =	vld.idx.msk [tilespmem:v8+s19+$0xD0 ss:$0x1], $0xffff;
	v10 =	vor.u32 v10, v11;
	v11 =	vshrl.u32 v34, v4  }
0x1b7: {  	v40 =	vld.idx.msk [tilespmem:v8+s17+$0x130 ss:$0x1], $0xffff;
	[tilespmem:v9+s16+$0x40 ss:$0x1] =	vst.idx.msk $0xffff, v10;
	v10 =	vand.u32 $0xFFFF, v11;
	v11 =	vand.u32 $0xFFFF0000, v15  }
0x1b8: {  	v16 =	vshll.u32 v37, v5;
	v41 =	vld.idx.msk [tilespmem:v8+s17+$0x1B0 ss:$0x1], $0xffff;
	v10 =	vor.u32 v10, v11;
	v11 =	vshrl.u32 v36, v4  }
0x1b9: {  	v42 =	vld.idx.msk [tilespmem:v8+s17+$0x140 ss:$0x1], $0xffff;
	[tilespmem:v9+s16+$0x50 ss:$0x1] =	vst.idx.msk $0xffff, v10;
	v10 =	vand.u32 $0xFFFF, v11;
	v11 =	vand.u32 $0xFFFF0000, v16  }
0x1ba: {  	v43 =	vld.idx.msk [tilespmem:v8+s17+$0x1C0 ss:$0x1], $0xffff;
	v10 =	vor.u32 v10, v11;
	v11 =	vshrl.u32 v38, v4  }
0x1bb: {  	v48 =	vand.u32 $0xFFFF0000, v17;
	v44 =	vld.idx.msk [tilespmem:v8+s17+$0x150 ss:$0x1], $0xffff;
	[tilespmem:v9+s16+$0x60 ss:$0x1] =	vst.idx.msk $0xffff, v10;
	v10 =	vand.u32 $0xFFFF, v11;
	v11 =	vand.u32 $0xFFFF0000, v14  }
0x1bc: {  	v12 =	vshll.u32 v26, v7;
	v45 =	vld.idx.msk [tilespmem:v8+s17+$0x1D0 ss:$0x1], $0xffff;
	v10 =	vor.u32 v10, v11;
	v11 =	vand.u32 $0xFFFF, v46  }
0x1bd: {  	v38 =	vld.idx.msk [tilespmem:v8+s19+$0x50 ss:$0x1], $0xffff;
	[tilespmem:v9+s16+$0x70 ss:$0x1] =	vst.idx.msk $0xffff, v10;
	v10 =	vor.u32 v11, v48;
	v11 =	vshrl.u32 v25, v6  }
0x1be: {  	s22 =	sor.u32 $0xC, s15;
	v52 =	vshll.u32 v41, v7;
	v41 =	vld.idx.msk [tilespmem:v8+s19+$0x60 ss:$0x1], $0xffff;
	[tilespmem:v9+s16+$0x90 ss:$0x1] =	vst.idx.msk $0xffff, v10;
	v10 =	vand.u32 $0xFFFF, v11;
	v11 =	vand.u32 $0xFFFF0000, v12  }
0x1bf: {  	s23 =	sshll.u32 s22, $0x9;
	v47 =	vld.idx.msk [tilespmem:v8+s17+$0x160 ss:$0x1], $0xffff;
	v10 =	vor.u32 v10, v11;
	v11 =	vshrl.u32 v40, v6  }
0x1c0: {  	s18 =	sand.u32 $0x3FFFFE00, s23;
	v49 =	vld.idx.msk [tilespmem:v8+s17+$0x1E0 ss:$0x1], $0xffff;
	[tilespmem:v9+s16+$0xA0 ss:$0x1] =	vst.idx.msk $0xffff, v10;
	v10 =	vand.u32 $0xFFFF, v11;
	v11 =	vand.u32 $0xFFFF0000, v52  }
0x1c1: {  	v46 =	vld.idx.msk [tilespmem:v8+s18+$0x0 ss:$0x1], $0xffff;
	v55 =	vshll.u32 v43, v7;
	v10 =	vor.u32 v10, v11;
	v11 =	vshrl.u32 v42, v6  }
0x1c2: {  	v48 =	vld.idx.msk [tilespmem:v8+s18+$0x10 ss:$0x1], $0xffff;
	[tilespmem:v9+s16+$0xB0 ss:$0x1] =	vst.idx.msk $0xffff, v10;
	v10 =	vand.u32 $0xFFFF, v11;
	v11 =	vand.u32 $0xFFFF0000, v55  }
0x1c3: {  	v50 =	vld.idx.msk [tilespmem:v8+s17+$0x170 ss:$0x1], $0xffff;
	v58 =	vshll.u32 v45, v7;
	v10 =	vor.u32 v10, v11;
	v11 =	vshrl.u32 v44, v6  }
0x1c4: {  	v51 =	vld.idx.msk [tilespmem:v8+s17+$0x1F0 ss:$0x1], $0xffff;
	[tilespmem:v9+s16+$0xC0 ss:$0x1] =	vst.idx.msk $0xffff, v10;
	v10 =	vand.u32 $0xFFFF, v11;
	v11 =	vand.u32 $0xFFFF0000, v58  }
0x1c5: {  	v14 =	vshll.u32 v54, v5;
	v45 =	vld.idx.msk [tilespmem:v8+s19+$0xF0 ss:$0x1], $0xffff;
	v10 =	vor.u32 v10, v11;
	v11 =	vshrl.u32 v53, v4  }
0x1c6: {  	s21 =	sshll.u32 s31, $0x8;
	v15 =	vshll.u32 v57, v5;
	v42 =	vld.idx.msk [tilespmem:v8+s19+$0xE0 ss:$0x1], $0xffff;
	[tilespmem:v9+s16+$0xD0 ss:$0x1] =	vst.idx.msk $0xffff, v10;
	v10 =	vand.u32 $0xFFFF, v11;
	v11 =	vand.u32 $0xFFFF0000, v14  }
0x1c7: {  	s17 =	sand.u32 $0x3FFFFF00, s21;
	v31 =	vshrl.u32 v47, v6;
	v47 =	vld.idx.msk [tilespmem:v8+s18+$0x80 ss:$0x1], $0xffff;
	v10 =	vor.u32 v10, v11;
	v11 =	vshrl.u32 v56, v4  }
0x1c8: {  	v17 =	vshll.u32 v49, v7;
	v49 =	vld.idx.msk [tilespmem:v8+s18+$0x90 ss:$0x1], $0xffff;
	[tilespmem:v9+s17+$0x0 ss:$0x1] =	vst.idx.msk $0xffff, v10;
	v10 =	vand.u32 $0xFFFF, v11;
	v11 =	vand.u32 $0xFFFF0000, v15  }
0x1c9: {  	v16 =	vshll.u32 v60, v5;
	v44 =	vld.idx.msk [tilespmem:v8+s19+$0x70 ss:$0x1], $0xffff;
	v10 =	vor.u32 v10, v11;
	v11 =	vshrl.u32 v59, v4  }
0x1ca: {  	v15 =	vshll.u32 v24, v5;
	v24 =	vld.idx.msk [tilespmem:v8+s18+$0xA0 ss:$0x1], $0xffff;
	[tilespmem:v9+s17+$0x10 ss:$0x1] =	vst.idx.msk $0xffff, v10;
	v10 =	vand.u32 $0xFFFF, v11;
	v11 =	vand.u32 $0xFFFF0000, v16  }
0x1cb: {  	v14 =	vshll.u32 v62, v5;
	v25 =	vld.idx.msk [tilespmem:v8+s19+$0x100 ss:$0x1], $0xffff;
	v10 =	vor.u32 v10, v11;
	v11 =	vshrl.u32 v61, v4  }
0x1cc: {  	v26 =	vld.idx.msk [tilespmem:v8+s19+$0x180 ss:$0x1], $0xffff;
	[tilespmem:v9+s17+$0x20 ss:$0x1] =	vst.idx.msk $0xffff, v10;
	v10 =	vand.u32 $0xFFFF, v11;
	v11 =	vand.u32 $0xFFFF0000, v14  }
0x1cd: {  	v27 =	vld.idx.msk [tilespmem:v8+s19+$0x110 ss:$0x1], $0xffff;
	v10 =	vor.u32 v10, v11;
	v11 =	vshrl.u32 v63, v4  }
0x1ce: {  	v33 =	vand.u32 $0xFFFF0000, v17;
	v28 =	vld.idx.msk [tilespmem:v8+s19+$0x190 ss:$0x1], $0xffff;
	[tilespmem:v9+s17+$0x30 ss:$0x1] =	vst.idx.msk $0xffff, v10;
	v10 =	vand.u32 $0xFFFF, v11;
	v11 =	vand.u32 $0xFFFF0000, v15  }
0x1cf: {  	v12 =	vshll.u32 v51, v7;
	v29 =	vld.idx.msk [tilespmem:v8+s19+$0x120 ss:$0x1], $0xffff;
	v10 =	vor.u32 v10, v11;
	v11 =	vand.u32 $0xFFFF, v31  }
0x1d0: {  	v30 =	vld.idx.msk [tilespmem:v8+s19+$0x1A0 ss:$0x1], $0xffff;
	[tilespmem:v9+s17+$0x40 ss:$0x1] =	vst.idx.msk $0xffff, v10;
	v10 =	vor.u32 v11, v33;
	v11 =	vshrl.u32 v50, v6  }
0x1d1: {  	v63 =	vld.idx.msk [tilespmem:v8+s18+$0x20 ss:$0x1], $0xffff;
	[tilespmem:v9+s16+$0xE0 ss:$0x1] =	vst.idx.msk $0xffff, v10;
	v10 =	vand.u32 $0xFFFF, v11;
	v11 =	vand.u32 $0xFFFF0000, v12  }
0x1d2: {  	v37 =	vshll.u32 v26, v7;
	v26 =	vld.idx.msk [tilespmem:v8+s18+$0x30 ss:$0x1], $0xffff;
	v10 =	vor.u32 v10, v11;
	v11 =	vshrl.u32 v25, v6  }
0x1d3: {  	v32 =	vld.idx.msk [tilespmem:v8+s19+$0x130 ss:$0x1], $0xffff;
	[tilespmem:v9+s16+$0xF0 ss:$0x1] =	vst.idx.msk $0xffff, v10;
	v10 =	vand.u32 $0xFFFF, v11;
	v11 =	vand.u32 $0xFFFF0000, v37  }
0x1d4: {  	v34 =	vld.idx.msk [tilespmem:v8+s19+$0x1B0 ss:$0x1], $0xffff;
	v40 =	vshll.u32 v28, v7;
	v10 =	vor.u32 v10, v11;
	v11 =	vshrl.u32 v27, v6  }
0x1d5: {  	v31 =	vld.idx.msk [tilespmem:v8+s18+$0x50 ss:$0x1], $0xffff;
	[tilespmem:v9+s17+$0x80 ss:$0x1] =	vst.idx.msk $0xffff, v10;
	v10 =	vand.u32 $0xFFFF, v11;
	v11 =	vand.u32 $0xFFFF0000, v40  }
0x1d6: {  	v33 =	vld.idx.msk [tilespmem:v8+s18+$0x60 ss:$0x1], $0xffff;
	v43 =	vshll.u32 v30, v7;
	v10 =	vor.u32 v10, v11;
	v11 =	vshrl.u32 v29, v6  }
0x1d7: {  	v35 =	vld.idx.msk [tilespmem:v8+s19+$0x140 ss:$0x1], $0xffff;
	[tilespmem:v9+s17+$0x90 ss:$0x1] =	vst.idx.msk $0xffff, v10;
	v10 =	vand.u32 $0xFFFF, v11;
	v11 =	vand.u32 $0xFFFF0000, v43  }
0x1d8: {  	v15 =	vshll.u32 v39, v5;
	v36 =	vld.idx.msk [tilespmem:v8+s19+$0x1C0 ss:$0x1], $0xffff;
	v10 =	vor.u32 v10, v11;
	v11 =	vshrl.u32 v38, v4  }
0x1d9: {  	v16 =	vshll.u32 v42, v5;
	v30 =	vld.idx.msk [tilespmem:v8+s18+$0xC0 ss:$0x1], $0xffff;
	[tilespmem:v9+s17+$0xA0 ss:$0x1] =	vst.idx.msk $0xffff, v10;
	v10 =	vand.u32 $0xFFFF, v11;
	v11 =	vand.u32 $0xFFFF0000, v15  }
0x1da: {  	v14 =	vshll.u32 v45, v5;
	v27 =	vld.idx.msk [tilespmem:v8+s18+$0xB0 ss:$0x1], $0xffff;
	v10 =	vor.u32 v10, v11;
	v11 =	vshrl.u32 v41, v4  }
0x1db: {  	v56 =	vshrl.u32 v32, v6;
	v32 =	vld.idx.msk [tilespmem:v8+s18+$0xD0 ss:$0x1], $0xffff;
	[tilespmem:v9+s17+$0x50 ss:$0x1] =	vst.idx.msk $0xffff, v10;
	v10 =	vand.u32 $0xFFFF, v11;
	v11 =	vand.u32 $0xFFFF0000, v16  }
0x1dc: {  	v17 =	vshll.u32 v34, v7;
	v34 =	vld.idx.msk [tilespmem:v8+s18+$0xE0 ss:$0x1], $0xffff;
	v10 =	vor.u32 v10, v11;
	v11 =	vshrl.u32 v44, v4  }
0x1dd: {  	v29 =	vld.idx.msk [tilespmem:v8+s18+$0x40 ss:$0x1], $0xffff;
	v15 =	vshll.u32 v47, v5;
	[tilespmem:v9+s17+$0x60 ss:$0x1] =	vst.idx.msk $0xffff, v10;
	v10 =	vand.u32 $0xFFFF, v11;
	v11 =	vand.u32 $0xFFFF0000, v14  }
0x1de: {  	v16 =	vshll.u32 v49, v5;
	v49 =	vld.idx.msk [tilespmem:v8+s18+$0xF0 ss:$0x1], $0xffff;
	v10 =	vor.u32 v10, v11;
	v11 =	vshrl.u32 v46, v4  }
0x1df: {  	s16 =	sshll.u32 s22, $0x8;
	v50 =	vld.idx.msk [tilespmem:v8+s19+$0x150 ss:$0x1], $0xffff;
	[tilespmem:v9+s17+$0x70 ss:$0x1] =	vst.idx.msk $0xffff, v10;
	v10 =	vand.u32 $0xFFFF, v11;
	v11 =	vand.u32 $0xFFFF0000, v15  }
0x1e0: {  	s16 =	sand.u32 $0x3FFFFF00, s16;
	v51 =	vld.idx.msk [tilespmem:v8+s19+$0x1D0 ss:$0x1], $0xffff;
	v10 =	vor.u32 v10, v11;
	v11 =	vshrl.u32 v48, v4  }
0x1e1: {  	v58 =	vand.u32 $0xFFFF0000, v17;
	v52 =	vld.idx.msk [tilespmem:v8+s19+$0x160 ss:$0x1], $0xffff;
	[tilespmem:v9+s16+$0x0 ss:$0x1] =	vst.idx.msk $0xffff, v10;
	v10 =	vand.u32 $0xFFFF, v11;
	v11 =	vand.u32 $0xFFFF0000, v16  }
0x1e2: {  	v12 =	vshll.u32 v36, v7;
	v53 =	vld.idx.msk [tilespmem:v8+s19+$0x1E0 ss:$0x1], $0xffff;
	v10 =	vor.u32 v10, v11;
	v11 =	vand.u32 $0xFFFF, v56  }
0x1e3: {  	s24 =	sor.u32 $0xD, s15;
	v54 =	vld.idx.msk [tilespmem:v8+s19+$0x170 ss:$0x1], $0xffff;
	[tilespmem:v9+s16+$0x10 ss:$0x1] =	vst.idx.msk $0xffff, v10;
	v10 =	vor.u32 v11, v58;
	v11 =	vshrl.u32 v35, v6  }
0x1e4: {  	s25 =	sshll.u32 s24, $0x9;
	v55 =	vld.idx.msk [tilespmem:v8+s19+$0x1F0 ss:$0x1], $0xffff;
	[tilespmem:v9+s17+$0xB0 ss:$0x1] =	vst.idx.msk $0xffff, v10;
	v10 =	vand.u32 $0xFFFF, v11;
	v11 =	vand.u32 $0xFFFF0000, v12  }
0x1e5: {  	v48 =	vld.idx.msk [tilespmem:v8+s18+$0x70 ss:$0x1], $0xffff;
	s19 =	sand.u32 $0x3FFFFE00, s25;
	v62 =	vshll.u32 v51, v7;
	v10 =	vor.u32 v10, v11;
	v11 =	vshrl.u32 v50, v6  }
0x1e6: {  	v51 =	vld.idx.msk [tilespmem:v8+s19+$0x0 ss:$0x1], $0xffff;
	[tilespmem:v9+s17+$0xC0 ss:$0x1] =	vst.idx.msk $0xffff, v10;
	v10 =	vand.u32 $0xFFFF, v11;
	v11 =	vand.u32 $0xFFFF0000, v62  }
0x1e7: {  	v57 =	vld.idx.msk [tilespmem:v8+s18+$0x100 ss:$0x1], $0xffff;
	v25 =	vshll.u32 v53, v7;
	v10 =	vor.u32 v10, v11;
	v11 =	vshrl.u32 v52, v6  }
0x1e8: {  	v59 =	vld.idx.msk [tilespmem:v8+s18+$0x180 ss:$0x1], $0xffff;
	[tilespmem:v9+s17+$0xD0 ss:$0x1] =	vst.idx.msk $0xffff, v10;
	v10 =	vand.u32 $0xFFFF, v11;
	v11 =	vand.u32 $0xFFFF0000, v25  }
0x1e9: {  	v56 =	vld.idx.msk [tilespmem:v8+s19+$0x20 ss:$0x1], $0xffff;
	v28 =	vshll.u32 v55, v7;
	v10 =	vor.u32 v10, v11;
	v11 =	vshrl.u32 v54, v6  }
0x1ea: {  	v58 =	vld.idx.msk [tilespmem:v8+s19+$0x30 ss:$0x1], $0xffff;
	[tilespmem:v9+s17+$0xE0 ss:$0x1] =	vst.idx.msk $0xffff, v10;
	v10 =	vand.u32 $0xFFFF, v11;
	v11 =	vand.u32 $0xFFFF0000, v28  }
0x1eb: {  	v16 =	vshll.u32 v24, v5;
	v60 =	vld.idx.msk [tilespmem:v8+s18+$0x110 ss:$0x1], $0xffff;
	v10 =	vor.u32 v10, v11;
	v11 =	vshrl.u32 v63, v4  }
0x1ec: {  	v61 =	vld.idx.msk [tilespmem:v8+s18+$0x190 ss:$0x1], $0xffff;
	[tilespmem:v9+s17+$0xF0 ss:$0x1] =	vst.idx.msk $0xffff, v10;
	v10 =	vand.u32 $0xFFFF, v11;
	v11 =	vand.u32 $0xFFFF0000, v16  }
0x1ed: {  	v14 =	vshll.u32 v27, v5;
	v55 =	vld.idx.msk [tilespmem:v8+s19+$0x90 ss:$0x1], $0xffff;
	v10 =	vor.u32 v10, v11;
	v11 =	vshrl.u32 v26, v4  }
0x1ee: {  	v15 =	vshll.u32 v30, v5;
	v52 =	vld.idx.msk [tilespmem:v8+s19+$0x80 ss:$0x1], $0xffff;
	[tilespmem:v9+s16+$0x20 ss:$0x1] =	vst.idx.msk $0xffff, v10;
	v10 =	vand.u32 $0xFFFF, v11;
	v11 =	vand.u32 $0xFFFF0000, v14  }
0x1ef: {  	v41 =	vshrl.u32 v57, v6;
	v57 =	vld.idx.msk [tilespmem:v8+s19+$0xA0 ss:$0x1], $0xffff;
	v10 =	vor.u32 v10, v11;
	v11 =	vshrl.u32 v29, v4  }
0x1f0: {  	v17 =	vshll.u32 v59, v7;
	v59 =	vld.idx.msk [tilespmem:v8+s19+$0xB0 ss:$0x1], $0xffff;
	[tilespmem:v9+s16+$0x30 ss:$0x1] =	vst.idx.msk $0xffff, v10;
	v10 =	vand.u32 $0xFFFF, v11;
	v11 =	vand.u32 $0xFFFF0000, v15  }
0x1f1: {  	v54 =	vld.idx.msk [tilespmem:v8+s19+$0x10 ss:$0x1], $0xffff;
	v16 =	vshll.u32 v32, v5;
	v10 =	vor.u32 v10, v11;
	v11 =	vshrl.u32 v31, v4  }
0x1f2: {  	v35 =	vld.idx.msk [tilespmem:v8+s18+$0x120 ss:$0x1], $0xffff;
	[tilespmem:v9+s16+$0x40 ss:$0x1] =	vst.idx.msk $0xffff, v10;
	v10 =	vand.u32 $0xFFFF, v11;
	v11 =	vand.u32 $0xFFFF0000, v16  }
0x1f3: {  	v14 =	vshll.u32 v34, v5;
	v36 =	vld.idx.msk [tilespmem:v8+s18+$0x1A0 ss:$0x1], $0xffff;
	v10 =	vor.u32 v10, v11;
	v11 =	vshrl.u32 v33, v4  }
0x1f4: {  	v43 =	vand.u32 $0xFFFF0000, v17;
	v37 =	vld.idx.msk [tilespmem:v8+s18+$0x130 ss:$0x1], $0xffff;
	[tilespmem:v9+s16+$0x50 ss:$0x1] =	vst.idx.msk $0xffff, v10;
	v10 =	vand.u32 $0xFFFF, v11;
	v11 =	vand.u32 $0xFFFF0000, v14  }
0x1f5: {  	v12 =	vshll.u32 v61, v7;
	v38 =	vld.idx.msk [tilespmem:v8+s18+$0x1B0 ss:$0x1], $0xffff;
	v10 =	vor.u32 v10, v11;
	v11 =	vand.u32 $0xFFFF, v41  }
0x1f6: {  	v39 =	vld.idx.msk [tilespmem:v8+s18+$0x140 ss:$0x1], $0xffff;
	[tilespmem:v9+s16+$0x60 ss:$0x1] =	vst.idx.msk $0xffff, v10;
	v10 =	vor.u32 v11, v43;
	v11 =	vshrl.u32 v60, v6  }
0x1f7: {  	v40 =	vld.idx.msk [tilespmem:v8+s18+$0x1C0 ss:$0x1], $0xffff;
	[tilespmem:v9+s16+$0x80 ss:$0x1] =	vst.idx.msk $0xffff, v10;
	v10 =	vand.u32 $0xFFFF, v11;
	v11 =	vand.u32 $0xFFFF0000, v12  }
0x1f8: {  	v34 =	vld.idx.msk [tilespmem:v8+s19+$0xC0 ss:$0x1], $0xffff;
	v47 =	vshll.u32 v36, v7;
	v10 =	vor.u32 v10, v11;
	v11 =	vshrl.u32 v35, v6  }
0x1f9: {  	v33 =	vld.idx.msk [tilespmem:v8+s19+$0x40 ss:$0x1], $0xffff;
	[tilespmem:v9+s16+$0x90 ss:$0x1] =	vst.idx.msk $0xffff, v10;
	v10 =	vand.u32 $0xFFFF, v11;
	v11 =	vand.u32 $0xFFFF0000, v47  }
0x1fa: {  	v36 =	vld.idx.msk [tilespmem:v8+s19+$0x50 ss:$0x1], $0xffff;
	v50 =	vshll.u32 v38, v7;
	v10 =	vor.u32 v10, v11;
	v11 =	vshrl.u32 v37, v6  }
0x1fb: {  	v42 =	vld.idx.msk [tilespmem:v8+s18+$0x150 ss:$0x1], $0xffff;
	[tilespmem:v9+s16+$0xA0 ss:$0x1] =	vst.idx.msk $0xffff, v10;
	v10 =	vand.u32 $0xFFFF, v11;
	v11 =	vand.u32 $0xFFFF0000, v50  }
0x1fc: {  	v44 =	vld.idx.msk [tilespmem:v8+s18+$0x1D0 ss:$0x1], $0xffff;
	v53 =	vshll.u32 v40, v7;
	v10 =	vor.u32 v10, v11;
	v11 =	vshrl.u32 v39, v6  }
0x1fd: {  	v41 =	vld.idx.msk [tilespmem:v8+s19+$0x70 ss:$0x1], $0xffff;
	[tilespmem:v9+s16+$0xB0 ss:$0x1] =	vst.idx.msk $0xffff, v10;
	v10 =	vand.u32 $0xFFFF, v11;
	v11 =	vand.u32 $0xFFFF0000, v53  }
0x1fe: {  	v14 =	vshll.u32 v49, v5;
	v45 =	vld.idx.msk [tilespmem:v8+s18+$0x160 ss:$0x1], $0xffff;
	v10 =	vor.u32 v10, v11;
	v11 =	vshrl.u32 v48, v4  }
0x1ff: {  	v46 =	vld.idx.msk [tilespmem:v8+s18+$0x1E0 ss:$0x1], $0xffff;
	[tilespmem:v9+s16+$0xC0 ss:$0x1] =	vst.idx.msk $0xffff, v10;
	v10 =	vand.u32 $0xFFFF, v11;
	v11 =	vand.u32 $0xFFFF0000, v14  }
0x200: {  	v15 =	vshll.u32 v52, v5;
	v40 =	vld.idx.msk [tilespmem:v8+s19+$0xE0 ss:$0x1], $0xffff;
	v10 =	vor.u32 v10, v11;
	v11 =	vshrl.u32 v51, v4  }
0x201: {  	s17 =	sshll.u32 s24, $0x8;
	v16 =	vshll.u32 v55, v5;
	v37 =	vld.idx.msk [tilespmem:v8+s19+$0xD0 ss:$0x1], $0xffff;
	[tilespmem:v9+s16+$0x70 ss:$0x1] =	vst.idx.msk $0xffff, v10;
	v10 =	vand.u32 $0xFFFF, v11;
	v11 =	vand.u32 $0xFFFF0000, v15  }
0x202: {  	s17 =	sand.u32 $0x3FFFFF00, s17;
	v26 =	vshrl.u32 v42, v6;
	v42 =	vld.idx.msk [tilespmem:v8+s19+$0xF0 ss:$0x1], $0xffff;
	v10 =	vor.u32 v10, v11;
	v11 =	vshrl.u32 v54, v4  }
0x203: {  	s26 =	sor.u32 $0xE, s15;
	v39 =	vld.idx.msk [tilespmem:v8+s19+$0x60 ss:$0x1], $0xffff;
	[tilespmem:v9+s17+$0x0 ss:$0x1] =	vst.idx.msk $0xffff, v10;
	v10 =	vand.u32 $0xFFFF, v11;
	v11 =	vand.u32 $0xFFFF0000, v16  }
0x204: {  	s28 =	sshll.u32 s26, $0x9;
	v14 =	vshll.u32 v57, v5;
	v60 =	vld.idx.msk [tilespmem:v8+s18+$0x170 ss:$0x1], $0xffff;
	v10 =	vor.u32 v10, v11;
	v11 =	vshrl.u32 v56, v4  }
0x205: {  	v17 =	vshll.u32 v44, v7;
	v61 =	vld.idx.msk [tilespmem:v8+s18+$0x1F0 ss:$0x1], $0xffff;
	s18 =	sand.u32 $0x3FFFFE00, s28;
	[tilespmem:v9+s17+$0x10 ss:$0x1] =	vst.idx.msk $0xffff, v10;
	v10 =	vand.u32 $0xFFFF, v11;
	v11 =	vand.u32 $0xFFFF0000, v14  }
0x206: {  	v15 =	vshll.u32 v59, v5;
	v43 =	vld.idx.msk [tilespmem:v8+s18+$0x0 ss:$0x1], $0xffff;
	v10 =	vor.u32 v10, v11;
	v11 =	vshrl.u32 v58, v4  }
0x207: {  	v28 =	vand.u32 $0xFFFF0000, v17;
	v62 =	vld.idx.msk [tilespmem:v8+s19+$0x100 ss:$0x1], $0xffff;
	[tilespmem:v9+s17+$0x20 ss:$0x1] =	vst.idx.msk $0xffff, v10;
	v10 =	vand.u32 $0xFFFF, v11;
	v11 =	vand.u32 $0xFFFF0000, v15  }
0x208: {  	v12 =	vshll.u32 v46, v7;
	v63 =	vld.idx.msk [tilespmem:v8+s19+$0x180 ss:$0x1], $0xffff;
	v10 =	vor.u32 v10, v11;
	v11 =	vand.u32 $0xFFFF, v26  }
0x209: {  	v24 =	vld.idx.msk [tilespmem:v8+s19+$0x110 ss:$0x1], $0xffff;
	[tilespmem:v9+s17+$0x30 ss:$0x1] =	vst.idx.msk $0xffff, v10;
	v10 =	vor.u32 v11, v28;
	v11 =	vshrl.u32 v45, v6  }
0x20a: {  	v25 =	vld.idx.msk [tilespmem:v8+s19+$0x190 ss:$0x1], $0xffff;
	[tilespmem:v9+s16+$0xD0 ss:$0x1] =	vst.idx.msk $0xffff, v10;
	v10 =	vand.u32 $0xFFFF, v11;
	v11 =	vand.u32 $0xFFFF0000, v12  }
0x20b: {  	v44 =	vld.idx.msk [tilespmem:v8+s18+$0x80 ss:$0x1], $0xffff;
	v32 =	vshll.u32 v61, v7;
	v10 =	vor.u32 v10, v11;
	v11 =	vshrl.u32 v60, v6  }
0x20c: {  	v59 =	vld.idx.msk [tilespmem:v8+s18+$0x90 ss:$0x1], $0xffff;
	[tilespmem:v9+s16+$0xE0 ss:$0x1] =	vst.idx.msk $0xffff, v10;
	v10 =	vand.u32 $0xFFFF, v11;
	v11 =	vand.u32 $0xFFFF0000, v32  }
0x20d: {  	v58 =	vld.idx.msk [tilespmem:v8+s18+$0x10 ss:$0x1], $0xffff;
	v35 =	vshll.u32 v63, v7;
	v10 =	vor.u32 v10, v11;
	v11 =	vshrl.u32 v62, v6  }
0x20e: {  	v61 =	vld.idx.msk [tilespmem:v8+s18+$0x20 ss:$0x1], $0xffff;
	[tilespmem:v9+s16+$0xF0 ss:$0x1] =	vst.idx.msk $0xffff, v10;
	v10 =	vand.u32 $0xFFFF, v11;
	v11 =	vand.u32 $0xFFFF0000, v35  }
0x20f: {  	v27 =	vld.idx.msk [tilespmem:v8+s19+$0x120 ss:$0x1], $0xffff;
	v38 =	vshll.u32 v25, v7;
	v10 =	vor.u32 v10, v11;
	v11 =	vshrl.u32 v24, v6  }
0x210: {  	v29 =	vld.idx.msk [tilespmem:v8+s19+$0x1A0 ss:$0x1], $0xffff;
	[tilespmem:v9+s17+$0x80 ss:$0x1] =	vst.idx.msk $0xffff, v10;
	v10 =	vand.u32 $0xFFFF, v11;
	v11 =	vand.u32 $0xFFFF0000, v38  }
0x211: {  	v15 =	vshll.u32 v34, v5;
	v26 =	vld.idx.msk [tilespmem:v8+s18+$0x40 ss:$0x1], $0xffff;
	v10 =	vor.u32 v10, v11;
	v11 =	vshrl.u32 v33, v4  }
0x212: {  	v28 =	vld.idx.msk [tilespmem:v8+s18+$0x50 ss:$0x1], $0xffff;
	[tilespmem:v9+s17+$0x90 ss:$0x1] =	vst.idx.msk $0xffff, v10;
	v10 =	vand.u32 $0xFFFF, v11;
	v11 =	vand.u32 $0xFFFF0000, v15  }
0x213: {  	v16 =	vshll.u32 v37, v5;
	v30 =	vld.idx.msk [tilespmem:v8+s19+$0x130 ss:$0x1], $0xffff;
	v10 =	vor.u32 v10, v11;
	v11 =	vshrl.u32 v36, v4  }
0x214: {  	v31 =	vld.idx.msk [tilespmem:v8+s19+$0x1B0 ss:$0x1], $0xffff;
	[tilespmem:v9+s17+$0x40 ss:$0x1] =	vst.idx.msk $0xffff, v10;
	v10 =	vand.u32 $0xFFFF, v11;
	v11 =	vand.u32 $0xFFFF0000, v16  }
0x215: {  	v14 =	vshll.u32 v40, v5;
	v25 =	vld.idx.msk [tilespmem:v8+s18+$0xB0 ss:$0x1], $0xffff;
	v10 =	vor.u32 v10, v11;
	v11 =	vshrl.u32 v39, v4  }
0x216: {  	v51 =	vshrl.u32 v27, v6;
	v62 =	vld.idx.msk [tilespmem:v8+s18+$0xA0 ss:$0x1], $0xffff;
	[tilespmem:v9+s17+$0x50 ss:$0x1] =	vst.idx.msk $0xffff, v10;
	v10 =	vand.u32 $0xFFFF, v11;
	v11 =	vand.u32 $0xFFFF0000, v14  }
0x217: {  	v27 =	vld.idx.msk [tilespmem:v8+s18+$0xC0 ss:$0x1], $0xffff;
	v15 =	vshll.u32 v42, v5;
	v10 =	vor.u32 v10, v11;
	v11 =	vshrl.u32 v41, v4  }
0x218: {  	v17 =	vshll.u32 v29, v7;
	v45 =	vld.idx.msk [tilespmem:v8+s19+$0x140 ss:$0x1], $0xffff;
	[tilespmem:v9+s17+$0x60 ss:$0x1] =	vst.idx.msk $0xffff, v10;
	v10 =	vand.u32 $0xFFFF, v11;
	v11 =	vand.u32 $0xFFFF0000, v15  }
0x219: {  	v16 =	vshll.u32 v44, v5;
	v46 =	vld.idx.msk [tilespmem:v8+s19+$0x1C0 ss:$0x1], $0xffff;
	v10 =	vor.u32 v10, v11;
	v11 =	vshrl.u32 v43, v4  }
0x21a: {  	s16 =	sshll.u32 s26, $0x8;
	v53 =	vand.u32 $0xFFFF0000, v17;
	v47 =	vld.idx.msk [tilespmem:v8+s19+$0x150 ss:$0x1], $0xffff;
	[tilespmem:v9+s17+$0x70 ss:$0x1] =	vst.idx.msk $0xffff, v10;
	v10 =	vand.u32 $0xFFFF, v11;
	v11 =	vand.u32 $0xFFFF0000, v16  }
0x21b: {  	s16 =	sand.u32 $0x3FFFFF00, s16;
	v12 =	vshll.u32 v31, v7;
	v48 =	vld.idx.msk [tilespmem:v8+s19+$0x1D0 ss:$0x1], $0xffff;
	v10 =	vor.u32 v10, v11;
	v11 =	vand.u32 $0xFFFF, v51  }
0x21c: {  	v49 =	vld.idx.msk [tilespmem:v8+s19+$0x160 ss:$0x1], $0xffff;
	[tilespmem:v9+s16+$0x0 ss:$0x1] =	vst.idx.msk $0xffff, v10;
	v10 =	vor.u32 v11, v53;
	v11 =	vshrl.u32 v30, v6  }
0x21d: {  	v50 =	vld.idx.msk [tilespmem:v8+s19+$0x1E0 ss:$0x1], $0xffff;
	[tilespmem:v9+s17+$0xA0 ss:$0x1] =	vst.idx.msk $0xffff, v10;
	v10 =	vand.u32 $0xFFFF, v11;
	v11 =	vand.u32 $0xFFFF0000, v12  }
0x21e: {  	v29 =	vld.idx.msk [tilespmem:v8+s18+$0xD0 ss:$0x1], $0xffff;
	v57 =	vshll.u32 v46, v7;
	v10 =	vor.u32 v10, v11;
	v11 =	vshrl.u32 v45, v6  }
0x21f: {  	v24 =	vld.idx.msk [tilespmem:v8+s18+$0x30 ss:$0x1], $0xffff;
	[tilespmem:v9+s17+$0xB0 ss:$0x1] =	vst.idx.msk $0xffff, v10;
	v10 =	vand.u32 $0xFFFF, v11;
	v11 =	vand.u32 $0xFFFF0000, v57  }
0x220: {  	v44 =	vld.idx.msk [tilespmem:v8+s18+$0xE0 ss:$0x1], $0xffff;
	v60 =	vshll.u32 v48, v7;
	v10 =	vor.u32 v10, v11;
	v11 =	vshrl.u32 v47, v6  }
0x221: {  	v43 =	vld.idx.msk [tilespmem:v8+s18+$0x60 ss:$0x1], $0xffff;
	[tilespmem:v9+s17+$0xC0 ss:$0x1] =	vst.idx.msk $0xffff, v10;
	v10 =	vand.u32 $0xFFFF, v11;
	v11 =	vand.u32 $0xFFFF0000, v60  }
0x222: {  	v46 =	vld.idx.msk [tilespmem:v8+s18+$0x70 ss:$0x1], $0xffff;
	v63 =	vshll.u32 v50, v7;
	v10 =	vor.u32 v10, v11;
	v11 =	vshrl.u32 v49, v6  }
0x223: {  	v52 =	vld.idx.msk [tilespmem:v8+s19+$0x170 ss:$0x1], $0xffff;
	[tilespmem:v9+s17+$0xD0 ss:$0x1] =	vst.idx.msk $0xffff, v10;
	v10 =	vand.u32 $0xFFFF, v11;
	v11 =	vand.u32 $0xFFFF0000, v63  }
0x224: {  	v16 =	vshll.u32 v59, v5;
	v54 =	vld.idx.msk [tilespmem:v8+s19+$0x1F0 ss:$0x1], $0xffff;
	v10 =	vor.u32 v10, v11;
	v11 =	vshrl.u32 v58, v4  }
0x225: {  	v55 =	vld.idx.msk [tilespmem:v8+s18+$0x100 ss:$0x1], $0xffff;
	[tilespmem:v9+s17+$0xE0 ss:$0x1] =	vst.idx.msk $0xffff, v10;
	v10 =	vand.u32 $0xFFFF, v11;
	v11 =	vand.u32 $0xFFFF0000, v16  }
0x226: {  	v14 =	vshll.u32 v62, v5;
	v56 =	vld.idx.msk [tilespmem:v8+s18+$0x180 ss:$0x1], $0xffff;
	v10 =	vor.u32 v10, v11;
	v11 =	vshrl.u32 v61, v4  }
0x227: {  	v47 =	vld.idx.msk [tilespmem:v8+s18+$0xF0 ss:$0x1], $0xffff;
	[tilespmem:v9+s16+$0x10 ss:$0x1] =	vst.idx.msk $0xffff, v10;
	v10 =	vand.u32 $0xFFFF, v11;
	v11 =	vand.u32 $0xFFFF0000, v14  }
0x228: {  	v15 =	vshll.u32 v25, v5;
	v30 =	vld.idx.msk [tilespmem:v8+s18+$0x110 ss:$0x1], $0xffff;
	v10 =	vor.u32 v10, v11;
	v11 =	vshrl.u32 v24, v4  }
0x229: {  	v31 =	vld.idx.msk [tilespmem:v8+s18+$0x190 ss:$0x1], $0xffff;
	[tilespmem:v9+s16+$0x20 ss:$0x1] =	vst.idx.msk $0xffff, v10;
	v10 =	vand.u32 $0xFFFF, v11;
	v11 =	vand.u32 $0xFFFF0000, v15  }
0x22a: {  	v16 =	vshll.u32 v27, v5;
	v32 =	vld.idx.msk [tilespmem:v8+s18+$0x120 ss:$0x1], $0xffff;
	v10 =	vor.u32 v10, v11;
	v11 =	vshrl.u32 v26, v4  }
0x22b: {  	v33 =	vld.idx.msk [tilespmem:v8+s18+$0x1A0 ss:$0x1], $0xffff;
	[tilespmem:v9+s16+$0x30 ss:$0x1] =	vst.idx.msk $0xffff, v10;
	v10 =	vand.u32 $0xFFFF, v11;
	v11 =	vand.u32 $0xFFFF0000, v16  }
0x22c: {  	v14 =	vshll.u32 v29, v5;
	v34 =	vld.idx.msk [tilespmem:v8+s18+$0x130 ss:$0x1], $0xffff;
	v10 =	vor.u32 v10, v11;
	v11 =	vshrl.u32 v28, v4  }
0x22d: {  	v35 =	vld.idx.msk [tilespmem:v8+s18+$0x1B0 ss:$0x1], $0xffff;
	[tilespmem:v9+s16+$0x40 ss:$0x1] =	vst.idx.msk $0xffff, v10;
	v10 =	vand.u32 $0xFFFF, v11;
	v11 =	vand.u32 $0xFFFF0000, v14  }
0x22e: {  	v36 =	vshrl.u32 v52, v6;
	v17 =	vshll.u32 v54, v7;
	v37 =	vld.idx.msk [tilespmem:v8+s18+$0x140 ss:$0x1], $0xffff;
	v10 =	vor.u32 v10, v11  }
0x22f: {  	s29 =	sor.u32 $0xF, s15;
	v38 =	vand.u32 $0xFFFF0000, v17;
	v11 =	vand.u32 $0xFFFF, v36;
	v39 =	vld.idx.msk [tilespmem:v8+s18+$0x1C0 ss:$0x1], $0xffff;
	[tilespmem:v9+s16+$0x50 ss:$0x1] =	vst.idx.msk $0xffff, v10  }
0x230: {  	s30 =	sshll.u32 s29, $0x9;
	v10 =	vor.u32 v11, v38;
	v40 =	vld.idx.msk [tilespmem:v8+s18+$0x150 ss:$0x1], $0xffff  }
0x231: {  	[tilespmem:v9+s17+$0xF0 ss:$0x1] =	vst.idx.msk $0xffff, v10;
	v41 =	vld.idx.msk [tilespmem:v8+s18+$0x1D0 ss:$0x1], $0xffff;
	s17 =	sand.u32 $0x3FFFFE00, s30  }
0x232: {  	v12 =	vshll.u32 v56, v7;
	v11 =	vshrl.u32 v55, v6;
	v49 =	vld.idx.msk [tilespmem:v8+s17+$0x0 ss:$0x1], $0xffff  }
0x233: {  	v15 =	vshll.u32 v47, v5;
	v10 =	vand.u32 $0xFFFF, v11;
	v11 =	vand.u32 $0xFFFF0000, v12;
	v50 =	vld.idx.msk [tilespmem:v8+s17+$0x80 ss:$0x1], $0xffff  }
0x234: {  	v42 =	vshll.u32 v31, v7;
	v10 =	vor.u32 v10, v11;
	v11 =	vshrl.u32 v30, v6;
	v51 =	vld.idx.msk [tilespmem:v8+s17+$0x10 ss:$0x1], $0xffff  }
0x235: {  	v14 =	vshll.u32 v44, v5;
	v53 =	vld.idx.msk [tilespmem:v8+s17+$0x20 ss:$0x1], $0xffff;
	[tilespmem:v9+s16+$0x80 ss:$0x1] =	vst.idx.msk $0xffff, v10;
	v10 =	vand.u32 $0xFFFF, v11;
	v11 =	vand.u32 $0xFFFF0000, v42  }
0x236: {  	v45 =	vshll.u32 v33, v7;
	v36 =	vld.idx.msk [tilespmem:v8+s17+$0x50 ss:$0x1], $0xffff;
	v10 =	vor.u32 v10, v11;
	v11 =	vshrl.u32 v32, v6  }
0x237: {  	v48 =	vshll.u32 v35, v7;
	v38 =	vld.idx.msk [tilespmem:v8+s17+$0x60 ss:$0x1], $0xffff;
	[tilespmem:v9+s16+$0x90 ss:$0x1] =	vst.idx.msk $0xffff, v10;
	v10 =	vand.u32 $0xFFFF, v11;
	v11 =	vand.u32 $0xFFFF0000, v45  }
0x238: {  	v42 =	vld.idx.msk [tilespmem:v8+s17+$0x70 ss:$0x1], $0xffff;
	v60 =	vshrl.u32 v37, v6;
	v17 =	vshll.u32 v39, v7;
	v10 =	vor.u32 v10, v11  }
0x239: {  	v52 =	vld.idx.msk [tilespmem:v8+s17+$0x90 ss:$0x1], $0xffff;
	v11 =	vshrl.u32 v34, v6;
	v13 =	vshrl.u32 v40, v6;
	v12 =	vshll.u32 v41, v7  }
0x23a: {  	v54 =	vld.idx.msk [tilespmem:v8+s17+$0xA0 ss:$0x1], $0xffff;
	[tilespmem:v9+s16+$0xA0 ss:$0x1] =	vst.idx.msk $0xffff, v10;
	v10 =	vand.u32 $0xFFFF, v11;
	v11 =	vand.u32 $0xFFFF0000, v48;
	v16 =	vshll.u32 v50, v5  }
0x23b: {  	v26 =	vld.idx.msk [tilespmem:v8+s17+$0x30 ss:$0x1], $0xffff;
	v59 =	vshrl.u32 v53, v4;
	v13 =	vand.u32 $0xFFFF, v13;
	v12 =	vand.u32 $0xFFFF0000, v12  }
0x23c: {  	v29 =	vld.idx.msk [tilespmem:v8+s17+$0xB0 ss:$0x1], $0xffff;
	v20 =	vshrl.u32 v38, v4;
	v10 =	vor.u32 v10, v11;
	v11 =	vshrl.u32 v43, v4  }
0x23d: {  	v35 =	vld.idx.msk [tilespmem:v8+s17+$0xC0 ss:$0x1], $0xffff;
	v12 =	vor.u32 v13, v12;
	v13 =	vshrl.u32 v36, v4;
	v21 =	vshrl.u32 v42, v4  }
0x23e: {  	v44 =	vld.idx.msk [tilespmem:v8+s17+$0xF0 ss:$0x1], $0xffff;
	[tilespmem:v9+s16+$0xB0 ss:$0x1] =	vst.idx.msk $0xffff, v10;
	v10 =	vand.u32 $0xFFFF, v11;
	v11 =	vand.u32 $0xFFFF0000, v14;
	v14 =	vshll.u32 v52, v5  }
0x23f: {  	v32 =	vld.idx.msk [tilespmem:v8+s17+$0x40 ss:$0x1], $0xffff;
	v50 =	vand.u32 $0xFFFF, v21;
	v10 =	vor.u32 v10, v11;
	v11 =	vshrl.u32 v46, v4  }
0x240: {  	v37 =	vld.idx.msk [tilespmem:v8+s17+$0xD0 ss:$0x1], $0xffff;
	[tilespmem:v9+s16+$0x60 ss:$0x1] =	vst.idx.msk $0xffff, v10;
	v10 =	vand.u32 $0xFFFF, v11;
	v11 =	vand.u32 $0xFFFF0000, v15;
	v15 =	vshll.u32 v54, v5  }
0x241: {  	v55 =	vld.idx.msk [tilespmem:v8+s18+$0x160 ss:$0x1], $0xffff;
	v10 =	vor.u32 v10, v11;
	v11 =	vshrl.u32 v49, v4;
	v15 =	vand.u32 $0xFFFF0000, v15  }
0x242: {  	s19 =	sshll.u32 s29, $0x8;
	v56 =	vld.idx.msk [tilespmem:v8+s18+$0x1E0 ss:$0x1], $0xffff;
	[tilespmem:v9+s16+$0x70 ss:$0x1] =	vst.idx.msk $0xffff, v10;
	v10 =	vand.u32 $0xFFFF, v11;
	v11 =	vand.u32 $0xFFFF0000, v16;
	v16 =	vshll.u32 v35, v5  }
0x243: {  	s19 =	sand.u32 $0x3FFFFF00, s19;
	v40 =	vld.idx.msk [tilespmem:v8+s17+$0xE0 ss:$0x1], $0xffff;
	v10 =	vor.u32 v10, v11;
	v11 =	vshrl.u32 v51, v4;
	v43 =	vand.u32 $0xFFFF0000, v16  }
0x244: {  	v57 =	vld.idx.msk [tilespmem:v8+s18+$0x170 ss:$0x1], $0xffff;
	v16 =	vshll.u32 v44, v5;
	[tilespmem:v9+s19+$0x0 ss:$0x1] =	vst.idx.msk $0xffff, v10;
	v10 =	vand.u32 $0xFFFF, v11;
	v11 =	vand.u32 $0xFFFF0000, v14  }
0x245: {  	[tilespmem:v9+s16+$0xD0 ss:$0x1] =	vst.idx.msk $0xffff, v12;
	v58 =	vld.idx.msk [tilespmem:v8+s18+$0x1F0 ss:$0x1], $0xffff;
	v14 =	vand.u32 $0xFFFF, v59;
	v16 =	vand.u32 $0xFFFF0000, v16;
	v10 =	vor.u32 v10, v11  }
0x246: {  	v20 =	vand.u32 $0xFFFF, v20;
	v14 =	vor.u32 v14, v15;
	v16 =	vor.u32 v50, v16;
	[tilespmem:v9+s19+$0x10 ss:$0x1] =	vst.idx.msk $0xffff, v10  }
0x247: {  	v11 =	vld.idx.msk [tilespmem:v8+s17+$0x100 ss:$0x1], $0xffff;
	[tilespmem:v9+s19+$0x20 ss:$0x1] =	vst.idx.msk $0xffff, v14;
	v25 =	vshrl.u32 v55, v6;
	v19 =	vshll.u32 v56, v7  }
0x248: {  	v13 =	vand.u32 $0xFFFF, v13;
	v10 =	vld.idx.msk [tilespmem:v8+s17+$0x180 ss:$0x1], $0xffff;
	[tilespmem:v9+s19+$0x70 ss:$0x1] =	vst.idx.msk $0xffff, v16;
	v27 =	vand.u32 $0xFFFF, v25;
	v28 =	vand.u32 $0xFFFF0000, v19  }
0x249: {  	v61 =	vld.idx.msk [tilespmem:v8+s17+$0x110 ss:$0x1], $0xffff;
	v19 =	vshll.u32 v29, v5;
	v12 =	vor.u32 v27, v28;
	v30 =	vshrl.u32 v57, v6  }
0x24a: {  	v62 =	vld.idx.msk [tilespmem:v8+s17+$0x190 ss:$0x1], $0xffff;
	v31 =	vshll.u32 v58, v7;
	v39 =	vand.u32 $0xFFFF0000, v19;
	v19 =	vshll.u32 v40, v5  }
0x24b: {  	v63 =	vld.idx.msk [tilespmem:v8+s17+$0x120 ss:$0x1], $0xffff;
	[tilespmem:v9+s16+$0xE0 ss:$0x1] =	vst.idx.msk $0xffff, v12;
	v33 =	vand.u32 $0xFFFF, v30;
	v34 =	vand.u32 $0xFFFF0000, v31;
	v19 =	vand.u32 $0xFFFF0000, v19  }
0x24c: {  	v24 =	vld.idx.msk [tilespmem:v8+s17+$0x1A0 ss:$0x1], $0xffff;
	v12 =	vor.u32 v33, v34;
	v11 =	vshrl.u32 v11, v6;
	v19 =	vor.u32 v20, v19  }
0x24d: {  	v54 =	vld.idx.msk [tilespmem:v8+s17+$0x170 ss:$0x1], $0xffff;
	v10 =	vshll.u32 v10, v7;
	[tilespmem:v9+s16+$0xF0 ss:$0x1] =	vst.idx.msk $0xffff, v12;
	v12 =	vshll.u32 v37, v5  }
0x24e: {  	v55 =	vld.idx.msk [tilespmem:v8+s17+$0x1F0 ss:$0x1], $0xffff;
	v11 =	vand.u32 $0xFFFF, v11;
	[tilespmem:v9+s19+$0x60 ss:$0x1] =	vst.idx.msk $0xffff, v19;
	v10 =	vand.u32 $0xFFFF0000, v10;
	v12 =	vand.u32 $0xFFFF0000, v12  }
0x24f: {  	v51 =	vld.idx.msk [tilespmem:v8+s17+$0x160 ss:$0x1], $0xffff;
	v10 =	vor.u32 v11, v10;
	v11 =	vshrl.u32 v26, v4;
	v12 =	vor.u32 v13, v12  }
0x250: {  	v18 =	vand.u32 $0xFFFF, v60;
	v52 =	vld.idx.msk [tilespmem:v8+s17+$0x1E0 ss:$0x1], $0xffff;
	v11 =	vand.u32 $0xFFFF, v11;
	[tilespmem:v9+s19+$0x50 ss:$0x1] =	vst.idx.msk $0xffff, v12  }
0x251: {  	v17 =	vand.u32 $0xFFFF0000, v17;
	v41 =	vshrl.u32 v32, v4;
	v11 =	vor.u32 v11, v39;
	v48 =	vld.idx.msk [tilespmem:v8+s17+$0x150 ss:$0x1], $0xffff  }
0x252: {  	v17 =	vor.u32 v18, v17;
	v49 =	vld.idx.msk [tilespmem:v8+s17+$0x1D0 ss:$0x1], $0xffff;
	[tilespmem:v9+s19+$0x30 ss:$0x1] =	vst.idx.msk $0xffff, v11;
	v11 =	vand.u32 $0xFFFF, v41  }
0x253: {  	[tilespmem:v9+s16+$0xC0 ss:$0x1] =	vst.idx.msk $0xffff, v17;
	v11 =	vor.u32 v11, v43;
	v45 =	vld.idx.msk [tilespmem:v8+s17+$0x130 ss:$0x1], $0xffff  }
0x254: {  	v14 =	vshll.u32 v62, v7;
	[tilespmem:v9+s19+$0x40 ss:$0x1] =	vst.idx.msk $0xffff, v11;
	v11 =	vld.idx.msk [tilespmem:v8+s17+$0x1B0 ss:$0x1], $0xffff  }
0x255: {  	v18 =	vshrl.u32 v63, v6;
	v17 =	vshll.u32 v24, v7;
	v62 =	vshll.u32 v55, v7;
	v46 =	vld.idx.msk [tilespmem:v8+s17+$0x140 ss:$0x1], $0xffff  }
0x256: {  	v18 =	vand.u32 $0xFFFF, v18;
	v17 =	vand.u32 $0xFFFF0000, v17;
	[tilespmem:v9+s19+$0x80 ss:$0x1] =	vst.idx.msk $0xffff, v10;
	v10 =	vshrl.u32 v61, v6;
	v47 =	vld.idx.msk [tilespmem:v8+s17+$0x1C0 ss:$0x1], $0xffff  }
0x257: {  	v14 =	vand.u32 $0xFFFF0000, v14;
	v53 =	vor.u32 v18, v17;
	v10 =	vand.u32 $0xFFFF, v10  }
0x258: {  	v61 =	vshrl.u32 v54, v6;
	v10 =	vor.u32 v10, v14;
	v58 =	vshrl.u32 v51, v6  }
0x259: {  	v60 =	vshll.u32 v52, v7;
	v56 =	vshrl.u32 v48, v6;
	v15 =	vshrl.u32 v45, v6  }
0x25a: {  	v57 =	vshll.u32 v49, v7;
	v15 =	vand.u32 $0xFFFF, v15;
	v11 =	vshll.u32 v11, v7  }
0x25b: {  	[tilespmem:v9+s19+$0xA0 ss:$0x1] =	vst.idx.msk $0xffff, v53;
	v11 =	vand.u32 $0xFFFF0000, v11;
	v13 =	vshrl.u32 v46, v6;
	v12 =	vshll.u32 v47, v7  }
0x25c: {  	p1 =	slt.u32 s15, $0x30;
	[tilespmem:v9+s19+$0x90 ss:$0x1] =	vst.idx.msk $0xffff, v10;
	v10 =	vor.u32 v15, v11;
	v11 =	vand.u32 $0xFFFF, v13;
	v12 =	vand.u32 $0xFFFF0000, v12  }
.Ltmp5:
0x25d: {  	v13 =	vand.u32 $0xFFFF0000, v57;
	v11 =	vor.u32 v11, v12;
	v12 =	vand.u32 $0xFFFF, v56;
	[tilespmem:v9+s19+$0xB0 ss:$0x1] =	vst.idx.msk $0xffff, v10;
	(pc) =	sbr.rel @p1 .LBB2_7-.Ltmp5, $4  }
0x25e: {  	v59 =	vand.u32 $0xFFFF, v58;
	v10 =	vor.u32 v12, v13;
	[tilespmem:v9+s19+$0xC0 ss:$0x1] =	vst.idx.msk $0xffff, v11;
	v11 =	vand.u32 $0xFFFF0000, v60  }
0x25f: {  	v63 =	vand.u32 $0xFFFF0000, v62;
	[tilespmem:v9+s19+$0xD0 ss:$0x1] =	vst.idx.msk $0xffff, v10;
	v10 =	vor.u32 v59, v11;
	v11 =	vand.u32 $0xFFFF, v61  }
0x260: {  	s31 =	sadd.s32 $0x10, s15;
	[tilespmem:v9+s19+$0xE0 ss:$0x1] =	vst.idx.msk $0xffff, v10;
	v10 =	vor.u32 v11, v63  }
0x261: {  	s15 =	smov.u32 s31;
	[tilespmem:v9+s19+$0xF0 ss:$0x1] =	vst.idx.msk $0xffff, v10  }
0x262: {  	s15 =	sshll.u32 s13, $0x9  }
0x263: {  	s31 =	sshll.u32 s13, $0x3;
	s15 =	sand.u32 $0xFFFFF000, s15  }
0x264: {  	s13 =	sand.u32 $0x38, s31;
	s15 =	sadd.s32 s15, s4  }
0x265: {  	s13 =	sadd.s32 s13, s15  }
0x266: {  	s16 =	sadd.s32 $0x100, s14;
	s15 =	simm.s32 $0x40;
	s17 =	sadd.s32 $0x0, s13  }
.LBB2_9:
0x267: {  	[hbm:s17] =	stream.linear.scatter [tilespmem:s14], [sflag:$0x3], $0x100, $0x38;
	[tilespmem:$0x1800C] =	vst v63  }
0x268: {  	s17 =	smov.u32 s15;
	s14 =	smov.u32 s16;
	p1 =	sne.s32 s15, $0xFC0  }
.Ltmp6:
0x269: {  	s15 =	sadd.s32 $0x40, s15;
	(pc) =	sbr.rel @p1 .LBB2_9-.Ltmp6, $2  }
0x26a: {  	_ =	sdelay $0x2  }
0x26b: {  	s16 =	sadd.s32 $0x100, s16;
	s17 =	sadd.s32 s17, s13  }
.Ltmp7:
0x26c: {  	_ = 	snop;
	(pc) =	sbr.rel .LBB2_10-.Ltmp7, $1  }
0x26d: {  	_ =	sdelay $0x3  }
.LBB2_12:
0x26e: {  	_ =	sfence.sel $0x180000  }
0x26f: {  	s2 =	simm.s32 $0x1;
	[bflag:$0x0] =	sbarrier.arrive $0xFFFF  }
0x270: {  	s30 =	simm.s32 $0x2;
	[sflag:s2] =	ssyncpa.u1 $0x1  }
0x271: {  	s31 =	simm.s32 $0x3;
	[sflag:s30] =	ssyncpa.u1 $0x1  }
0x272: {  	[sflag:s31] =	ssyncpa.u1 $0x1  }
0x273: {  	p0 =	sne.s32 s1, $0x0;
	_ =	strace $0x90000047  }
0x274: {  	s0 =	sadd.s32 @!p0 $0x100000, s0;
	[bflag:$0x2] =	sbarrier.arrive $0xFFFF  }
0x275: {  	[sflag:s0] =	ssyncadd.tile.s32 @!p0 $0x1;
	_ =	shalt  }
.Lfunc_end2:
_tile_overlayer_lowered:
.L_overlay_start_2:
0x276: {  	(tag) =	ssettag $0x2  }
0x277: {  	s0 =	rddreg [dreg:$0x0];
	s2 =	stileid.u32  }
0x278: {  	s1 =	rddreg [dreg:$0x1];
	p0 =	sne.s32 s2, $0x0  }
0x279: {  	s3 =	rddreg [dreg:$0x2];
	[bflag:$0x3] =	sbarrier.arrive $0xFFFF;
	s2 =	simm.s32 @!p0 $0x1C01  }
0x27a: {  	[timem:s3], [sflag:s2] =	dma.local @!p0 [hbm:s0], s1  }
0x27b: {  	s0 =	simm.s32 @!p0 $0x1  }
0x27c: {  	_ =	swait.ge @!p0 [sflag:s0], s1  }
0x27d: {  	s1 =	ssub.s32 @!p0 $0x0, s1;
	[sflag:s0] =	ssyncset.done @!p0 $0x0  }
0x27e: {  	[sflag:s0] =	ssyncadd.s32 @!p0 s1  }
0x27f: {  	[bflag:$0x3] =	sbarrier.arrive $0xFFFF  }
0x280: {  	_ =	shalt  }

// kernel: kernel.6.cloned.1.call-start
scs
__scs_entry_jumppad:
0x0: {  	(pc) =	sbr.rel $0x88, $3  }
0x1: {  	(tag) =	ssettag $0x0;
	lr =	simm.s32 $0x1  }
0x2: {  	[smem:$0x3F9D] =	sst lr;
	_ =	strace $0xD0000000  }
0x3: {  	_ = 	snop  }
0x4: {  	_ = 	snop  }
0x5: {  	_ = 	snop  }
0x6: {  	_ = 	snop  }
0x7: {  	_ = 	snop  }
__scs_overlays_trampoline_lowered:
0x8: {  	[smem:$0x3FAC] =	sst s0  }
0x9: {  	[smem:$0x3FAD] =	sst s1  }
0xa: {  	[smem:$0x3FAE] =	sst s2  }
0xb: {  	[smem:$0x3FAF] =	sst s3  }
0xc: {  	[smem:$0x3FB0] =	sst s4  }
0xd: {  	[smem:$0x3FB1] =	sst s5  }
0xe: {  	[smem:$0x3FB2] =	sst s6  }
0xf: {  	[smem:$0x3FB3] =	sst s7  }
0x10: {  	[smem:$0x3FB4] =	sst s8  }
0x11: {  	[smem:$0x3FB5] =	sst s9;
	s0 =	simm.s32 @!p0 $0x0  }
0x12: {  	s1 =	sld [smem:$0x3F9B];
	s0 =	simm.s32 @p0 $0x1  }
0x13: {  	[smem:$0x3FB6] =	sst s0;
	s0 =	simm.s32 @!p1 $0x0  }
0x14: {  	s2 =	sld [smem:$0x3F9A];
	s0 =	simm.s32 @p1 $0x1  }
0x15: {  	[smem:$0x3FB7] =	sst s0;
	s0 =	simm.s32 @!p2 $0x0  }
0x16: {  	s3 =	sld [smem:$0x3FDB];
	s0 =	simm.s32 @p2 $0x1  }
0x17: {  	s4 =	simm.s32 $0x1BF5;
	[smem:$0x3FB9] =	sst s0  }
0x18: {  	s0 =	sld [smem:$0x3F9C];
	_ =	swait.ge [sflag:s4], $0x0  }
0x19: {  	s7 =	sld [smem:$0x3F9D]  }
0x1a: {  	s8 =	sadd.s32 $0xFFFFE003, lr  }
0x1b: {  	s9 =	sadd.s32 $0xFFFFFEF7, lr;
	s5 =	simm.s32 $0xFFFFFFFF;
	p2 =	slt.u32 s8, $0xFFFFF086  }
0x1c: {  	p1 =	slt.u32 s9, $0xF7A;
	s5 =	simm.s32 @!p2 $0x0  }
0x1d: {  	s5 =	simm.s32 @p1 $0x1;
	p0 =	seq.s32 s7, s2  }
0x1e: {  	s7 =	smul.u32 @!p0 $0xF7A, s2;
	p2 =	seq.s32 @!p0 s5, $0x0  }
0x1f: {  	s9 =	smul.u32 $0xF7A, s1;
	s8 =	simm.s32 @!p0 $0x1BF5;
	p2 =	por !p2, p0  }
0x20: {  	[sflag:s8] =	ssyncset.s32 @!p0 $0xFFFFF086;
	s6 =	sadd.s32 @!p0 s3, s7;
	s7 =	simm.s32 @!p0 $0x108  }
0x21: {  	s3 =	sadd.s32 s3, s9;
	s6 =	sadd.s32 @!p0 $0x88, s6;
	s7 =	simm.s32 @p2 $0x1082  }
0x22: {  	[simem:s7], [sflag:s8] =	dma.local @!p0 [hbm:s6], $0xF7A  }
0x23: {  	s9 =	sor.u32 $0xD0000000, s2;
	s6 =	simm.s32 $0x108;
	_ =	swait.ge @!p0 [sflag:s8], $0x0  }
0x24: {  	s3 =	sadd.s32 $0x88, s3;
	s6 =	simm.s32 @!p1 $0x1082;
	[sflag:s4] =	ssyncset.s32 $0xFFFFF086  }
0x25: {  	[simem:s6], [sflag:s4] =	dma.local [hbm:s3], $0xF7A  }
0x26: {  	[smem:$0x3F9D] =	sst s1;
	(tag) =	ssettag s2;
	_ =	strace s9  }
0x27: {  	s1 =	sld [smem:$0x3FAD]  }
0x28: {  	s2 =	sld [smem:$0x3FAE]  }
0x29: {  	s4 =	sld [smem:$0x3FB0]  }
0x2a: {  	p0 =	seq.s32 s5, $0x0;
	s5 =	sld [smem:$0x3FB1]  }
0x2b: {  	s6 =	sld [smem:$0x3FB2]  }
0x2c: {  	s7 =	sld [smem:$0x3FB3]  }
0x2d: {  	s3 =	simm.s32 $0x108;
	s8 =	sld [smem:$0x3FB4]  }
0x2e: {  	s3 =	simm.s32 @!p0 $0x1082;
	s9 =	sld [smem:$0x3FB5]  }
0x2f: {  	lr =	sadd.s32 s0, s3;
	s0 =	sld [smem:$0x3FAC]  }
0x30: {  	s3 =	sld [smem:$0x3FAF]  }
0x31: {  	[smem:$0x3FB8] =	sst s10  }
0x32: {  	s10 =	sld [smem:$0x3FB6];
	_ =	sdelay $0x3  }
0x33: {  	p0 =	seq.s32 s10, $0x1;
	s10 =	sld [smem:$0x3FB8];
	_ =	sdelay $0x3  }
0x34: {  	[smem:$0x3FB8] =	sst s10  }
0x35: {  	s10 =	sld [smem:$0x3FB7];
	_ =	sdelay $0x3  }
0x36: {  	p1 =	seq.s32 s10, $0x1;
	s10 =	sld [smem:$0x3FB8];
	_ =	sdelay $0x3  }
0x37: {  	[smem:$0x3FB8] =	sst s10  }
0x38: {  	s10 =	sld [smem:$0x3FB9]  }
0x39: {  	_ = 	snop;
	(pc) =	sbr.ind lr, $3  }
0x3a: {  	_ = 	snop  }
0x3b: {  	_ = 	snop  }
0x3c: {  	p2 =	seq.s32 s10, $0x1;
	s10 =	sld [smem:$0x3FB8]  }
0x3d: {  	_ =	shalt  }
0x3e: {  	_ =	shalt  }
0x3f: {  	_ =	shalt  }
0x40: {  	_ =	shalt  }
0x41: {  	_ =	shalt  }
0x42: {  	_ =	shalt  }
0x43: {  	_ =	shalt  }
0x44: {  	_ =	shalt  }
0x45: {  	_ =	shalt  }
0x46: {  	_ =	shalt  }
0x47: {  	_ =	shalt  }
0x48: {  	_ =	shalt  }
0x49: {  	_ =	shalt  }
0x4a: {  	_ =	shalt  }
0x4b: {  	_ =	shalt  }
0x4c: {  	_ =	shalt  }
0x4d: {  	_ =	shalt  }
0x4e: {  	_ =	shalt  }
0x4f: {  	_ =	shalt  }
0x50: {  	_ =	shalt  }
0x51: {  	_ =	shalt  }
0x52: {  	_ =	shalt  }
0x53: {  	_ =	shalt  }
0x54: {  	_ =	shalt  }
0x55: {  	_ =	shalt  }
0x56: {  	_ =	shalt  }
0x57: {  	_ =	shalt  }
0x58: {  	_ =	shalt  }
0x59: {  	_ =	shalt  }
0x5a: {  	_ =	shalt  }
0x5b: {  	_ =	shalt  }
0x5c: {  	_ =	shalt  }
0x5d: {  	_ =	shalt  }
0x5e: {  	_ =	shalt  }
0x5f: {  	_ =	shalt  }
0x60: {  	_ =	shalt  }
0x61: {  	_ =	shalt  }
0x62: {  	_ =	shalt  }
0x63: {  	_ =	shalt  }
0x64: {  	_ =	shalt  }
0x65: {  	_ =	shalt  }
0x66: {  	_ =	shalt  }
0x67: {  	_ =	shalt  }
0x68: {  	_ =	shalt  }
0x69: {  	_ =	shalt  }
0x6a: {  	_ =	shalt  }
0x6b: {  	_ =	shalt  }
0x6c: {  	_ =	shalt  }
0x6d: {  	_ =	shalt  }
0x6e: {  	_ =	shalt  }
0x6f: {  	_ =	shalt  }
0x70: {  	_ =	shalt  }
0x71: {  	_ =	shalt  }
0x72: {  	_ =	shalt  }
0x73: {  	_ =	shalt  }
0x74: {  	_ =	shalt  }
0x75: {  	_ =	shalt  }
0x76: {  	_ =	shalt  }
0x77: {  	_ =	shalt  }
0x78: {  	_ =	shalt  }
0x79: {  	_ =	shalt  }
0x7a: {  	_ =	shalt  }
0x7b: {  	_ =	shalt  }
0x7c: {  	_ =	shalt  }
0x7d: {  	_ =	shalt  }
0x7e: {  	_ =	shalt  }
0x7f: {  	_ =	shalt  }
0x80: {  	_ =	shalt  }
0x81: {  	_ =	shalt  }
0x82: {  	_ =	shalt  }
0x83: {  	_ =	shalt  }
0x84: {  	_ =	shalt  }
0x85: {  	_ =	shalt  }
0x86: {  	_ =	shalt  }
0x87: {  	_ =	shalt  }
.Lfunc_end0:
.L_simem_size_0:
called_computation.2_lowered:
.L_overlay_start_0:
0x88: {  	s2 =	sld [smem:$0x3FD9]  }
0x89: {  	s3 =	sld [smem:$0x3FFE];
	_ =	sdelay $0x1  }
0x8a: {  	s1 =	srdreg.scid  }
0x8b: {  	s0 =	sand.u32 $0x1, s1  }
0x8c: {  	s17 =	sshll.u32 s0, $0xA;
	s2 =	sadd.s32 s3, s2  }
0x8d: {  	s2 =	sadd.s32 s2, s17  }
0x8e: {  	[smem:$0x3FC4] =	sst s2  }
0x8f: {  	_ = 	snop  }
0x90: {  	s18 =	sld [smem:$0x3FC8];
	(tm) =	ssettm $0x1  }
0x91: {  	s19 =	sld [smem:$0x3FFB];
	_ =	sdelay $0x3  }
0x92: {  	_ =	strace s19  }
0x93: {  	s2 =	sld [smem:$0x3FFC];
	_ =	sdelay $0x3  }
0x94: {  	_ =	strace s2  }
0x95: {  	s2 =	sld [smem:$0x3FFD];
	_ =	sdelay $0x3  }
0x96: {  	_ =	strace s2  }
0x97: {  	_ =	strace $0x8FFFFFFF  }
0x98: {  	s20 =	sld [smem:$0x3FDB];
	_ =	sdelay $0x1  }
0x99: {  	s4 =	simm.s32 $_scs_section_size  }
0x9a: {  	s5 =	simm.s32 $_size__tile_overlayer_lowered;
	s6 =	simm.s32 $_tile_overlayer_lowered  }
0x9b: {  	s7 =	simm.s32 $0x1BFF;
	s21 =	sshll.u32 s6, $0x1;
	s4 =	sadd.s32 s4, s20  }
0x9c: {  	s22 =	simm.s32 $0x0;
	s5 =	sshll.u32 s5, $0x1;
	s6 =	sadd.s32 s21, s4  }
0x9d: {  	[timem:s22], [sflag:s7] =	dma.local [hbm:s6], s5  }
0x9e: {  	_ =	swait.ge [sflag:s7], s5  }
0x9f: {  	s5 =	ssub.s32 $0x0, s5;
	[sflag:s7] =	ssyncset.done $0x0  }
0xa0: {  	[sflag:s7] =	ssyncadd.s32 s5;
	_ =	sdelay $0x1  }
0xa1: {  	s23 =	simm.s32 $0x1B8B  }
0xa2: {  	_ =	swait.ge [sflag:s23], $0x1  }
0xa3: {  	[sflag:s23] =	ssyncset.done $0x0  }
0xa4: {  	[sflag:s23] =	ssyncadd.s32 $0xFFFFFFFF  }
0xa5: {  	s5 =	sld [smem:$0x0]  }
0xa6: {  	s6 =	sand.u32 $0xFFFFFFFE, s1  }
0xa7: {  	p0 =	sne.s32 s1, s6  }
0xa8: {  	s6 =	sshll.u32 @p0 s6, $0xE  }
0xa9: {  	s6 =	sadd.s32 @p0 $0x11B8D, s6;
	s7 =	sshll.u32 @p0 s5, $0x11  }
0xaa: {  	s6 =	sor.u32 @p0 s7, s6  }
0xab: {  	[sflag:s6] =	ssyncadd.remote.s32 @p0 $0x1;
	_ =	sdelay $0x1  }
0xac: {  	s6 =	simm.s32 @p0 $0x1B8D  }
0xad: {  	_ =	swait.eq @p0 [sflag:s6], $0x1  }
0xae: {  	[sflag:s6] =	ssyncadd.s32 @p0 $0xFFFFFFFF  }
0xaf: {  	s7 =	sshll.u32 @!p0 s1, $0xE  }
0xb0: {  	s7 =	sor.u32 @!p0 $0x4000, s7;
	s6 =	simm.s32 @!p0 $0x1B8D  }
0xb1: {  	s5 =	sshll.u32 @!p0 s5, $0x11;
	s7 =	sadd.s32 @!p0 $0x11B8D, s7;
	_ =	swait.eq @!p0 [sflag:s6], $0x1  }
0xb2: {  	s5 =	sor.u32 @!p0 s5, s7;
	[sflag:s6] =	ssyncadd.s32 @!p0 $0xFFFFFFFF  }
0xb3: {  	s25 =	simm.s32 $0x1B8E;
	s24 =	sld [smem:$0x3FFE];
	[sflag:s5] =	ssyncadd.remote.s32 @!p0 $0x1  }
0xb4: {  	s26 =	simm.s32 $execute0_lowered;
	[smem:$0x3FD2] =	sst s25  }
0xb5: {  	s6 =	sshll.u32 s26, $0x1;
	_ =	strace $0x8000004C;
	[dreg:$0x1] =	wrdreg $0xFFFFFFFF  }
0xb6: {  	s28 =	simm.s32 $_size_execute0_lowered;
	s4 =	sadd.s32 s4, s6;
	[dreg:$0x0] =	wrdreg $0x0  }
0xb7: {  	s6 =	sshll.u32 s28, $0x1;
	[dreg:$0x2] =	wrdreg s4  }
0xb8: {  	[dreg:$0x3] =	wrdreg s6  }
0xb9: {  	[dreg:$0x4] =	wrdreg $0xC0  }
0xba: {  	_ =	task [dreg:s22], $0x5FFFF  }
0xbb: {  	[dreg:$0x1] =	wrdreg $0xFFFFFFFF  }
0xbc: {  	[dreg:$0x0] =	wrdreg $0x60  }
0xbd: {  	[dreg:$0x2] =	wrdreg s24  }
0xbe: {  	[dreg:$0x3] =	wrdreg s18  }
0xbf: {  	[dreg:$0x4] =	wrdreg $0xA  }
0xc0: {  	_ =	task.clear_ibuf [dreg:s22], $0x5FFFF;
	_ =	strace $0x9000004C  }
0xc1: {  	s29 =	simm.s32 $0xA;
	_ =	strace $0x8000004E  }
0xc2: {  	_ =	swait.ge [sflag:s29], $0x1  }
0xc3: {  	[sflag:s29] =	ssyncadd.s32 $0xFFFFFFFF  }
0xc4: {  	_ =	strace $0x9000004E  }
0xc5: {  	_ =	sfence  }
0xc6: {  	s30 =	sld [smem:$0x0];
	_ =	sdelay $0x2  }
0xc7: {  	s31 =	sshll.u32 s1, $0xD;
	s1 =	sshrl.u32 s1, $0x2  }
0xc8: {  	s4 =	sand.u32 $0x4000, s31;
	s1 =	sadd.s32 s1, s30  }
0xc9: {  	s0 =	sor.u32 s4, s0;
	s1 =	sshll.u32 s1, $0x11  }
0xca: {  	s0 =	sor.u32 s1, s0  }
0xcb: {  	s0 =	sadd.s32 $0x8F2B, s0  }
0xcc: {  	[sflag:s0] =	ssyncadd.remote.s32 $0x1  }
0xcd: {  	_ =	sfence.sel $0xFFFF  }
0xce: {  	[dreg:$0x0] =	wrdreg $0xFFFFFFFF;
	(pc) =	sbr.abs _section_cstart, $3  }
0xcf: {  	[dreg:$0x1] =	wrdreg $0xFFFFFFFF  }
0xd0: {  	_ =	task.clear_ibuf [dreg:s22], $0x2FFFF;
	_ =	strace $0x9FFFFFFF  }
0xd1: {  	(tm) =	ssettm $0x7FFFFFFF  }
tec
execute0_lowered:
.L_overlay_start_1:
0x0: {  	(tag) =	ssettag $0x1  }
0x1: {  	s3 =	rddreg [dreg:$0x0]  }
0x2: {  	s1 =	rddreg [dreg:$0x1]  }
0x3: {  	s0 =	rddreg [dreg:$0x2];
	s2 =	simm.s32 $0x0  }
0x4: {  	s4 =	srdreg.scid;
	s9 =	simm.s32 $0x8000;
	s10 =	simm.s32 $0xC000  }
0x5: {  	s11 =	simm.s32 $0x0;
	[smem:$0x7FF] =	sst s2;
	s6 =	sand.u32 $0x1, s4  }
0x6: {  	v0 =	vlaneseq.u32;
	s4 =	sadd.s32 $0x201400, s3;
	s5 =	sadd.s32 $0x202400, s3;
	s7 =	ssub.s32 $0x2, s6  }
0x7: {  	s3 =	stileid.u32;
	v0 =	vmul.u32 $0x4, v0;
	_ =	strace $0x8000004D;
	s8 =	sshrl.u32 s7, $0x1  }
0x8: {  	s31 =	sshll.u32 s3, $0x10;
	s6 =	sshll.u32 s6, $0xF;
	s7 =	ssub.s32 s7, s8  }
0x9: {  	s6 =	sor.u32 s6, s31;
	v1 =	vor.u32 $0x1, v0;
	v2 =	vor.u32 $0x2, v0;
	v3 =	vor.u32 $0x3, v0;
	s8 =	simm.s32 $0x1;
	s7 =	smax.u32 s7, $0x1  }
.LBB2_1:
0xa: {  	[tilespmem:s2], [sflag:$0x1] =	stream.linear.gather [hbm4b:s4+s2], $0x8000, $0x38;
	[tilespmem:$0x1C000] =	vst v63  }
0xb: {  	_ =	swait.ge [sflag:s8], $0x8000  }
0xc: {  	[sflag:s8] =	ssyncset.done $0x0  }
0xd: {  	p1 =	por $0x1, $0x1;
	s12 =	simm.s32 $0x0;
	[sflag:s8] =	ssyncadd.s32 $0xFFFF8000  }
.LBB2_2:
0xe: {  	s12 =	sor.u32 s6, s12  }
0xf: {  	s13 =	sshrl.u32 s12, $0x3  }
0x10: {  	s14 =	simm.s32 $0x0;
	s13 =	sadd.s32 s1, s13  }
0x11: {  	[tilespmem:s9], [sflag:$0x1] =	stream.linear.gather [hbm4b:s13+s14], $0x4000, $0x38;
	[tilespmem:$0x1C000] =	vst v63  }
0x12: {  	_ =	swait.ge [sflag:s8], $0x4000  }
0x13: {  	[sflag:s8] =	ssyncset.done $0x0  }
0x14: {  	s29 =	simm.s32 $0x0;
	[sflag:s8] =	ssyncadd.s32 $0xFFFFC000  }
0x15: {  	v4 =	vld [tilespmem:s29+$0x8000];
	_ =	sdelay $0x3  }
0x16: {  	s30 =	simm.s32 $0x0  }
0x17: {  	v5 =	vmov s30;
	s31 =	sand.u32 $0x7C0, s14;
	v4 =	vshll.u32 v4, $0x2  }
0x18: {  	v6 =	vshll.u32 v5, $0xB;
	v5 =	vshll.u32 v5, $0x7;
	v7 =	vor.u32 s31, v0  }
0x19: {  	v8 =	vmov s31;
	v6 =	vand.u32 $0xC000, v6;
	v7 =	vand.u32 $0x7C, v7  }
0x1a: {  	v8 =	vshll.u32 v8, $0x3;
	v5 =	vand.u32 $0x380, v5;
	v7 =	vor.u32 v7, v6  }
0x1b: {  	v8 =	vand.u32 $0x3C00, v8;
	v7 =	vor.u32 v5, v7  }
0x1c: {  	v7 =	vor.u32 v8, v7;
	v9 =	vld.idx.msk [tilespmem:v4+s2+$0x0], $0xffff  }
0x1d: {  	v10 =	vor.u32 $0x1, v4  }
0x1e: {  	v11 =	vor.u32 s31, v1  }
0x1f: {  	v11 =	vand.u32 $0x7D, v11  }
0x20: {  	v11 =	vor.u32 v11, v6  }
0x21: {  	v11 =	vor.u32 v5, v11;
	[tilespmem:v7+s10+$0x0] =	vst.idx.msk $0xffff, v9  }
0x22: {  	v7 =	vor.u32 v8, v11;
	v9 =	vld.idx.msk [tilespmem:v10+s2+$0x0], $0xffff  }
0x23: {  	v60 =	vor.u32 $0x2, v4  }
0x24: {  	v61 =	vor.u32 s31, v2  }
0x25: {  	v11 =	vand.u32 $0x7E, v61  }
0x26: {  	v11 =	vor.u32 v11, v6  }
0x27: {  	v11 =	vor.u32 v5, v11;
	[tilespmem:v7+s10+$0x0] =	vst.idx.msk $0xffff, v9  }
0x28: {  	v62 =	vor.u32 v8, v11;
	v7 =	vld.idx.msk [tilespmem:v60+s2+$0x0], $0xffff  }
0x29: {  	v63 =	vor.u32 $0x3, v4  }
0x2a: {  	v4 =	vor.u32 s31, v3  }
0x2b: {  	v4 =	vand.u32 $0x7F, v4  }
0x2c: {  	v4 =	vor.u32 v4, v6  }
0x2d: {  	v4 =	vor.u32 v5, v4;
	[tilespmem:v62+s10+$0x0] =	vst.idx.msk $0xffff, v7  }
0x2e: {  	p0 =	por p1, p1;
	v4 =	vor.u32 v8, v4;
	v5 =	vld.idx.msk [tilespmem:v63+s2+$0x0], $0xffff  }
0x2f: {  	s15 =	simm.s32 $0x2;
	s13 =	simm.s32 $0x1;
	s14 =	simm.s32 $0x40  }
.LBB2_3:
0x30: {  	p1 =	sne.s32 s15, $0x3FF  }
0x31: {  	s16 =	sshra.s32 s14, $0x2;
	s17 =	smov.u32 s15;
	s15 =	sadd.s32 $0x1, s15  }
0x32: {  	_ = 	snop  }
0x33: {  	[tilespmem:v4+s10+$0x0] =	vst.idx.msk $0xffff, v5  }
0x34: {  	v4 =	vld [tilespmem:s16+$0x8000];
	_ =	sdelay $0x2  }
0x35: {  	s16 =	sshrl.u32 s13, $0x5;
	s13 =	smov.u32 s17  }
0x36: {  	v5 =	vmov s16;
	s16 =	sand.u32 $0x7C0, s14  }
0x37: {  	v6 =	vshll.u32 v4, $0x2;
	v4 =	vshll.u32 v5, $0xB;
	v5 =	vshll.u32 v5, $0x7  }
0x38: {  	v7 =	vor.u32 s16, v1;
	v8 =	vor.u32 s16, v3;
	v4 =	vand.u32 $0xC000, v4  }
0x39: {  	v9 =	vmov s16;
	v10 =	vor.u32 s16, v0;
	v11 =	vor.u32 s16, v2  }
0x3a: {  	v10 =	vand.u32 $0x7C, v10;
	v9 =	vshll.u32 v9, $0x3;
	v7 =	vand.u32 $0x7D, v7  }
0x3b: {  	v9 =	vand.u32 $0x3C00, v9;
	v5 =	vand.u32 $0x380, v5;
	v10 =	vor.u32 v10, v4  }
0x3c: {  	v8 =	vand.u32 $0x7F, v8;
	v13 =	vor.u32 $0x1, v6;
	v10 =	vor.u32 v5, v10;
	v12 =	vld.idx.msk [tilespmem:v6+s2+$0x0], $0xffff  }
0x3d: {  	v11 =	vand.u32 $0x7E, v11;
	v7 =	vor.u32 v7, v4;
	v10 =	vor.u32 v9, v10  }
0x3e: {  	v11 =	vor.u32 v11, v4;
	v4 =	vor.u32 v8, v4;
	v7 =	vor.u32 v5, v7  }
0x3f: {  	v8 =	vor.u32 v5, v11;
	v4 =	vor.u32 v5, v4;
	v7 =	vor.u32 v9, v7  }
0x40: {  	v4 =	vor.u32 v9, v4;
	_ =	sdelay $0x1  }
0x41: {  	[tilespmem:v10+s10+$0x0] =	vst.idx.msk $0xffff, v12  }
0x42: {  	v10 =	vor.u32 $0x2, v6;
	v5 =	vld.idx.msk [tilespmem:v13+s2+$0x0], $0xffff;
	_ =	sdelay $0x5  }
0x43: {  	[tilespmem:v7+s10+$0x0] =	vst.idx.msk $0xffff, v5  }
0x44: {  	v6 =	vor.u32 $0x3, v6;
	v7 =	vor.u32 v9, v8;
	v5 =	vld.idx.msk [tilespmem:v10+s2+$0x0], $0xffff;
	_ =	sdelay $0x5  }
.Ltmp0:
0x45: {  	[tilespmem:v7+s10+$0x0] =	vst.idx.msk $0xffff, v5;
	(pc) =	sbr.rel @p1 .LBB2_3-.Ltmp0, $2  }
0x46: {  	v5 =	vld.idx.msk [tilespmem:v6+s2+$0x0], $0xffff;
	_ =	sdelay $0x2  }
0x47: {  	s14 =	sadd.s32 $0x40, s14  }
0x48: {  	_ =	sdelay $0x3  }
0x49: {  	s15 =	sshra.s32 s14, $0x2;
	[tilespmem:v4+s10+$0x0] =	vst.idx.msk $0xffff, v5  }
0x4a: {  	v4 =	vld [tilespmem:s15+$0x8000];
	_ =	sdelay $0x3  }
0x4b: {  	s13 =	sshrl.u32 s13, $0x5  }
0x4c: {  	s31 =	sand.u32 $0x7C0, s14;
	v5 =	vmov s13;
	v4 =	vshll.u32 v4, $0x2  }
0x4d: {  	v7 =	vor.u32 s31, v0;
	v8 =	vmov s31;
	v6 =	vshll.u32 v5, $0xB  }
0x4e: {  	v5 =	vshll.u32 v5, $0x7;
	v7 =	vand.u32 $0x7C, v7;
	v6 =	vand.u32 $0xC000, v6  }
0x4f: {  	v8 =	vshll.u32 v8, $0x3;
	v5 =	vand.u32 $0x380, v5;
	v7 =	vor.u32 v7, v6  }
0x50: {  	v8 =	vand.u32 $0x3C00, v8;
	v7 =	vor.u32 v5, v7  }
0x51: {  	v7 =	vor.u32 v8, v7;
	v9 =	vld.idx.msk [tilespmem:v4+s2+$0x0], $0xffff  }
0x52: {  	v10 =	vor.u32 $0x1, v4  }
0x53: {  	v11 =	vor.u32 s31, v1  }
0x54: {  	v11 =	vand.u32 $0x7D, v11  }
0x55: {  	v11 =	vor.u32 v11, v6  }
0x56: {  	v11 =	vor.u32 v5, v11;
	[tilespmem:v7+s10+$0x0] =	vst.idx.msk $0xffff, v9  }
0x57: {  	v59 =	vor.u32 v8, v11;
	v9 =	vld.idx.msk [tilespmem:v10+s2+$0x0], $0xffff  }
0x58: {  	v60 =	vor.u32 $0x2, v4  }
0x59: {  	v61 =	vor.u32 s31, v2  }
0x5a: {  	v11 =	vand.u32 $0x7E, v61  }
0x5b: {  	v11 =	vor.u32 v11, v6  }
0x5c: {  	v11 =	vor.u32 v5, v11;
	[tilespmem:v59+s10+$0x0] =	vst.idx.msk $0xffff, v9  }
0x5d: {  	v62 =	vor.u32 v8, v11;
	v7 =	vld.idx.msk [tilespmem:v60+s2+$0x0], $0xffff  }
0x5e: {  	v4 =	vor.u32 $0x3, v4  }
0x5f: {  	v63 =	vor.u32 s31, v3  }
0x60: {  	v10 =	vand.u32 $0x7F, v63  }
0x61: {  	v6 =	vor.u32 v10, v6  }
0x62: {  	v5 =	vor.u32 v5, v6;
	[tilespmem:v62+s10+$0x0] =	vst.idx.msk $0xffff, v7  }
0x63: {  	v5 =	vor.u32 v8, v5;
	v4 =	vld.idx.msk [tilespmem:v4+s2+$0x0], $0xffff;
	_ =	sdelay $0x3  }
0x64: {  	s12 =	sshrl.u32 s12, $0x1  }
.Ltmp1:
0x65: {  	s12 =	sadd.s32 s5, s12;
	[tilespmem:v5+s10+$0x0] =	vst.idx.msk $0xffff, v4;
	(pc) =	sbr.rel @p0 .LBB2_2-.Ltmp1, $4  }
0x66: {  	[hbm4b:s12+s2] =	stream.linear.scatter [tilespmem:s10], [sflag:$0x1], $0x10000, $0x38;
	[tilespmem:$0x1C000] =	vst v63  }
0x67: {  	_ =	swait.ge [sflag:s8], $0x10000  }
0x68: {  	[sflag:s8] =	ssyncset.done $0x0  }
0x69: {  	p1 =	por $0x0, $0x0;
	s12 =	simm.s32 $0x4000;
	[sflag:s8] =	ssyncadd.s32 $0xFFFF0000  }
0x6a: {  	s11 =	sadd.s32 $0x1, s11  }
0x6b: {  	p0 =	sne.s32 s11, s7  }
.Ltmp2:
0x6c: {  	_ = 	snop;
	(pc) =	sbr.rel @p0 .LBB2_1-.Ltmp2, $1  }
0x6d: {  	_ =	sdelay $0x3  }
0x6e: {  	_ =	sfence.sel $0x180000  }
0x6f: {  	[bflag:$0x0] =	sbarrier.arrive $0xFFFF  }
0x70: {  	p0 =	sne.s32 s3, $0x0;
	_ =	strace $0x9000004D  }
0x71: {  	s0 =	sadd.s32 @!p0 $0x100000, s0;
	[bflag:$0x2] =	sbarrier.arrive $0xFFFF  }
0x72: {  	[sflag:s0] =	ssyncadd.tile.s32 @!p0 $0x1;
	_ =	shalt  }
.Lfunc_end2:
_tile_overlayer_lowered:
.L_overlay_start_2:
0x73: {  	(tag) =	ssettag $0x2  }
0x74: {  	s0 =	rddreg [dreg:$0x0];
	s2 =	stileid.u32  }
0x75: {  	s1 =	rddreg [dreg:$0x1];
	p0 =	sne.s32 s2, $0x0  }
0x76: {  	s3 =	rddreg [dreg:$0x2];
	[bflag:$0x3] =	sbarrier.arrive $0xFFFF;
	s2 =	simm.s32 @!p0 $0x1C01  }
0x77: {  	[timem:s3], [sflag:s2] =	dma.local @!p0 [hbm:s0], s1  }
0x78: {  	s0 =	simm.s32 @!p0 $0x1  }
0x79: {  	_ =	swait.ge @!p0 [sflag:s0], s1  }
0x7a: {  	s1 =	ssub.s32 @!p0 $0x0, s1;
	[sflag:s0] =	ssyncset.done @!p0 $0x0  }
0x7b: {  	[sflag:s0] =	ssyncadd.s32 @!p0 s1  }
0x7c: {  	[bflag:$0x3] =	sbarrier.arrive $0xFFFF  }
0x7d: {  	_ =	shalt  }

// kernel: kernel.9.cloned.1.call-start
scs
__scs_entry_jumppad:
0x0: {  	(pc) =	sbr.rel $0x88, $3  }
0x1: {  	(tag) =	ssettag $0x0;
	lr =	simm.s32 $0x1  }
0x2: {  	[smem:$0x3F9D] =	sst lr;
	_ =	strace $0xD0000000  }
0x3: {  	_ = 	snop  }
0x4: {  	_ = 	snop  }
0x5: {  	_ = 	snop  }
0x6: {  	_ = 	snop  }
0x7: {  	_ = 	snop  }
__scs_overlays_trampoline_lowered:
0x8: {  	[smem:$0x3FAC] =	sst s0  }
0x9: {  	[smem:$0x3FAD] =	sst s1  }
0xa: {  	[smem:$0x3FAE] =	sst s2  }
0xb: {  	[smem:$0x3FAF] =	sst s3  }
0xc: {  	[smem:$0x3FB0] =	sst s4  }
0xd: {  	[smem:$0x3FB1] =	sst s5  }
0xe: {  	[smem:$0x3FB2] =	sst s6  }
0xf: {  	[smem:$0x3FB3] =	sst s7  }
0x10: {  	[smem:$0x3FB4] =	sst s8  }
0x11: {  	[smem:$0x3FB5] =	sst s9;
	s0 =	simm.s32 @!p0 $0x0  }
0x12: {  	s1 =	sld [smem:$0x3F9B];
	s0 =	simm.s32 @p0 $0x1  }
0x13: {  	[smem:$0x3FB6] =	sst s0;
	s0 =	simm.s32 @!p1 $0x0  }
0x14: {  	s2 =	sld [smem:$0x3F9A];
	s0 =	simm.s32 @p1 $0x1  }
0x15: {  	[smem:$0x3FB7] =	sst s0;
	s0 =	simm.s32 @!p2 $0x0  }
0x16: {  	s3 =	sld [smem:$0x3FDB];
	s0 =	simm.s32 @p2 $0x1  }
0x17: {  	s4 =	simm.s32 $0x1BF5;
	[smem:$0x3FB9] =	sst s0  }
0x18: {  	s0 =	sld [smem:$0x3F9C];
	_ =	swait.ge [sflag:s4], $0x0  }
0x19: {  	s7 =	sld [smem:$0x3F9D]  }
0x1a: {  	s8 =	sadd.s32 $0xFFFFE003, lr  }
0x1b: {  	s9 =	sadd.s32 $0xFFFFFEF7, lr;
	s5 =	simm.s32 $0xFFFFFFFF;
	p2 =	slt.u32 s8, $0xFFFFF086  }
0x1c: {  	p1 =	slt.u32 s9, $0xF7A;
	s5 =	simm.s32 @!p2 $0x0  }
0x1d: {  	s5 =	simm.s32 @p1 $0x1;
	p0 =	seq.s32 s7, s2  }
0x1e: {  	s7 =	smul.u32 @!p0 $0xF7A, s2;
	p2 =	seq.s32 @!p0 s5, $0x0  }
0x1f: {  	s9 =	smul.u32 $0xF7A, s1;
	s8 =	simm.s32 @!p0 $0x1BF5;
	p2 =	por !p2, p0  }
0x20: {  	[sflag:s8] =	ssyncset.s32 @!p0 $0xFFFFF086;
	s6 =	sadd.s32 @!p0 s3, s7;
	s7 =	simm.s32 @!p0 $0x108  }
0x21: {  	s3 =	sadd.s32 s3, s9;
	s6 =	sadd.s32 @!p0 $0x88, s6;
	s7 =	simm.s32 @p2 $0x1082  }
0x22: {  	[simem:s7], [sflag:s8] =	dma.local @!p0 [hbm:s6], $0xF7A  }
0x23: {  	s9 =	sor.u32 $0xD0000000, s2;
	s6 =	simm.s32 $0x108;
	_ =	swait.ge @!p0 [sflag:s8], $0x0  }
0x24: {  	s3 =	sadd.s32 $0x88, s3;
	s6 =	simm.s32 @!p1 $0x1082;
	[sflag:s4] =	ssyncset.s32 $0xFFFFF086  }
0x25: {  	[simem:s6], [sflag:s4] =	dma.local [hbm:s3], $0xF7A  }
0x26: {  	[smem:$0x3F9D] =	sst s1;
	(tag) =	ssettag s2;
	_ =	strace s9  }
0x27: {  	s1 =	sld [smem:$0x3FAD]  }
0x28: {  	s2 =	sld [smem:$0x3FAE]  }
0x29: {  	s4 =	sld [smem:$0x3FB0]  }
0x2a: {  	p0 =	seq.s32 s5, $0x0;
	s5 =	sld [smem:$0x3FB1]  }
0x2b: {  	s6 =	sld [smem:$0x3FB2]  }
0x2c: {  	s7 =	sld [smem:$0x3FB3]  }
0x2d: {  	s3 =	simm.s32 $0x108;
	s8 =	sld [smem:$0x3FB4]  }
0x2e: {  	s3 =	simm.s32 @!p0 $0x1082;
	s9 =	sld [smem:$0x3FB5]  }
0x2f: {  	lr =	sadd.s32 s0, s3;
	s0 =	sld [smem:$0x3FAC]  }
0x30: {  	s3 =	sld [smem:$0x3FAF]  }
0x31: {  	[smem:$0x3FB8] =	sst s10  }
0x32: {  	s10 =	sld [smem:$0x3FB6];
	_ =	sdelay $0x3  }
0x33: {  	p0 =	seq.s32 s10, $0x1;
	s10 =	sld [smem:$0x3FB8];
	_ =	sdelay $0x3  }
0x34: {  	[smem:$0x3FB8] =	sst s10  }
0x35: {  	s10 =	sld [smem:$0x3FB7];
	_ =	sdelay $0x3  }
0x36: {  	p1 =	seq.s32 s10, $0x1;
	s10 =	sld [smem:$0x3FB8];
	_ =	sdelay $0x3  }
0x37: {  	[smem:$0x3FB8] =	sst s10  }
0x38: {  	s10 =	sld [smem:$0x3FB9]  }
0x39: {  	_ = 	snop;
	(pc) =	sbr.ind lr, $3  }
0x3a: {  	_ = 	snop  }
0x3b: {  	_ = 	snop  }
0x3c: {  	p2 =	seq.s32 s10, $0x1;
	s10 =	sld [smem:$0x3FB8]  }
0x3d: {  	_ =	shalt  }
0x3e: {  	_ =	shalt  }
0x3f: {  	_ =	shalt  }
0x40: {  	_ =	shalt  }
0x41: {  	_ =	shalt  }
0x42: {  	_ =	shalt  }
0x43: {  	_ =	shalt  }
0x44: {  	_ =	shalt  }
0x45: {  	_ =	shalt  }
0x46: {  	_ =	shalt  }
0x47: {  	_ =	shalt  }
0x48: {  	_ =	shalt  }
0x49: {  	_ =	shalt  }
0x4a: {  	_ =	shalt  }
0x4b: {  	_ =	shalt  }
0x4c: {  	_ =	shalt  }
0x4d: {  	_ =	shalt  }
0x4e: {  	_ =	shalt  }
0x4f: {  	_ =	shalt  }
0x50: {  	_ =	shalt  }
0x51: {  	_ =	shalt  }
0x52: {  	_ =	shalt  }
0x53: {  	_ =	shalt  }
0x54: {  	_ =	shalt  }
0x55: {  	_ =	shalt  }
0x56: {  	_ =	shalt  }
0x57: {  	_ =	shalt  }
0x58: {  	_ =	shalt  }
0x59: {  	_ =	shalt  }
0x5a: {  	_ =	shalt  }
0x5b: {  	_ =	shalt  }
0x5c: {  	_ =	shalt  }
0x5d: {  	_ =	shalt  }
0x5e: {  	_ =	shalt  }
0x5f: {  	_ =	shalt  }
0x60: {  	_ =	shalt  }
0x61: {  	_ =	shalt  }
0x62: {  	_ =	shalt  }
0x63: {  	_ =	shalt  }
0x64: {  	_ =	shalt  }
0x65: {  	_ =	shalt  }
0x66: {  	_ =	shalt  }
0x67: {  	_ =	shalt  }
0x68: {  	_ =	shalt  }
0x69: {  	_ =	shalt  }
0x6a: {  	_ =	shalt  }
0x6b: {  	_ =	shalt  }
0x6c: {  	_ =	shalt  }
0x6d: {  	_ =	shalt  }
0x6e: {  	_ =	shalt  }
0x6f: {  	_ =	shalt  }
0x70: {  	_ =	shalt  }
0x71: {  	_ =	shalt  }
0x72: {  	_ =	shalt  }
0x73: {  	_ =	shalt  }
0x74: {  	_ =	shalt  }
0x75: {  	_ =	shalt  }
0x76: {  	_ =	shalt  }
0x77: {  	_ =	shalt  }
0x78: {  	_ =	shalt  }
0x79: {  	_ =	shalt  }
0x7a: {  	_ =	shalt  }
0x7b: {  	_ =	shalt  }
0x7c: {  	_ =	shalt  }
0x7d: {  	_ =	shalt  }
0x7e: {  	_ =	shalt  }
0x7f: {  	_ =	shalt  }
0x80: {  	_ =	shalt  }
0x81: {  	_ =	shalt  }
0x82: {  	_ =	shalt  }
0x83: {  	_ =	shalt  }
0x84: {  	_ =	shalt  }
0x85: {  	_ =	shalt  }
0x86: {  	_ =	shalt  }
0x87: {  	_ =	shalt  }
.Lfunc_end0:
.L_simem_size_0:
called_computation.3_lowered:
.L_overlay_start_0:
0x88: {  	s2 =	sld [smem:$0x3FD9]  }
0x89: {  	s3 =	sld [smem:$0x3FFE];
	_ =	sdelay $0x1  }
0x8a: {  	s1 =	srdreg.scid  }
0x8b: {  	s0 =	sand.u32 $0x1, s1  }
0x8c: {  	s17 =	sshll.u32 s0, $0xA;
	s2 =	sadd.s32 s3, s2  }
0x8d: {  	s2 =	sadd.s32 s2, s17  }
0x8e: {  	[smem:$0x3FC4] =	sst s2  }
0x8f: {  	_ = 	snop  }
0x90: {  	s18 =	sld [smem:$0x3FC8];
	(tm) =	ssettm $0x1  }
0x91: {  	s19 =	sld [smem:$0x3FFB];
	_ =	sdelay $0x3  }
0x92: {  	_ =	strace s19  }
0x93: {  	s2 =	sld [smem:$0x3FFC];
	_ =	sdelay $0x3  }
0x94: {  	_ =	strace s2  }
0x95: {  	s2 =	sld [smem:$0x3FFD];
	_ =	sdelay $0x3  }
0x96: {  	_ =	strace s2  }
0x97: {  	_ =	strace $0x8FFFFFFF  }
0x98: {  	s20 =	sld [smem:$0x3FDB];
	_ =	sdelay $0x1  }
0x99: {  	s4 =	simm.s32 $_scs_section_size  }
0x9a: {  	s5 =	simm.s32 $_size__tile_overlayer_lowered;
	s6 =	simm.s32 $_tile_overlayer_lowered  }
0x9b: {  	s7 =	simm.s32 $0x1BFF;
	s21 =	sshll.u32 s6, $0x1;
	s4 =	sadd.s32 s4, s20  }
0x9c: {  	s22 =	simm.s32 $0x0;
	s5 =	sshll.u32 s5, $0x1;
	s6 =	sadd.s32 s21, s4  }
0x9d: {  	[timem:s22], [sflag:s7] =	dma.local [hbm:s6], s5  }
0x9e: {  	_ =	swait.ge [sflag:s7], s5  }
0x9f: {  	s5 =	ssub.s32 $0x0, s5;
	[sflag:s7] =	ssyncset.done $0x0  }
0xa0: {  	[sflag:s7] =	ssyncadd.s32 s5;
	_ =	sdelay $0x1  }
0xa1: {  	s23 =	simm.s32 $0x1B8B  }
0xa2: {  	_ =	swait.ge [sflag:s23], $0x1  }
0xa3: {  	[sflag:s23] =	ssyncset.done $0x0  }
0xa4: {  	[sflag:s23] =	ssyncadd.s32 $0xFFFFFFFF  }
0xa5: {  	s5 =	sld [smem:$0x0]  }
0xa6: {  	s6 =	sand.u32 $0xFFFFFFFE, s1  }
0xa7: {  	p0 =	sne.s32 s1, s6  }
0xa8: {  	s6 =	sshll.u32 @p0 s6, $0xE  }
0xa9: {  	s6 =	sadd.s32 @p0 $0x11B8D, s6;
	s7 =	sshll.u32 @p0 s5, $0x11  }
0xaa: {  	s6 =	sor.u32 @p0 s7, s6  }
0xab: {  	[sflag:s6] =	ssyncadd.remote.s32 @p0 $0x1;
	_ =	sdelay $0x1  }
0xac: {  	s6 =	simm.s32 @p0 $0x1B8D  }
0xad: {  	_ =	swait.eq @p0 [sflag:s6], $0x1  }
0xae: {  	[sflag:s6] =	ssyncadd.s32 @p0 $0xFFFFFFFF  }
0xaf: {  	s7 =	sshll.u32 @!p0 s1, $0xE  }
0xb0: {  	s7 =	sor.u32 @!p0 $0x4000, s7;
	s6 =	simm.s32 @!p0 $0x1B8D  }
0xb1: {  	s5 =	sshll.u32 @!p0 s5, $0x11;
	s7 =	sadd.s32 @!p0 $0x11B8D, s7;
	_ =	swait.eq @!p0 [sflag:s6], $0x1  }
0xb2: {  	s5 =	sor.u32 @!p0 s5, s7;
	[sflag:s6] =	ssyncadd.s32 @!p0 $0xFFFFFFFF  }
0xb3: {  	s25 =	simm.s32 $0x1B8E;
	s24 =	sld [smem:$0x3FFE];
	[sflag:s5] =	ssyncadd.remote.s32 @!p0 $0x1  }
0xb4: {  	s26 =	simm.s32 $execute0_lowered;
	[smem:$0x3FD2] =	sst s25  }
0xb5: {  	s6 =	sshll.u32 s26, $0x1;
	_ =	strace $0x8000004F;
	[dreg:$0x1] =	wrdreg $0xFFFFFFFF  }
0xb6: {  	s28 =	simm.s32 $_size_execute0_lowered;
	s4 =	sadd.s32 s4, s6;
	[dreg:$0x0] =	wrdreg $0x0  }
0xb7: {  	s6 =	sshll.u32 s28, $0x1;
	[dreg:$0x2] =	wrdreg s4  }
0xb8: {  	[dreg:$0x3] =	wrdreg s6  }
0xb9: {  	[dreg:$0x4] =	wrdreg $0xC0  }
0xba: {  	_ =	task [dreg:s22], $0x5FFFF  }
0xbb: {  	[dreg:$0x1] =	wrdreg $0xFFFFFFFF  }
0xbc: {  	[dreg:$0x0] =	wrdreg $0x60  }
0xbd: {  	[dreg:$0x2] =	wrdreg s24  }
0xbe: {  	[dreg:$0x3] =	wrdreg s18  }
0xbf: {  	[dreg:$0x4] =	wrdreg $0xB  }
0xc0: {  	_ =	task.clear_ibuf [dreg:s22], $0x5FFFF;
	_ =	strace $0x9000004F  }
0xc1: {  	s29 =	simm.s32 $0xB;
	_ =	strace $0x80000051  }
0xc2: {  	_ =	swait.ge [sflag:s29], $0x1  }
0xc3: {  	[sflag:s29] =	ssyncadd.s32 $0xFFFFFFFF  }
0xc4: {  	_ =	strace $0x90000051  }
0xc5: {  	_ =	sfence  }
0xc6: {  	s30 =	sld [smem:$0x0];
	_ =	sdelay $0x2  }
0xc7: {  	s31 =	sshll.u32 s1, $0xD;
	s1 =	sshrl.u32 s1, $0x2  }
0xc8: {  	s4 =	sand.u32 $0x4000, s31;
	s1 =	sadd.s32 s1, s30  }
0xc9: {  	s0 =	sor.u32 s4, s0;
	s1 =	sshll.u32 s1, $0x11  }
0xca: {  	s0 =	sor.u32 s1, s0  }
0xcb: {  	s0 =	sadd.s32 $0x8F2B, s0  }
0xcc: {  	[sflag:s0] =	ssyncadd.remote.s32 $0x1  }
0xcd: {  	_ =	sfence.sel $0xFFFF  }
0xce: {  	[dreg:$0x0] =	wrdreg $0xFFFFFFFF;
	(pc) =	sbr.abs _section_cstart, $3  }
0xcf: {  	[dreg:$0x1] =	wrdreg $0xFFFFFFFF  }
0xd0: {  	_ =	task.clear_ibuf [dreg:s22], $0x2FFFF;
	_ =	strace $0x9FFFFFFF  }
0xd1: {  	(tm) =	ssettm $0x7FFFFFFF  }
tec
execute0_lowered:
.L_overlay_start_1:
0x0: {  	(tag) =	ssettag $0x1  }
0x1: {  	s4 =	rddreg [dreg:$0x0]  }
0x2: {  	s6 =	rddreg [dreg:$0x1]  }
0x3: {  	s0 =	rddreg [dreg:$0x2];
	s1 =	simm.s32 $0x0;
	s2 =	srdreg.scid  }
0x4: {  	s10 =	simm.s32 $0xC000;
	s11 =	simm.s32 $0x0;
	[smem:$0x7FF] =	sst s1  }
0x5: {  	s5 =	sand.u32 $0x1, s2;
	s3 =	sadd.s32 $0x201400, s4;
	s2 =	stileid.u32  }
0x6: {  	v0 =	vlaneseq.u32;
	s4 =	sadd.s32 $0x282400, s4;
	s6 =	sadd.s32 $0x20000, s6;
	s7 =	ssub.s32 $0x2, s5  }
0x7: {  	v0 =	vmul.u32 $0x4, v0;
	s9 =	sshll.u32 s2, $0x10;
	s5 =	sshll.u32 s5, $0xF;
	s8 =	sshrl.u32 s7, $0x1  }
0x8: {  	_ =	strace $0x80000050;
	s5 =	sor.u32 s5, s9;
	s7 =	ssub.s32 s7, s8  }
0x9: {  	s9 =	simm.s32 $0x8000;
	v1 =	vor.u32 $0x1, v0;
	v2 =	vor.u32 $0x2, v0;
	v3 =	vor.u32 $0x3, v0;
	s8 =	simm.s32 $0x1;
	s7 =	smax.u32 s7, $0x1  }
.LBB2_1:
0xa: {  	[tilespmem:s1], [sflag:$0x1] =	stream.linear.gather [hbm4b:s3+s1], $0x8000, $0x38;
	[tilespmem:$0x1C000] =	vst v63  }
0xb: {  	_ =	swait.ge [sflag:s8], $0x8000  }
0xc: {  	[sflag:s8] =	ssyncset.done $0x0  }
0xd: {  	p1 =	por $0x1, $0x1;
	s12 =	simm.s32 $0x0;
	[sflag:s8] =	ssyncadd.s32 $0xFFFF8000  }
.LBB2_2:
0xe: {  	s12 =	sor.u32 s5, s12  }
0xf: {  	s13 =	sshrl.u32 s12, $0x3  }
0x10: {  	s14 =	simm.s32 $0x0;
	s13 =	sadd.s32 s13, s6  }
0x11: {  	[tilespmem:s9], [sflag:$0x1] =	stream.linear.gather [hbm4b:s13+s14], $0x4000, $0x38;
	[tilespmem:$0x1C000] =	vst v63  }
0x12: {  	_ =	swait.ge [sflag:s8], $0x4000  }
0x13: {  	[sflag:s8] =	ssyncset.done $0x0  }
0x14: {  	s29 =	simm.s32 $0x0;
	[sflag:s8] =	ssyncadd.s32 $0xFFFFC000  }
0x15: {  	v4 =	vld [tilespmem:s29+$0x8000];
	_ =	sdelay $0x3  }
0x16: {  	s30 =	simm.s32 $0x0  }
0x17: {  	v5 =	vmov s30;
	s31 =	sand.u32 $0x7C0, s14;
	v4 =	vshll.u32 v4, $0x2  }
0x18: {  	v6 =	vshll.u32 v5, $0xB;
	v5 =	vshll.u32 v5, $0x7;
	v7 =	vor.u32 s31, v0  }
0x19: {  	v8 =	vmov s31;
	v6 =	vand.u32 $0xC000, v6;
	v7 =	vand.u32 $0x7C, v7  }
0x1a: {  	v8 =	vshll.u32 v8, $0x3;
	v5 =	vand.u32 $0x380, v5;
	v7 =	vor.u32 v7, v6  }
0x1b: {  	v8 =	vand.u32 $0x3C00, v8;
	v7 =	vor.u32 v5, v7  }
0x1c: {  	v7 =	vor.u32 v8, v7;
	v9 =	vld.idx.msk [tilespmem:v4+s1+$0x0], $0xffff  }
0x1d: {  	v10 =	vor.u32 $0x1, v4  }
0x1e: {  	v11 =	vor.u32 s31, v1  }
0x1f: {  	v11 =	vand.u32 $0x7D, v11  }
0x20: {  	v11 =	vor.u32 v11, v6  }
0x21: {  	v11 =	vor.u32 v5, v11;
	[tilespmem:v7+s10+$0x0] =	vst.idx.msk $0xffff, v9  }
0x22: {  	v7 =	vor.u32 v8, v11;
	v9 =	vld.idx.msk [tilespmem:v10+s1+$0x0], $0xffff  }
0x23: {  	v60 =	vor.u32 $0x2, v4  }
0x24: {  	v61 =	vor.u32 s31, v2  }
0x25: {  	v11 =	vand.u32 $0x7E, v61  }
0x26: {  	v11 =	vor.u32 v11, v6  }
0x27: {  	v11 =	vor.u32 v5, v11;
	[tilespmem:v7+s10+$0x0] =	vst.idx.msk $0xffff, v9  }
0x28: {  	v62 =	vor.u32 v8, v11;
	v7 =	vld.idx.msk [tilespmem:v60+s1+$0x0], $0xffff  }
0x29: {  	v63 =	vor.u32 $0x3, v4  }
0x2a: {  	v4 =	vor.u32 s31, v3  }
0x2b: {  	v4 =	vand.u32 $0x7F, v4  }
0x2c: {  	v4 =	vor.u32 v4, v6  }
0x2d: {  	v4 =	vor.u32 v5, v4;
	[tilespmem:v62+s10+$0x0] =	vst.idx.msk $0xffff, v7  }
0x2e: {  	p0 =	por p1, p1;
	v4 =	vor.u32 v8, v4;
	v5 =	vld.idx.msk [tilespmem:v63+s1+$0x0], $0xffff  }
0x2f: {  	s15 =	simm.s32 $0x2;
	s13 =	simm.s32 $0x1;
	s14 =	simm.s32 $0x40  }
.LBB2_3:
0x30: {  	p1 =	sne.s32 s15, $0x3FF  }
0x31: {  	s16 =	sshra.s32 s14, $0x2;
	s17 =	smov.u32 s15;
	s15 =	sadd.s32 $0x1, s15  }
0x32: {  	_ = 	snop  }
0x33: {  	[tilespmem:v4+s10+$0x0] =	vst.idx.msk $0xffff, v5  }
0x34: {  	v4 =	vld [tilespmem:s16+$0x8000];
	_ =	sdelay $0x2  }
0x35: {  	s16 =	sshrl.u32 s13, $0x5;
	s13 =	smov.u32 s17  }
0x36: {  	v5 =	vmov s16;
	s16 =	sand.u32 $0x7C0, s14  }
0x37: {  	v6 =	vshll.u32 v4, $0x2;
	v4 =	vshll.u32 v5, $0xB;
	v5 =	vshll.u32 v5, $0x7  }
0x38: {  	v7 =	vor.u32 s16, v1;
	v8 =	vor.u32 s16, v3;
	v4 =	vand.u32 $0xC000, v4  }
0x39: {  	v9 =	vmov s16;
	v10 =	vor.u32 s16, v0;
	v11 =	vor.u32 s16, v2  }
0x3a: {  	v10 =	vand.u32 $0x7C, v10;
	v9 =	vshll.u32 v9, $0x3;
	v7 =	vand.u32 $0x7D, v7  }
0x3b: {  	v9 =	vand.u32 $0x3C00, v9;
	v5 =	vand.u32 $0x380, v5;
	v10 =	vor.u32 v10, v4  }
0x3c: {  	v8 =	vand.u32 $0x7F, v8;
	v13 =	vor.u32 $0x1, v6;
	v10 =	vor.u32 v5, v10;
	v12 =	vld.idx.msk [tilespmem:v6+s1+$0x0], $0xffff  }
0x3d: {  	v11 =	vand.u32 $0x7E, v11;
	v7 =	vor.u32 v7, v4;
	v10 =	vor.u32 v9, v10  }
0x3e: {  	v11 =	vor.u32 v11, v4;
	v4 =	vor.u32 v8, v4;
	v7 =	vor.u32 v5, v7  }
0x3f: {  	v8 =	vor.u32 v5, v11;
	v4 =	vor.u32 v5, v4;
	v7 =	vor.u32 v9, v7  }
0x40: {  	v4 =	vor.u32 v9, v4;
	_ =	sdelay $0x1  }
0x41: {  	[tilespmem:v10+s10+$0x0] =	vst.idx.msk $0xffff, v12  }
0x42: {  	v10 =	vor.u32 $0x2, v6;
	v5 =	vld.idx.msk [tilespmem:v13+s1+$0x0], $0xffff;
	_ =	sdelay $0x5  }
0x43: {  	[tilespmem:v7+s10+$0x0] =	vst.idx.msk $0xffff, v5  }
0x44: {  	v6 =	vor.u32 $0x3, v6;
	v7 =	vor.u32 v9, v8;
	v5 =	vld.idx.msk [tilespmem:v10+s1+$0x0], $0xffff;
	_ =	sdelay $0x5  }
.Ltmp0:
0x45: {  	[tilespmem:v7+s10+$0x0] =	vst.idx.msk $0xffff, v5;
	(pc) =	sbr.rel @p1 .LBB2_3-.Ltmp0, $2  }
0x46: {  	v5 =	vld.idx.msk [tilespmem:v6+s1+$0x0], $0xffff;
	_ =	sdelay $0x2  }
0x47: {  	s14 =	sadd.s32 $0x40, s14  }
0x48: {  	_ =	sdelay $0x3  }
0x49: {  	s15 =	sshra.s32 s14, $0x2;
	[tilespmem:v4+s10+$0x0] =	vst.idx.msk $0xffff, v5  }
0x4a: {  	v4 =	vld [tilespmem:s15+$0x8000];
	_ =	sdelay $0x3  }
0x4b: {  	s13 =	sshrl.u32 s13, $0x5  }
0x4c: {  	s31 =	sand.u32 $0x7C0, s14;
	v5 =	vmov s13;
	v4 =	vshll.u32 v4, $0x2  }
0x4d: {  	v7 =	vor.u32 s31, v0;
	v8 =	vmov s31;
	v6 =	vshll.u32 v5, $0xB  }
0x4e: {  	v5 =	vshll.u32 v5, $0x7;
	v7 =	vand.u32 $0x7C, v7;
	v6 =	vand.u32 $0xC000, v6  }
0x4f: {  	v8 =	vshll.u32 v8, $0x3;
	v5 =	vand.u32 $0x380, v5;
	v7 =	vor.u32 v7, v6  }
0x50: {  	v8 =	vand.u32 $0x3C00, v8;
	v7 =	vor.u32 v5, v7  }
0x51: {  	v7 =	vor.u32 v8, v7;
	v9 =	vld.idx.msk [tilespmem:v4+s1+$0x0], $0xffff  }
0x52: {  	v10 =	vor.u32 $0x1, v4  }
0x53: {  	v11 =	vor.u32 s31, v1  }
0x54: {  	v11 =	vand.u32 $0x7D, v11  }
0x55: {  	v11 =	vor.u32 v11, v6  }
0x56: {  	v11 =	vor.u32 v5, v11;
	[tilespmem:v7+s10+$0x0] =	vst.idx.msk $0xffff, v9  }
0x57: {  	v59 =	vor.u32 v8, v11;
	v9 =	vld.idx.msk [tilespmem:v10+s1+$0x0], $0xffff  }
0x58: {  	v60 =	vor.u32 $0x2, v4  }
0x59: {  	v61 =	vor.u32 s31, v2  }
0x5a: {  	v11 =	vand.u32 $0x7E, v61  }
0x5b: {  	v11 =	vor.u32 v11, v6  }
0x5c: {  	v11 =	vor.u32 v5, v11;
	[tilespmem:v59+s10+$0x0] =	vst.idx.msk $0xffff, v9  }
0x5d: {  	v62 =	vor.u32 v8, v11;
	v7 =	vld.idx.msk [tilespmem:v60+s1+$0x0], $0xffff  }
0x5e: {  	v4 =	vor.u32 $0x3, v4  }
0x5f: {  	v63 =	vor.u32 s31, v3  }
0x60: {  	v10 =	vand.u32 $0x7F, v63  }
0x61: {  	v6 =	vor.u32 v10, v6  }
0x62: {  	v5 =	vor.u32 v5, v6;
	[tilespmem:v62+s10+$0x0] =	vst.idx.msk $0xffff, v7  }
0x63: {  	v5 =	vor.u32 v8, v5;
	v4 =	vld.idx.msk [tilespmem:v4+s1+$0x0], $0xffff;
	_ =	sdelay $0x3  }
0x64: {  	s12 =	sshrl.u32 s12, $0x1  }
.Ltmp1:
0x65: {  	s12 =	sadd.s32 s4, s12;
	[tilespmem:v5+s10+$0x0] =	vst.idx.msk $0xffff, v4;
	(pc) =	sbr.rel @p0 .LBB2_2-.Ltmp1, $4  }
0x66: {  	[hbm4b:s12+s1] =	stream.linear.scatter [tilespmem:s10], [sflag:$0x1], $0x10000, $0x38;
	[tilespmem:$0x1C000] =	vst v63  }
0x67: {  	_ =	swait.ge [sflag:s8], $0x10000  }
0x68: {  	[sflag:s8] =	ssyncset.done $0x0  }
0x69: {  	p1 =	por $0x0, $0x0;
	s12 =	simm.s32 $0x4000;
	[sflag:s8] =	ssyncadd.s32 $0xFFFF0000  }
0x6a: {  	s11 =	sadd.s32 $0x1, s11  }
0x6b: {  	p0 =	sne.s32 s11, s7  }
.Ltmp2:
0x6c: {  	_ = 	snop;
	(pc) =	sbr.rel @p0 .LBB2_1-.Ltmp2, $1  }
0x6d: {  	_ =	sdelay $0x3  }
0x6e: {  	_ =	sfence.sel $0x180000  }
0x6f: {  	[bflag:$0x0] =	sbarrier.arrive $0xFFFF  }
0x70: {  	p0 =	sne.s32 s2, $0x0;
	_ =	strace $0x90000050  }
0x71: {  	s0 =	sadd.s32 @!p0 $0x100000, s0;
	[bflag:$0x2] =	sbarrier.arrive $0xFFFF  }
0x72: {  	[sflag:s0] =	ssyncadd.tile.s32 @!p0 $0x1;
	_ =	shalt  }
.Lfunc_end2:
_tile_overlayer_lowered:
.L_overlay_start_2:
0x73: {  	(tag) =	ssettag $0x2  }
0x74: {  	s0 =	rddreg [dreg:$0x0];
	s2 =	stileid.u32  }
0x75: {  	s1 =	rddreg [dreg:$0x1];
	p0 =	sne.s32 s2, $0x0  }
0x76: {  	s3 =	rddreg [dreg:$0x2];
	[bflag:$0x3] =	sbarrier.arrive $0xFFFF;
	s2 =	simm.s32 @!p0 $0x1C01  }
0x77: {  	[timem:s3], [sflag:s2] =	dma.local @!p0 [hbm:s0], s1  }
0x78: {  	s0 =	simm.s32 @!p0 $0x1  }
0x79: {  	_ =	swait.ge @!p0 [sflag:s0], s1  }
0x7a: {  	s1 =	ssub.s32 @!p0 $0x0, s1;
	[sflag:s0] =	ssyncset.done @!p0 $0x0  }
0x7b: {  	[sflag:s0] =	ssyncadd.s32 @!p0 s1  }
0x7c: {  	[bflag:$0x3] =	sbarrier.arrive $0xFFFF  }
0x7d: {  	_ =	shalt  }

// kernel: sparse-core-data-format-call.cloned.1.call-start
scs
called_computation_lowered:
.L_overlay_start_0:
0x0: {  	s2 =	sld [smem:$0x3FD9]  }
0x1: {  	s3 =	sld [smem:$0x3FFE];
	_ =	sdelay $0x1  }
0x2: {  	s1 =	srdreg.scid  }
0x3: {  	s0 =	sand.u32 $0x1, s1  }
0x4: {  	s18 =	sshll.u32 s0, $0xA;
	s2 =	sadd.s32 s3, s2  }
0x5: {  	s2 =	sadd.s32 s2, s18  }
0x6: {  	[smem:$0x3FC4] =	sst s2  }
0x7: {  	_ = 	snop  }
0x8: {  	s2 =	sld [smem:$0x3FD0];
	(tm) =	ssettm $0x1  }
0x9: {  	s19 =	sld [smem:$0x3FFB];
	_ =	sdelay $0x3  }
0xa: {  	_ =	strace s19  }
0xb: {  	s3 =	sld [smem:$0x3FFC];
	_ =	sdelay $0x3  }
0xc: {  	_ =	strace s3  }
0xd: {  	s3 =	sld [smem:$0x3FFD];
	_ =	sdelay $0x3  }
0xe: {  	_ =	strace s3  }
0xf: {  	_ =	strace $0x8FFFFFFF  }
0x10: {  	s20 =	sld [smem:$0x3FDB];
	_ =	sdelay $0x1  }
0x11: {  	s4 =	simm.s32 $_scs_section_size  }
0x12: {  	s5 =	simm.s32 $_size__tile_overlayer_lowered;
	s6 =	simm.s32 $_tile_overlayer_lowered  }
0x13: {  	s23 =	simm.s32 $0x1BFF;
	s22 =	sshll.u32 s6, $0x1;
	s3 =	sadd.s32 s4, s20  }
0x14: {  	s7 =	simm.s32 $0x0;
	s21 =	sshll.u32 s5, $0x1;
	s5 =	sadd.s32 s22, s3  }
0x15: {  	[timem:s7], [sflag:s23] =	dma.local [hbm:s5], s21  }
0x16: {  	_ =	swait.ge [sflag:s23], s21  }
0x17: {  	s4 =	ssub.s32 $0x0, s21;
	[sflag:s23] =	ssyncset.done $0x0  }
0x18: {  	[sflag:s23] =	ssyncadd.s32 s4;
	_ =	sdelay $0x1  }
0x19: {  	s24 =	simm.s32 $0x1B8B  }
0x1a: {  	_ =	swait.ge [sflag:s24], $0x1  }
0x1b: {  	[sflag:s24] =	ssyncset.done $0x0  }
0x1c: {  	s26 =	simm.s32 $0x1B8E;
	s25 =	sld [smem:$0x3FFE];
	[sflag:s24] =	ssyncadd.s32 $0xFFFFFFFF  }
0x1d: {  	s27 =	simm.s32 $execute0_lowered;
	[smem:$0x3FD2] =	sst s26  }
0x1e: {  	s5 =	sshll.u32 s27, $0x1;
	_ =	strace $0x80000049;
	[dreg:$0x1] =	wrdreg $0xFFFFFFFF  }
0x1f: {  	s28 =	simm.s32 $_size_execute0_lowered;
	s3 =	sadd.s32 s3, s5;
	[dreg:$0x0] =	wrdreg $0x0  }
0x20: {  	s5 =	sshll.u32 s28, $0x1;
	[dreg:$0x2] =	wrdreg s3  }
0x21: {  	[dreg:$0x3] =	wrdreg s5  }
0x22: {  	[dreg:$0x4] =	wrdreg $0xC0  }
0x23: {  	_ =	task [dreg:s7], $0x5FFFF  }
0x24: {  	[dreg:$0x1] =	wrdreg $0xFFFFFFFF  }
0x25: {  	[dreg:$0x0] =	wrdreg $0x60  }
0x26: {  	[dreg:$0x2] =	wrdreg s25  }
0x27: {  	[dreg:$0x3] =	wrdreg s2  }
0x28: {  	[dreg:$0x4] =	wrdreg $0x9  }
0x29: {  	_ =	task.clear_ibuf [dreg:s7], $0x5FFFF;
	_ =	strace $0x90000049  }
0x2a: {  	s29 =	simm.s32 $0x9;
	_ =	strace $0x8000004B  }
0x2b: {  	_ =	swait.ge [sflag:s29], $0x1  }
0x2c: {  	[sflag:s29] =	ssyncadd.s32 $0xFFFFFFFF  }
0x2d: {  	_ =	strace $0x9000004B  }
0x2e: {  	_ =	sfence  }
0x2f: {  	s30 =	sld [smem:$0x0];
	_ =	sdelay $0x2  }
0x30: {  	s31 =	sshll.u32 s1, $0xD;
	s1 =	sshrl.u32 s1, $0x2  }
0x31: {  	s3 =	sand.u32 $0x4000, s31;
	s1 =	sadd.s32 s1, s30  }
0x32: {  	s0 =	sor.u32 s3, s0;
	s1 =	sshll.u32 s1, $0x11  }
0x33: {  	s0 =	sor.u32 s1, s0  }
0x34: {  	s0 =	sadd.s32 $0x8F2B, s0  }
0x35: {  	[sflag:s0] =	ssyncadd.remote.s32 $0x1  }
0x36: {  	_ =	sfence.sel $0xFFFF  }
0x37: {  	[dreg:$0x0] =	wrdreg $0xFFFFFFFF;
	(pc) =	sbr.abs _section_cstart, $3  }
0x38: {  	[dreg:$0x1] =	wrdreg $0xFFFFFFFF  }
0x39: {  	_ =	task.clear_ibuf [dreg:s7], $0x2FFFF;
	_ =	strace $0x9FFFFFFF  }
0x3a: {  	(tm) =	ssettm $0x7FFFFFFF  }
0x3b: {  	_ =	shalt  }
tec
execute0_lowered:
.L_overlay_start_1:
0x0: {  	(tag) =	ssettag $0x1  }
0x1: {  	s0 =	srdreg.scid  }
0x2: {  	s1 =	sshll.u32 s0, $0x4  }
0x3: {  	s6 =	rddreg [dreg:$0x0];
	s0 =	stileid.u32;
	s1 =	sand.u32 $0x10, s1  }
0x4: {  	s3 =	rddreg [dreg:$0x1];
	s5 =	simm.s32 $0x1;
	s1 =	sor.u32 s0, s1  }
0x5: {  	s31 =	simm.s32 $0x2;
	s13 =	simm.s32 $0x0;
	s2 =	sshll.u32 s1, $0x7  }
0x6: {  	s8 =	simm.s32 $0x4000;
	s12 =	simm.s32 $0x0;
	s4 =	ssub.s32 $0x1000, s2  }
0x7: {  	s9 =	simm.s32 $0x0;
	s11 =	simm.s32 $0x0;
	s30 =	sand.u32 $0xF80, s4  }
.Ltmp0:
0x8: {  	s6 =	sadd.s32 $0x1400, s6;
	p0 =	sne.s32 s30, $0x0;
	(pc) =	sbr.rel .LBB1_1-.Ltmp0, $4  }
0x9: {  	s1 =	rddreg [dreg:$0x2];
	s7 =	sshrl.u32 s4, $0xC;
	s5 =	simm.s32 @!p0 $0x0  }
0xa: {  	_ =	strace $0x8000004A;
	s4 =	simm.s32 $0x1;
	s5 =	sadd.s32 s5, s7  }
0xb: {  	s10 =	smov.u32 s2;
	[sflag:s4] =	ssyncpa.u1 $0x0;
	s5 =	sshll.u32 s5, $0x5  }
0xc: {  	[sflag:s31] =	ssyncpa.u1 $0x0;
	p0 =	por $0x0, $0x0;
	s7 =	sor.u32 $0x1, s5  }
.LBB1_4:
0xd: {  	[tilespmem:s17+$0x1 ss:$0x81] =	vst.msk $0xffff, v11;
	v7 =	vcombine.high v7, v9;
	v4 =	vperm.xlane.i2c.b16 v4;
	v48 =	vld [tilespmem:s16+$0x230]  }
0xe: {  	[tilespmem:s17+$0x810 ss:$0x81] =	vst.msk $0xffff, v12;
	v49 =	vcombine.low v8, v10;
	v2 =	vperm.xlane.i2c.b16 v2;
	v50 =	vld [tilespmem:s16+$0x240]  }
0xf: {  	v51 =	vcombine.high v8, v10;
	v52 =	vld [tilespmem:s16+$0x250];
	v0 =	vcombine.high v0, v1;
	[tilespmem:s17+$0x811 ss:$0x81] =	vst.msk $0xffff, v7  }
0x10: {  	v5 =	vperm.xlane.i2c.b16 v5;
	v3 =	vperm.xlane.i2c.b16 v3;
	[tilespmem:s17+$0x1020 ss:$0x81] =	vst.msk $0xffff, v49  }
0x11: {  	v54 =	vperm.xlane.i2c.b16 v6;
	v53 =	vcombine.low v4, v2;
	[tilespmem:s14+$0x3061 ss:$0x81] =	vst.msk $0xffff, v0  }
0x12: {  	v2 =	vcombine.high v4, v2;
	v55 =	vcombine.low v5, v3;
	[tilespmem:s17+$0x1021 ss:$0x81] =	vst.msk $0xffff, v51  }
0x13: {  	s15 =	sshll.u32 s13, $0xC;
	s29 =	sshll.u32 s12, $0x3;
	v57 =	vcombine.high v5, v3;
	[tilespmem:s17+$0x1830 ss:$0x81] =	vst.msk $0xffff, v53;
	v56 =	vperm.xlane.i2c.b16 v48  }
0x14: {  	s20 =	sshll.u32 s12, $0x1;
	s30 =	sshll.u32 s13, $0x7;
	s15 =	sand.u32 $0x1FF8000, s15;
	[tilespmem:s17+$0x2040 ss:$0x81] =	vst.msk $0xffff, v55;
	v58 =	vperm.xlane.i2c.b16 v50;
	v60 =	vperm.xlane.i2c.b16 v52  }
0x15: {  	s18 =	sand.u32 $0x1FFFC00, s29;
	s20 =	sand.u32 $0xF0, s20;
	s16 =	sand.u32 $0xC00, s29;
	[tilespmem:s17+$0x1831 ss:$0x81] =	vst.msk $0xffff, v2;
	v59 =	vcombine.low v54, v56  }
0x16: {  	s13 =	sand.u32 $0x300, s30;
	s15 =	sadd.s32 s18, s15;
	s16 =	sor.u32 s16, s20;
	[tilespmem:s17+$0x2041 ss:$0x81] =	vst.msk $0xffff, v57;
	v62 =	vcombine.low v58, v60  }
0x17: {  	s13 =	sor.u32 s13, s16;
	s15 =	sand.u32 $0x1FFF000, s15;
	v61 =	vcombine.high v54, v56;
	[tilespmem:s17+$0x2850 ss:$0x81] =	vst.msk $0xffff, v59  }
0x18: {  	s31 =	sand.u32 $0x7, s12;
	s13 =	sor.u32 s15, s13;
	v63 =	vcombine.high v58, v60;
	[tilespmem:s17+$0x3060 ss:$0x81] =	vst.msk $0xffff, v62  }
0x19: {  	s12 =	sshll.u32 s31, $0x12;
	s13 =	sshrl.u32 s13, $0x4;
	[tilespmem:s17+$0x2851 ss:$0x81] =	vst.msk $0xffff, v61  }
0x1a: {  	s12 =	sor.u32 $0x200, s12;
	s13 =	sadd.s32 s3, s13;
	[tilespmem:s17+$0x3061 ss:$0x81] =	vst.msk $0xffff, v63  }
0x1b: {  	[hbm4b:s13+s12] =	stream.strided.scatter [tilespmem:s19], [sflag:$0x2], $0x4000, s8, s12, $0x20;
	[tilespmem:$0x10100] =	vst v63  }
.LBB1_5:
0x1c: {  	s14 =	sadd.s32 $0x100, s9  }
0x1d: {  	s12 =	sadd.s32 $0x1000, s10;
	s16 =	smov.u32 s10;
	p2 =	sgt.s32 s14, $0x1FFF  }
0x1e: {  	s16 =	smov.u32 @p2 s12  }
0x1f: {  	s14 =	simm.s32 @p2 $0x0;
	p2 =	sgt.s32 s16, $0xFFF  }
0x20: {  	s16 =	smov.u32 @p2 s2;
	p2 =	sne.s32 s11, s7  }
.Ltmp1:
0x21: {  	p1 =	slt.u32 s11, $0x2;
	(pc) =	sbr.rel @!p2 .LBB1_6-.Ltmp1, $4  }
0x22: {  	s15 =	simm.s32 @!p1 $0x2  }
0x23: {  	s13 =	smov.u32 s9;
	p0 =	por !p0, !p0;
	_ =	swait.ge @!p1 [sflag:s15], $0x4000  }
0x24: {  	s12 =	smov.u32 s10;
	[sflag:s15] =	ssyncset.done @!p1 $0x0;
	s9 =	smov.u32 s14  }
0x25: {  	s11 =	sadd.s32 $0x1, s11;
	[sflag:s15] =	ssyncadd.s32 @!p1 $0xFFFFC000;
	s10 =	smov.u32 s16  }
.LBB1_1:
0x26: {  	p1 =	sge.u32 s11, s5  }
0x27: {  	s31 =	sadd.s32 $0xFFFFFFFF, s11;
	s14 =	sshll.u32 @!p1 s10, $0xD  }
0x28: {  	s15 =	sshll.u32 @!p1 s9, $0x3;
	s16 =	sshll.u32 @!p1 s10, $0x7;
	s17 =	sshll.u32 @!p1 s9, $0x1  }
0x29: {  	s14 =	sand.u32 @!p1 $0x1FF0000, s14;
	s16 =	sand.u32 @!p1 $0x300, s16;
	s18 =	sand.u32 @!p1 $0x1C00, s15  }
0x2a: {  	s14 =	sadd.s32 @!p1 s14, s15;
	s15 =	sand.u32 @!p1 $0xF0, s17;
	s16 =	sor.u32 @!p1 s16, s18  }
0x2b: {  	s17 =	simm.s32 @!p1 $0x8000;
	s14 =	sand.u32 @!p1 $0x1FFE000, s14;
	s15 =	sor.u32 @!p1 s15, s16  }
0x2c: {  	s16 =	sand.u32 @!p1 $0x7, s9;
	s14 =	sor.u32 @!p1 s14, s15;
	s15 =	sxor.u32 @!p1 $0xFFFFFFFF, s11  }
0x2d: {  	s16 =	sshll.u32 @!p1 s16, $0x12;
	s14 =	sshrl.u32 @!p1 s14, $0x4;
	s15 =	sshll.u32 @!p1 s15, $0xE  }
0x2e: {  	s16 =	sor.u32 @!p1 $0x400, s16;
	s14 =	sadd.s32 @!p1 s6, s14;
	s15 =	sand.u32 @!p1 $0x4000, s15  }
0x2f: {  	[tilespmem:s15], [sflag:$0x1] =	stream.strided.gather @!p1 [hbm4b:s14+s16], $0x4000, s17, s16, $0x38;
	[tilespmem:$0x10100] =	vst v63  }
0x30: {  	p1 =	sge.u32 s31, s5  }
.Ltmp2:
0x31: {  	_ = 	snop;
	(pc) =	sbr.rel @p1 .LBB1_5-.Ltmp2, $1  }
0x32: {  	_ =	sdelay $0x3  }
0x33: {  	s17 =	sand.u32 $0x1, s11;
	s14 =	simm.s32 $0x0  }
0x34: {  	_ =	swait.ge [sflag:s4], $0x4000;
	s15 =	sshll.u32 s17, $0xE;
	s16 =	sand.u32 $0x3C00, s14  }
0x35: {  	[sflag:s4] =	ssyncset.done $0x0;
	s14 =	sand.u32 $0x180, s14;
	s16 =	sadd.s32 s16, s15  }
0x36: {  	[sflag:s4] =	ssyncadd.s32 $0xFFFFC000;
	s19 =	sadd.s32 s14, s16  }
0x37: {  	v0 =	vld [tilespmem:s19+$0x260]  }
0x38: {  	v1 =	vld [tilespmem:s19+$0x270]  }
0x39: {  	v2 =	vld [tilespmem:s19+$0x0]  }
0x3a: {  	v3 =	vld [tilespmem:s19+$0x10]  }
0x3b: {  	v4 =	vld [tilespmem:s19+$0x20]  }
0x3c: {  	s14 =	simm.s32 $0x1;
	v5 =	vld [tilespmem:s19+$0x30]  }
0x3d: {  	s14 =	simm.s32 @!p0 $0x0;
	v6 =	vld [tilespmem:s19+$0x40]  }
0x3e: {  	v7 =	vld [tilespmem:s19+$0x50];
	s14 =	smul.u32 $0x10200, s14;
	v1 =	vperm.xlane.i2c.b16 v1;
	v0 =	vperm.xlane.i2c.b16 v0  }
0x3f: {  	v8 =	vld [tilespmem:s19+$0x60];
	v2 =	vperm.xlane.i2c.b16 v2;
	v3 =	vperm.xlane.i2c.b16 v3  }
0x40: {  	v10 =	vld [tilespmem:s19+$0x70];
	s14 =	sshrl.u32 s14, $0x2;
	v9 =	vcombine.low v0, v1;
	v0 =	vcombine.high v0, v1  }
0x41: {  	s14 =	sor.u32 $0x8000, s14;
	v1 =	vperm.xlane.i2c.b16 v5;
	v5 =	vld [tilespmem:s19+$0x200];
	v11 =	vcombine.low v2, v3  }
0x42: {  	v4 =	vperm.xlane.i2c.b16 v4;
	v2 =	vcombine.high v2, v3;
	v3 =	vld [tilespmem:s19+$0x210];
	[tilespmem:s14+$0x3870 ss:$0x81] =	vst.msk $0xffff, v9  }
0x43: {  	s30 =	simm.s32 $0x100;
	v6 =	vperm.xlane.i2c.b16 v6;
	v7 =	vperm.xlane.i2c.b16 v7;
	v9 =	vld [tilespmem:s19+$0x220];
	[tilespmem:s14+$0x0 ss:$0x81] =	vst.msk $0xffff, v11  }
0x44: {  	s18 =	simm.s32 $0x80;
	s16 =	sand.u32 $0x3C00, s30;
	[tilespmem:s14+$0x3871 ss:$0x81] =	vst.msk $0xffff, v0;
	v0 =	vcombine.low v4, v1;
	v1 =	vcombine.high v4, v1;
	v4 =	vld [tilespmem:s19+$0x230]  }
0x45: {  	s20 =	sand.u32 $0x180, s18;
	s16 =	sadd.s32 s16, s15;
	[tilespmem:s14+$0x1 ss:$0x81] =	vst.msk $0xffff, v2;
	v2 =	vperm.xlane.i2c.b16 v8;
	v8 =	vperm.xlane.i2c.b16 v10;
	v10 =	vld [tilespmem:s19+$0x240]  }
0x46: {  	s16 =	sadd.s32 s20, s16;
	[tilespmem:s14+$0x810 ss:$0x81] =	vst.msk $0xffff, v0;
	v0 =	vcombine.low v6, v7;
	v6 =	vcombine.high v6, v7;
	v7 =	vld [tilespmem:s19+$0x250]  }
0x47: {  	v11 =	vcombine.low v2, v8;
	v2 =	vcombine.high v2, v8;
	v8 =	vld [tilespmem:s16+$0x0];
	[tilespmem:s14+$0x811 ss:$0x81] =	vst.msk $0xffff, v1  }
0x48: {  	v1 =	vperm.xlane.i2c.b16 v5;
	v5 =	vld [tilespmem:s16+$0x260];
	[tilespmem:s14+$0x1020 ss:$0x81] =	vst.msk $0xffff, v0;
	v0 =	vperm.xlane.i2c.b16 v3  }
0x49: {  	v3 =	vld [tilespmem:s16+$0x270];
	[tilespmem:s14+$0x1021 ss:$0x81] =	vst.msk $0xffff, v6;
	v6 =	vperm.xlane.i2c.b16 v9  }
0x4a: {  	[tilespmem:s14+$0x1830 ss:$0x81] =	vst.msk $0xffff, v11;
	v11 =	vld [tilespmem:s16+$0x10];
	v4 =	vperm.xlane.i2c.b16 v4;
	v9 =	vcombine.low v1, v0  }
0x4b: {  	v12 =	vcombine.high v1, v0;
	v0 =	vperm.xlane.i2c.b16 v10  }
0x4c: {  	[tilespmem:s14+$0x1831 ss:$0x81] =	vst.msk $0xffff, v2;
	v2 =	vld [tilespmem:s16+$0x20];
	v10 =	vcombine.low v6, v4;
	v1 =	vperm.xlane.i2c.b16 v7  }
0x4d: {  	v4 =	vcombine.high v6, v4;
	v8 =	vperm.xlane.i2c.b16 v8;
	[tilespmem:s14+$0x2040 ss:$0x81] =	vst.msk $0xffff, v9;
	v9 =	vld [tilespmem:s16+$0x30]  }
0x4e: {  	v6 =	vld [tilespmem:s16+$0x40];
	v5 =	vperm.xlane.i2c.b16 v5;
	[tilespmem:s14+$0x2041 ss:$0x81] =	vst.msk $0xffff, v12;
	v3 =	vperm.xlane.i2c.b16 v3  }
0x4f: {  	[tilespmem:s14+$0x2850 ss:$0x81] =	vst.msk $0xffff, v10;
	v10 =	vld [tilespmem:s16+$0x50];
	v12 =	vcombine.low v0, v1;
	v11 =	vperm.xlane.i2c.b16 v11  }
0x50: {  	[tilespmem:s14+$0x2851 ss:$0x81] =	vst.msk $0xffff, v4;
	v4 =	vld [tilespmem:s16+$0x60];
	v13 =	vcombine.low v5, v3  }
0x51: {  	s31 =	smul.u32 $0x10200, s17;
	s17 =	sadd.s32 $0x2, s14;
	v7 =	vperm.xlane.i2c.b16 v2;
	v2 =	vld [tilespmem:s16+$0x70];
	[tilespmem:s14+$0x3060 ss:$0x81] =	vst.msk $0xffff, v12;
	v12 =	vcombine.low v8, v11  }
0x52: {  	v14 =	vcombine.high v5, v3;
	v5 =	vld [tilespmem:s16+$0x200];
	v9 =	vperm.xlane.i2c.b16 v9;
	[tilespmem:s17+$0x3870 ss:$0x81] =	vst.msk $0xffff, v13  }
0x53: {  	s19 =	sshrl.u32 s31, $0x2;
	v11 =	vcombine.high v8, v11;
	v3 =	vld [tilespmem:s16+$0x210];
	v8 =	vperm.xlane.i2c.b16 v6;
	[tilespmem:s17+$0x0 ss:$0x81] =	vst.msk $0xffff, v12  }
0x54: {  	s21 =	simm.s32 $0x200;
	s20 =	simm.s32 $0x2;
	s19 =	sor.u32 $0x8000, s19;
	v6 =	vld [tilespmem:s16+$0x220];
	[tilespmem:s17+$0x3871 ss:$0x81] =	vst.msk $0xffff, v14;
	v10 =	vperm.xlane.i2c.b16 v10;
	v12 =	vcombine.low v7, v9  }
.LBB1_3:
0x55: {  	s22 =	sand.u32 $0x3C00, s21;
	[tilespmem:s17+$0x1 ss:$0x81] =	vst.msk $0xffff, v11;
	v7 =	vcombine.high v7, v9;
	v4 =	vperm.xlane.i2c.b16 v4;
	v9 =	vld [tilespmem:s16+$0x230];
	s18 =	sadd.s32 $0x80, s18  }
0x56: {  	v11 =	vcombine.low v8, v10;
	v2 =	vperm.xlane.i2c.b16 v2;
	s23 =	sand.u32 $0x180, s18;
	s22 =	sadd.s32 s22, s15;
	[tilespmem:s17+$0x810 ss:$0x81] =	vst.msk $0xffff, v12;
	v12 =	vld [tilespmem:s16+$0x240]  }
0x57: {  	s20 =	sadd.s32 $0x2, s20;
	v5 =	vperm.xlane.i2c.b16 v5;
	[tilespmem:s17+$0x811 ss:$0x81] =	vst.msk $0xffff, v7;
	v7 =	vcombine.high v8, v10;
	v8 =	vld [tilespmem:s16+$0x250];
	s16 =	sadd.s32 s23, s22  }
0x58: {  	v3 =	vperm.xlane.i2c.b16 v3;
	p1 =	slt.u32 s20, $0x7E;
	v10 =	vld [tilespmem:s16+$0x260];
	[tilespmem:s17+$0x1020 ss:$0x81] =	vst.msk $0xffff, v11;
	v11 =	vcombine.low v4, v2  }
0x59: {  	v2 =	vcombine.high v4, v2;
	v4 =	vperm.xlane.i2c.b16 v6;
	v13 =	vld [tilespmem:s16+$0x270];
	[tilespmem:s17+$0x1021 ss:$0x81] =	vst.msk $0xffff, v7  }
0x5a: {  	v7 =	vcombine.low v5, v3;
	v6 =	vld [tilespmem:s16+$0x0];
	[tilespmem:s17+$0x1830 ss:$0x81] =	vst.msk $0xffff, v11;
	v9 =	vperm.xlane.i2c.b16 v9  }
0x5b: {  	v11 =	vld [tilespmem:s16+$0x10];
	[tilespmem:s17+$0x1831 ss:$0x81] =	vst.msk $0xffff, v2;
	v2 =	vcombine.high v5, v3;
	v3 =	vperm.xlane.i2c.b16 v12  }
0x5c: {  	v5 =	vld [tilespmem:s16+$0x20];
	[tilespmem:s17+$0x2040 ss:$0x81] =	vst.msk $0xffff, v7;
	v7 =	vcombine.low v4, v9;
	v8 =	vperm.xlane.i2c.b16 v8  }
0x5d: {  	v12 =	vld [tilespmem:s16+$0x30];
	[tilespmem:s17+$0x2041 ss:$0x81] =	vst.msk $0xffff, v2;
	v2 =	vcombine.high v4, v9;
	v9 =	vcombine.high v0, v1;
	v0 =	vmov v3  }
0x5e: {  	v10 =	vperm.xlane.i2c.b16 v10;
	v3 =	vld [tilespmem:s16+$0x40];
	v13 =	vperm.xlane.i2c.b16 v13;
	[tilespmem:s17+$0x2850 ss:$0x81] =	vst.msk $0xffff, v7;
	v1 =	vmov v8  }
0x5f: {  	v6 =	vperm.xlane.i2c.b16 v6;
	v14 =	vld [tilespmem:s16+$0x50];
	[tilespmem:s17+$0x2851 ss:$0x81] =	vst.msk $0xffff, v2;
	v8 =	vcombine.low v0, v1  }
.Ltmp3:
0x60: {  	v11 =	vperm.xlane.i2c.b16 v11;
	v4 =	vld [tilespmem:s16+$0x60];
	v15 =	vcombine.low v10, v13;
	[tilespmem:s14+$0x3061 ss:$0x81] =	vst.msk $0xffff, v9;
	s14 =	smov.u32 s17;
	(pc) =	sbr.rel @p1 .LBB1_3-.Ltmp3, $4  }
0x61: {  	v10 =	vcombine.high v10, v13;
	s17 =	sadd.s32 $0x2, s17;
	v7 =	vperm.xlane.i2c.b16 v5;
	v2 =	vld [tilespmem:s16+$0x70];
	[tilespmem:s14+$0x3060 ss:$0x81] =	vst.msk $0xffff, v8  }
0x62: {  	v13 =	vcombine.low v6, v11;
	v9 =	vperm.xlane.i2c.b16 v12;
	v5 =	vld [tilespmem:s16+$0x200];
	[tilespmem:s17+$0x3870 ss:$0x81] =	vst.msk $0xffff, v15  }
0x63: {  	v11 =	vcombine.high v6, v11;
	v8 =	vperm.xlane.i2c.b16 v3;
	v3 =	vld [tilespmem:s16+$0x210];
	[tilespmem:s17+$0x3871 ss:$0x81] =	vst.msk $0xffff, v10  }
0x64: {  	s21 =	sadd.s32 $0x100, s21;
	[tilespmem:s17+$0x0 ss:$0x81] =	vst.msk $0xffff, v13;
	v12 =	vcombine.low v7, v9;
	v10 =	vperm.xlane.i2c.b16 v14;
	v6 =	vld [tilespmem:s16+$0x220]  }
.Ltmp4:
0x65: {  	_ = 	snop;
	(pc) =	sbr.rel .LBB1_4-.Ltmp4, $1  }
0x66: {  	_ =	sdelay $0x3  }
.LBB1_6:
0x67: {  	_ =	sfence.sel $0x180000  }
0x68: {  	s2 =	simm.s32 $0x1;
	[bflag:$0x0] =	sbarrier.arrive $0xFFFF  }
0x69: {  	s31 =	simm.s32 $0x2;
	[sflag:s2] =	ssyncpa.u1 $0x1  }
0x6a: {  	[sflag:s31] =	ssyncpa.u1 $0x1  }
0x6b: {  	p0 =	sne.s32 s0, $0x0;
	_ =	strace $0x9000004A  }
0x6c: {  	s0 =	sadd.s32 @!p0 $0x100000, s1;
	[bflag:$0x2] =	sbarrier.arrive $0xFFFF  }
0x6d: {  	[sflag:s0] =	ssyncadd.tile.s32 @!p0 $0x1;
	_ =	shalt  }
.Lfunc_end1:
_tile_overlayer_lowered:
.L_overlay_start_2:
0x6e: {  	(tag) =	ssettag $0x2  }
0x6f: {  	s0 =	rddreg [dreg:$0x0];
	s2 =	stileid.u32  }
0x70: {  	s1 =	rddreg [dreg:$0x1];
	p0 =	sne.s32 s2, $0x0  }
0x71: {  	s3 =	rddreg [dreg:$0x2];
	[bflag:$0x3] =	sbarrier.arrive $0xFFFF;
	s2 =	simm.s32 @!p0 $0x1C01  }
0x72: {  	[timem:s3], [sflag:s2] =	dma.local @!p0 [hbm:s0], s1  }
0x73: {  	s0 =	simm.s32 @!p0 $0x1  }
0x74: {  	_ =	swait.ge @!p0 [sflag:s0], s1  }
0x75: {  	s1 =	ssub.s32 @!p0 $0x0, s1;
	[sflag:s0] =	ssyncset.done @!p0 $0x0  }
0x76: {  	[sflag:s0] =	ssyncadd.s32 @!p0 s1  }
0x77: {  	[bflag:$0x3] =	sbarrier.arrive $0xFFFF  }
0x78: {  	_ =	shalt  }

</sc_bundles>
